<compile_context>
chip_gen: v7x
topology: tpu7x:2x2x1
jax: 0.10.2.dev20260603
libtpu: 0.0.44.dev20260713+nightly
codegen_flags: <defaults>
</compile_context>

<pallas_src>
import functools

import jax
import jax.numpy as jnp
from jax import lax
from jax.experimental import pallas as pl
from jax.experimental.pallas import tpu as pltpu
from jax.experimental.pallas import tpu_sc as plsc

_NUM_CORES = 2
_NUM_SUBCORES = 16
_NUM_WORKERS = _NUM_CORES * _NUM_SUBCORES
_LANES = 16

_VPAD = 24
_DPAD = 128
_BBLK = 128
_STRIDE = 129


def _project_body(emb_ref, w_ref, b_ref, out_ref):
    out_ref[...] = lax.dot_general(
        emb_ref[...], w_ref[...],
        dimension_numbers=(((1,), (1,)), ((), ())),
        preferred_element_type=jnp.float32,
    ) + b_ref[...]


def _project_table(embed_table, proj_w, proj_b):
    emb = jnp.pad(embed_table, ((0, _VPAD - embed_table.shape[0]), (0, 0)))
    w = jnp.pad(proj_w, ((0, _DPAD - proj_w.shape[0]), (0, 0)))
    b = jnp.pad(proj_b, (0, _DPAD - proj_b.shape[0])).reshape(1, _DPAD)
    return pl.pallas_call(
        _project_body,
        out_shape=jax.ShapeDtypeStruct((_VPAD, _DPAD), jnp.float32),
    )(emb, w, b)


def _sc_lookup(table_proj, x_flat, bsz, seq, d):
    rows_per_worker = bsz // _NUM_WORKERS
    n_blocks = rows_per_worker // _BBLK
    xblk_words = _BBLK * seq
    half_seq = seq // 2

    mesh = plsc.VectorSubcoreMesh(
        core_axis_name="c", subcore_axis_name="s")

    @functools.partial(
        pl.kernel,
        out_type=jax.ShapeDtypeStruct((seq, d, bsz), jnp.float32),
        mesh=mesh,
        scratch_types=[
            pltpu.VMEM((_VPAD, _DPAD), jnp.float32),
            pltpu.VMEM((_VPAD * _STRIDE,), jnp.float32),
            pltpu.VMEM((xblk_words,), jnp.int32),
            pltpu.VMEM((2, d, _BBLK), jnp.float32),
            [pltpu.SemaphoreType.DMA] * 2,
        ],
        compiler_params=pltpu.CompilerParams(
            use_tc_tiling_on_sc=True, needs_layout_passes=False),
    )
    def lookup(table_hbm, x_hbm, out_hbm, table_v, table_f, xv, obuf, osem):
        wid = lax.axis_index("s") * _NUM_CORES + lax.axis_index("c")
        b0 = wid * rows_per_worker

        pltpu.sync_copy(table_hbm, table_v)
        lane = lax.broadcasted_iota(jnp.int32, (_LANES,), 0)
        for v in range(_VPAD):
            for c in range(d // _LANES):
                vals = table_v[v, pl.ds(c * _LANES, _LANES)]
                plsc.store_scatter(
                    table_f, [v * _STRIDE + c * _LANES + lane], vals)

        lane_off = lane * seq

        def write(l, p, bchunk):
            return pltpu.make_async_copy(
                obuf.at[p], out_hbm.at[l, :, pl.ds(bchunk, _BBLK)], osem[p])

        def build(l, p):
            bases = [
                plsc.load_gather(xv, [lane_off + (l + j * _LANES * seq)])
                * _STRIDE
                for j in range(_BBLK // _LANES)
            ]

            @plsc.parallel_loop(0, d, unroll=16)
            def _(dd):
                col = jnp.broadcast_to(dd, (_LANES,)).astype(jnp.int32)
                for j in range(_BBLK // _LANES):
                    vals = plsc.load_gather(table_f, [bases[j] + col])
                    obuf[p, dd, pl.ds(j * _LANES, _LANES)] = vals

        def body_block(bb):
            bchunk = pl.multiple_of(b0 + bb * _BBLK, _BBLK)
            pltpu.sync_copy(
                x_hbm.at[pl.ds(pl.multiple_of(bchunk * seq, 8),
                               xblk_words)], xv)

            def body(g, carry):
                for u in (0, 1):
                    l = 2 * g + u
                    p = u
                    @pl.when(jnp.logical_or(g >= 1, bb > 0))
                    def _():
                        write(l, p, bchunk).wait()
                    build(l, p)
                    write(l, p, bchunk).start()
                return carry

            lax.fori_loop(0, half_seq, body, 0)

        def blocks(bb, carry):
            body_block(bb)
            return carry

        lax.fori_loop(0, n_blocks, blocks, 0)

        lastchunk = pl.multiple_of(b0 + (n_blocks - 1) * _BBLK, _BBLK)
        write(seq - 2, 0, lastchunk).wait()
        write(seq - 1, 1, lastchunk).wait()

    return lookup(table_proj, x_flat)


def kernel(x, embed_table, proj_w, proj_b):
    bsz, seq = x.shape
    d = embed_table.shape[1]
    table_proj = _project_table(embed_table, proj_w, proj_b)
    x_flat = x.reshape(-1).astype(jnp.int32)
    out_t = _sc_lookup(table_proj, x_flat, bsz, seq, d)
    return jnp.transpose(out_t, (2, 0, 1))

# --- scband reference (transcript-rebuilt; emitter-appended) ---
"""Pipeline reference for scband-stub-action-encoder-78950088835516 (READ-ONLY COPY).

The authoritative reference and input builder live on the scoring server;
editing this copy changes nothing except your own understanding.
"""

import jax, jax.numpy as jnp
import numpy as np

DIM = 64
VOCAB = 17

def setup_inputs(seed: int = 0) -> dict:
    key = jax.random.key(seed)
    k1, k2, k3, k4 = jax.random.split(key, 4)
    x = jax.random.randint(k1, (16384, 200), 0, VOCAB, dtype=jnp.int64 if jax.config.jax_enable_x64 else jnp.int32)
    embed_table = jax.random.normal(k2, (VOCAB, DIM), dtype=jnp.float32)
    bound = 1.0 / np.sqrt(DIM)
    proj_w = jax.random.uniform(k3, (DIM, DIM), minval=-bound, maxval=bound, dtype=jnp.float32)
    proj_b = jax.random.uniform(k4, (DIM,), minval=-bound, maxval=bound, dtype=jnp.float32)
    return {"x": x, "embed_table": embed_table, "proj_w": proj_w, "proj_b": proj_b}

def reference(x, embed_table, proj_w, proj_b):
    # nn.Embedding: gather rows
    e = jnp.take(embed_table, x, axis=0)  # [B, L, DIM]
    # nn.Linear: y = e @ W^T + b
    out = jnp.einsum('bld,od->blo', e, proj_w) + proj_b
    return out

if __name__ == "__main__":
    import jax
    _d = setup_inputs()
    print(jax.jit(kernel)(*tuple(_d.values())))

</pallas_src>

<mosaic_0001>
#map = affine_map<(d0, d1) -> (0, 0)>
#map1 = affine_map<(d0, d1) -> (0)>
#map2 = affine_map<(d0, d1) -> (0, 0, 0)>
module attributes {stable_mosaic.version = 14 : i64} {
  func.func @lookup(%arg0: i32, %arg1: i32, %arg2: memref<24x128xf32, #tpu.memory_space<hbm>>, %arg3: memref<3276800xi32, #tpu.memory_space<hbm>>, %arg4: memref<200x64x16384xf32, #tpu.memory_space<hbm>>, %arg5: memref<24x128xf32, #tpu.memory_space<vmem>>, %arg6: memref<3096xf32, #tpu.memory_space<vmem>>, %arg7: memref<25600xi32, #tpu.memory_space<vmem>>, %arg8: memref<2x64x128xf32, #tpu.memory_space<vmem>>, %arg9: memref<!tpu.dma_semaphore, #tpu.memory_space<semaphore_mem>>, %arg10: memref<!tpu.dma_semaphore, #tpu.memory_space<semaphore_mem>>) attributes {dimension_semantics = [#tpu.dimension_semantics<core_parallel>, #tpu.dimension_semantics<subcore_parallel>], iteration_bounds = array<i64: 2, 16>, scalar_prefetch = 0 : i64, scratch_operands = 6 : i64, tpu.core_type = #tpu.core_type<sc_vector_subcore>, window_params = [{transform_indices = #map}, {transform_indices = #map1}, {transform_indices = #map2}]} {
    %mul3A = arith.constant 2 : i32
    %mul3A_0 = arith.muli %arg1, %mul3A : i32
    %add3A = arith.addi %mul3A_0, %arg0 : i32
    %mul3A_1 = arith.constant 512 : i32
    %mul3A_2 = arith.muli %add3A, %mul3A_1 : i32
    "tpu.region"() ({
      %run_scoped3A = tpu.sem_alloc : memref<!tpu.dma_semaphore, #tpu.memory_space<semaphore_mem>>
      tpu.enqueue_dma source(%arg2 : memref<24x128xf32, #tpu.memory_space<hbm>>) target(%arg5 : memref<24x128xf32, #tpu.memory_space<vmem>>) target_semaphore(%run_scoped3A : memref<!tpu.dma_semaphore, #tpu.memory_space<semaphore_mem>>)
      tpu.wait_dma2 semaphore(%run_scoped3A : memref<!tpu.dma_semaphore, #tpu.memory_space<semaphore_mem>>) src(%arg2 : memref<24x128xf32, #tpu.memory_space<hbm>>) dst(%arg5 : memref<24x128xf32, #tpu.memory_space<vmem>>)
      tpu.yield
    }) : () -> ()
    %iota3A = tpu.iota {dimensions = array<i32: 0>} : vector<16xi32>
    %get3A = arith.constant 0 : i32
    %get3A_3 = arith.index_cast %get3A : i32 to index
    %get3A_4 = arith.constant 0 : index
    %get3A_5 = tpu.vector_load %arg5[%get3A_3, %get3A_4] {strides = array<i32>} : memref<24x128xf32, #tpu.memory_space<vmem>>, vector<16xf32>,
    %add3A_6 = arith.constant 0 : i32
    %add3A_7 = vector.broadcast %add3A_6 : i32 to vector<16xi32>
    %add3A_8 = arith.addi %add3A_7, %iota3A : vector<16xi32>
    tpu.vector_store_idx %arg6[%add3A_8], %get3A_5 : memref<3096xf32, #tpu.memory_space<vmem>>[vector<16xi32>], vector<16xf32>,
    %get3A_9 = arith.constant 0 : i32
    %get3A_10 = arith.index_cast %get3A_9 : i32 to index
    %get3A_11 = arith.constant 16 : index
    %get3A_12 = tpu.vector_load %arg5[%get3A_10, %get3A_11] {strides = array<i32>} : memref<24x128xf32, #tpu.memory_space<vmem>>, vector<16xf32>,
    %add3A_13 = arith.constant 16 : i32
    %add3A_14 = vector.broadcast %add3A_13 : i32 to vector<16xi32>
    %add3A_15 = arith.addi %add3A_14, %iota3A : vector<16xi32>
    tpu.vector_store_idx %arg6[%add3A_15], %get3A_12 : memref<3096xf32, #tpu.memory_space<vmem>>[vector<16xi32>], vector<16xf32>,
    %get3A_16 = arith.constant 0 : i32
    %get3A_17 = arith.index_cast %get3A_16 : i32 to index
    %get3A_18 = arith.constant 32 : index
    %get3A_19 = tpu.vector_load %arg5[%get3A_17, %get3A_18] {strides = array<i32>} : memref<24x128xf32, #tpu.memory_space<vmem>>, vector<16xf32>,
    %add3A_20 = arith.constant 32 : i32
    %add3A_21 = vector.broadcast %add3A_20 : i32 to vector<16xi32>
    %add3A_22 = arith.addi %add3A_21, %iota3A : vector<16xi32>
    tpu.vector_store_idx %arg6[%add3A_22], %get3A_19 : memref<3096xf32, #tpu.memory_space<vmem>>[vector<16xi32>], vector<16xf32>,
    %get3A_23 = arith.constant 0 : i32
    %get3A_24 = arith.index_cast %get3A_23 : i32 to index
    %get3A_25 = arith.constant 48 : index
    %get3A_26 = tpu.vector_load %arg5[%get3A_24, %get3A_25] {strides = array<i32>} : memref<24x128xf32, #tpu.memory_space<vmem>>, vector<16xf32>,
    %add3A_27 = arith.constant 48 : i32
    %add3A_28 = vector.broadcast %add3A_27 : i32 to vector<16xi32>
    %add3A_29 = arith.addi %add3A_28, %iota3A : vector<16xi32>
    tpu.vector_store_idx %arg6[%add3A_29], %get3A_26 : memref<3096xf32, #tpu.memory_space<vmem>>[vector<16xi32>], vector<16xf32>,
    %get3A_30 = arith.constant 1 : i32
    %get3A_31 = arith.index_cast %get3A_30 : i32 to index
    %get3A_32 = arith.constant 0 : index
    %get3A_33 = tpu.vector_load %arg5[%get3A_31, %get3A_32] {strides = array<i32>} : memref<24x128xf32, #tpu.memory_space<vmem>>, vector<16xf32>,
    %add3A_34 = arith.constant 129 : i32
    %add3A_35 = vector.broadcast %add3A_34 : i32 to vector<16xi32>
    %add3A_36 = arith.addi %add3A_35, %iota3A : vector<16xi32>
    tpu.vector_store_idx %arg6[%add3A_36], %get3A_33 : memref<3096xf32, #tpu.memory_space<vmem>>[vector<16xi32>], vector<16xf32>,
    %get3A_37 = arith.constant 1 : i32
    %get3A_38 = arith.index_cast %get3A_37 : i32 to index
    %get3A_39 = arith.constant 16 : index
    %get3A_40 = tpu.vector_load %arg5[%get3A_38, %get3A_39] {strides = array<i32>} : memref<24x128xf32, #tpu.memory_space<vmem>>, vector<16xf32>,
    %add3A_41 = arith.constant 145 : i32
    %add3A_42 = vector.broadcast %add3A_41 : i32 to vector<16xi32>
    %add3A_43 = arith.addi %add3A_42, %iota3A : vector<16xi32>
    tpu.vector_store_idx %arg6[%add3A_43], %get3A_40 : memref<3096xf32, #tpu.memory_space<vmem>>[vector<16xi32>], vector<16xf32>,
    %get3A_44 = arith.constant 1 : i32
    %get3A_45 = arith.index_cast %get3A_44 : i32 to index
    %get3A_46 = arith.constant 32 : index
    %get3A_47 = tpu.vector_load %arg5[%get3A_45, %get3A_46] {strides = array<i32>} : memref<24x128xf32, #tpu.memory_space<vmem>>, vector<16xf32>,
    %add3A_48 = arith.constant 161 : i32
    %add3A_49 = vector.broadcast %add3A_48 : i32 to vector<16xi32>
    %add3A_50 = arith.addi %add3A_49, %iota3A : vector<16xi32>
    tpu.vector_store_idx %arg6[%add3A_50], %get3A_47 : memref<3096xf32, #tpu.memory_space<vmem>>[vector<16xi32>], vector<16xf32>,
    %get3A_51 = arith.constant 1 : i32
    %get3A_52 = arith.index_cast %get3A_51 : i32 to index
    %get3A_53 = arith.constant 48 : index
    %get3A_54 = tpu.vector_load %arg5[%get3A_52, %get3A_53] {strides = array<i32>} : memref<24x128xf32, #tpu.memory_space<vmem>>, vector<16xf32>,
    %add3A_55 = arith.constant 177 : i32
    %add3A_56 = vector.broadcast %add3A_55 : i32 to vector<16xi32>
    %add3A_57 = arith.addi %add3A_56, %iota3A : vector<16xi32>
    tpu.vector_store_idx %arg6[%add3A_57], %get3A_54 : memref<3096xf32, #tpu.memory_space<vmem>>[vector<16xi32>], vector<16xf32>,
    %get3A_58 = arith.constant 2 : i32
    %get3A_59 = arith.index_cast %get3A_58 : i32 to index
    %get3A_60 = arith.constant 0 : index
    %get3A_61 = tpu.vector_load %arg5[%get3A_59, %get3A_60] {strides = array<i32>} : memref<24x128xf32, #tpu.memory_space<vmem>>, vector<16xf32>,
    %add3A_62 = arith.constant 258 : i32
    %add3A_63 = vector.broadcast %add3A_62 : i32 to vector<16xi32>
    %add3A_64 = arith.addi %add3A_63, %iota3A : vector<16xi32>
    tpu.vector_store_idx %arg6[%add3A_64], %get3A_61 : memref<3096xf32, #tpu.memory_space<vmem>>[vector<16xi32>], vector<16xf32>,
    %get3A_65 = arith.constant 2 : i32
    %get3A_66 = arith.index_cast %get3A_65 : i32 to index
    %get3A_67 = arith.constant 16 : index
    %get3A_68 = tpu.vector_load %arg5[%get3A_66, %get3A_67] {strides = array<i32>} : memref<24x128xf32, #tpu.memory_space<vmem>>, vector<16xf32>,
    %add3A_69 = arith.constant 274 : i32
    %add3A_70 = vector.broadcast %add3A_69 : i32 to vector<16xi32>
    %add3A_71 = arith.addi %add3A_70, %iota3A : vector<16xi32>
    tpu.vector_store_idx %arg6[%add3A_71], %get3A_68 : memref<3096xf32, #tpu.memory_space<vmem>>[vector<16xi32>], vector<16xf32>,
    %get3A_72 = arith.constant 2 : i32
    %get3A_73 = arith.index_cast %get3A_72 : i32 to index
    %get3A_74 = arith.constant 32 : index
    %get3A_75 = tpu.vector_load %arg5[%get3A_73, %get3A_74] {strides = array<i32>} : memref<24x128xf32, #tpu.memory_space<vmem>>, vector<16xf32>,
    %add3A_76 = arith.constant 290 : i32
    %add3A_77 = vector.broadcast %add3A_76 : i32 to vector<16xi32>
    %add3A_78 = arith.addi %add3A_77, %iota3A : vector<16xi32>
    tpu.vector_store_idx %arg6[%add3A_78], %get3A_75 : memref<3096xf32, #tpu.memory_space<vmem>>[vector<16xi32>], vector<16xf32>,
    %get3A_79 = arith.constant 2 : i32
    %get3A_80 = arith.index_cast %get3A_79 : i32 to index
    %get3A_81 = arith.constant 48 : index
    %get3A_82 = tpu.vector_load %arg5[%get3A_80, %get3A_81] {strides = array<i32>} : memref<24x128xf32, #tpu.memory_space<vmem>>, vector<16xf32>,
    %add3A_83 = arith.constant 306 : i32
    %add3A_84 = vector.broadcast %add3A_83 : i32 to vector<16xi32>
    %add3A_85 = arith.addi %add3A_84, %iota3A : vector<16xi32>
    tpu.vector_store_idx %arg6[%add3A_85], %get3A_82 : memref<3096xf32, #tpu.memory_space<vmem>>[vector<16xi32>], vector<16xf32>,
    %get3A_86 = arith.constant 3 : i32
    %get3A_87 = arith.index_cast %get3A_86 : i32 to index
    %get3A_88 = arith.constant 0 : index
    %get3A_89 = tpu.vector_load %arg5[%get3A_87, %get3A_88] {strides = array<i32>} : memref<24x128xf32, #tpu.memory_space<vmem>>, vector<16xf32>,
    %add3A_90 = arith.constant 387 : i32
    %add3A_91 = vector.broadcast %add3A_90 : i32 to vector<16xi32>
    %add3A_92 = arith.addi %add3A_91, %iota3A : vector<16xi32>
    tpu.vector_store_idx %arg6[%add3A_92], %get3A_89 : memref<3096xf32, #tpu.memory_space<vmem>>[vector<16xi32>], vector<16xf32>,
    %get3A_93 = arith.constant 3 : i32
    %get3A_94 = arith.index_cast %get3A_93 : i32 to index
    %get3A_95 = arith.constant 16 : index
    %get3A_96 = tpu.vector_load %arg5[%get3A_94, %get3A_95] {strides = array<i32>} : memref<24x128xf32, #tpu.memory_space<vmem>>, vector<16xf32>,
    %add3A_97 = arith.constant 403 : i32
    %add3A_98 = vector.broadcast %add3A_97 : i32 to vector<16xi32>
    %add3A_99 = arith.addi %add3A_98, %iota3A : vector<16xi32>
    tpu.vector_store_idx %arg6[%add3A_99], %get3A_96 : memref<3096xf32, #tpu.memory_space<vmem>>[vector<16xi32>], vector<16xf32>,
    %get3A_100 = arith.constant 3 : i32
    %get3A_101 = arith.index_cast %get3A_100 : i32 to index
    %get3A_102 = arith.constant 32 : index
    %get3A_103 = tpu.vector_load %arg5[%get3A_101, %get3A_102] {strides = array<i32>} : memref<24x128xf32, #tpu.memory_space<vmem>>, vector<16xf32>,
    %add3A_104 = arith.constant 419 : i32
    %add3A_105 = vector.broadcast %add3A_104 : i32 to vector<16xi32>
    %add3A_106 = arith.addi %add3A_105, %iota3A : vector<16xi32>
    tpu.vector_store_idx %arg6[%add3A_106], %get3A_103 : memref<3096xf32, #tpu.memory_space<vmem>>[vector<16xi32>], vector<16xf32>,
    %get3A_107 = arith.constant 3 : i32
    %get3A_108 = arith.index_cast %get3A_107 : i32 to index
    %get3A_109 = arith.constant 48 : index
    %get3A_110 = tpu.vector_load %arg5[%get3A_108, %get3A_109] {strides = array<i32>} : memref<24x128xf32, #tpu.memory_space<vmem>>, vector<16xf32>,
    %add3A_111 = arith.constant 435 : i32
    %add3A_112 = vector.broadcast %add3A_111 : i32 to vector<16xi32>
    %add3A_113 = arith.addi %add3A_112, %iota3A : vector<16xi32>
    tpu.vector_store_idx %arg6[%add3A_113], %get3A_110 : memref<3096xf32, #tpu.memory_space<vmem>>[vector<16xi32>], vector<16xf32>,
    %get3A_114 = arith.constant 4 : i32
    %get3A_115 = arith.index_cast %get3A_114 : i32 to index
    %get3A_116 = arith.constant 0 : index
    %get3A_117 = tpu.vector_load %arg5[%get3A_115, %get3A_116] {strides = array<i32>} : memref<24x128xf32, #tpu.memory_space<vmem>>, vector<16xf32>,
    %add3A_118 = arith.constant 516 : i32
    %add3A_119 = vector.broadcast %add3A_118 : i32 to vector<16xi32>
    %add3A_120 = arith.addi %add3A_119, %iota3A : vector<16xi32>
    tpu.vector_store_idx %arg6[%add3A_120], %get3A_117 : memref<3096xf32, #tpu.memory_space<vmem>>[vector<16xi32>], vector<16xf32>,
    %get3A_121 = arith.constant 4 : i32
    %get3A_122 = arith.index_cast %get3A_121 : i32 to index
    %get3A_123 = arith.constant 16 : index
    %get3A_124 = tpu.vector_load %arg5[%get3A_122, %get3A_123] {strides = array<i32>} : memref<24x128xf32, #tpu.memory_space<vmem>>, vector<16xf32>,
    %add3A_125 = arith.constant 532 : i32
    %add3A_126 = vector.broadcast %add3A_125 : i32 to vector<16xi32>
    %add3A_127 = arith.addi %add3A_126, %iota3A : vector<16xi32>
    tpu.vector_store_idx %arg6[%add3A_127], %get3A_124 : memref<3096xf32, #tpu.memory_space<vmem>>[vector<16xi32>], vector<16xf32>,
    %get3A_128 = arith.constant 4 : i32
    %get3A_129 = arith.index_cast %get3A_128 : i32 to index
    %get3A_130 = arith.constant 32 : index
    %get3A_131 = tpu.vector_load %arg5[%get3A_129, %get3A_130] {strides = array<i32>} : memref<24x128xf32, #tpu.memory_space<vmem>>, vector<16xf32>,
    %add3A_132 = arith.constant 548 : i32
    %add3A_133 = vector.broadcast %add3A_132 : i32 to vector<16xi32>
    %add3A_134 = arith.addi %add3A_133, %iota3A : vector<16xi32>
    tpu.vector_store_idx %arg6[%add3A_134], %get3A_131 : memref<3096xf32, #tpu.memory_space<vmem>>[vector<16xi32>], vector<16xf32>,
    %get3A_135 = arith.constant 4 : i32
    %get3A_136 = arith.index_cast %get3A_135 : i32 to index
    %get3A_137 = arith.constant 48 : index
    %get3A_138 = tpu.vector_load %arg5[%get3A_136, %get3A_137] {strides = array<i32>} : memref<24x128xf32, #tpu.memory_space<vmem>>, vector<16xf32>,
    %add3A_139 = arith.constant 564 : i32
    %add3A_140 = vector.broadcast %add3A_139 : i32 to vector<16xi32>
    %add3A_141 = arith.addi %add3A_140, %iota3A : vector<16xi32>
    tpu.vector_store_idx %arg6[%add3A_141], %get3A_138 : memref<3096xf32, #tpu.memory_space<vmem>>[vector<16xi32>], vector<16xf32>,
    %get3A_142 = arith.constant 5 : i32
    %get3A_143 = arith.index_cast %get3A_142 : i32 to index
    %get3A_144 = arith.constant 0 : index
    %get3A_145 = tpu.vector_load %arg5[%get3A_143, %get3A_144] {strides = array<i32>} : memref<24x128xf32, #tpu.memory_space<vmem>>, vector<16xf32>,
    %add3A_146 = arith.constant 645 : i32
    %add3A_147 = vector.broadcast %add3A_146 : i32 to vector<16xi32>
    %add3A_148 = arith.addi %add3A_147, %iota3A : vector<16xi32>
    tpu.vector_store_idx %arg6[%add3A_148], %get3A_145 : memref<3096xf32, #tpu.memory_space<vmem>>[vector<16xi32>], vector<16xf32>,
    %get3A_149 = arith.constant 5 : i32
    %get3A_150 = arith.index_cast %get3A_149 : i32 to index
    %get3A_151 = arith.constant 16 : index
    %get3A_152 = tpu.vector_load %arg5[%get3A_150, %get3A_151] {strides = array<i32>} : memref<24x128xf32, #tpu.memory_space<vmem>>, vector<16xf32>,
    %add3A_153 = arith.constant 661 : i32
    %add3A_154 = vector.broadcast %add3A_153 : i32 to vector<16xi32>
    %add3A_155 = arith.addi %add3A_154, %iota3A : vector<16xi32>
    tpu.vector_store_idx %arg6[%add3A_155], %get3A_152 : memref<3096xf32, #tpu.memory_space<vmem>>[vector<16xi32>], vector<16xf32>,
    %get3A_156 = arith.constant 5 : i32
    %get3A_157 = arith.index_cast %get3A_156 : i32 to index
    %get3A_158 = arith.constant 32 : index
    %get3A_159 = tpu.vector_load %arg5[%get3A_157, %get3A_158] {strides = array<i32>} : memref<24x128xf32, #tpu.memory_space<vmem>>, vector<16xf32>,
    %add3A_160 = arith.constant 677 : i32
    %add3A_161 = vector.broadcast %add3A_160 : i32 to vector<16xi32>
    %add3A_162 = arith.addi %add3A_161, %iota3A : vector<16xi32>
    tpu.vector_store_idx %arg6[%add3A_162], %get3A_159 : memref<3096xf32, #tpu.memory_space<vmem>>[vector<16xi32>], vector<16xf32>,
    %get3A_163 = arith.constant 5 : i32
    %get3A_164 = arith.index_cast %get3A_163 : i32 to index
    %get3A_165 = arith.constant 48 : index
    %get3A_166 = tpu.vector_load %arg5[%get3A_164, %get3A_165] {strides = array<i32>} : memref<24x128xf32, #tpu.memory_space<vmem>>, vector<16xf32>,
    %add3A_167 = arith.constant 693 : i32
    %add3A_168 = vector.broadcast %add3A_167 : i32 to vector<16xi32>
    %add3A_169 = arith.addi %add3A_168, %iota3A : vector<16xi32>
    tpu.vector_store_idx %arg6[%add3A_169], %get3A_166 : memref<3096xf32, #tpu.memory_space<vmem>>[vector<16xi32>], vector<16xf32>,
    %get3A_170 = arith.constant 6 : i32
    %get3A_171 = arith.index_cast %get3A_170 : i32 to index
    %get3A_172 = arith.constant 0 : index
    %get3A_173 = tpu.vector_load %arg5[%get3A_171, %get3A_172] {strides = array<i32>} : memref<24x128xf32, #tpu.memory_space<vmem>>, vector<16xf32>,
    %add3A_174 = arith.constant 774 : i32
    %add3A_175 = vector.broadcast %add3A_174 : i32 to vector<16xi32>
    %add3A_176 = arith.addi %add3A_175, %iota3A : vector<16xi32>
    tpu.vector_store_idx %arg6[%add3A_176], %get3A_173 : memref<3096xf32, #tpu.memory_space<vmem>>[vector<16xi32>], vector<16xf32>,
    %get3A_177 = arith.constant 6 : i32
    %get3A_178 = arith.index_cast %get3A_177 : i32 to index
    %get3A_179 = arith.constant 16 : index
    %get3A_180 = tpu.vector_load %arg5[%get3A_178, %get3A_179] {strides = array<i32>} : memref<24x128xf32, #tpu.memory_space<vmem>>, vector<16xf32>,
    %add3A_181 = arith.constant 790 : i32
    %add3A_182 = vector.broadcast %add3A_181 : i32 to vector<16xi32>
    %add3A_183 = arith.addi %add3A_182, %iota3A : vector<16xi32>
    tpu.vector_store_idx %arg6[%add3A_183], %get3A_180 : memref<3096xf32, #tpu.memory_space<vmem>>[vector<16xi32>], vector<16xf32>,
    %get3A_184 = arith.constant 6 : i32
    %get3A_185 = arith.index_cast %get3A_184 : i32 to index
    %get3A_186 = arith.constant 32 : index
    %get3A_187 = tpu.vector_load %arg5[%get3A_185, %get3A_186] {strides = array<i32>} : memref<24x128xf32, #tpu.memory_space<vmem>>, vector<16xf32>,
    %add3A_188 = arith.constant 806 : i32
    %add3A_189 = vector.broadcast %add3A_188 : i32 to vector<16xi32>
    %add3A_190 = arith.addi %add3A_189, %iota3A : vector<16xi32>
    tpu.vector_store_idx %arg6[%add3A_190], %get3A_187 : memref<3096xf32, #tpu.memory_space<vmem>>[vector<16xi32>], vector<16xf32>,
    %get3A_191 = arith.constant 6 : i32
    %get3A_192 = arith.index_cast %get3A_191 : i32 to index
    %get3A_193 = arith.constant 48 : index
    %get3A_194 = tpu.vector_load %arg5[%get3A_192, %get3A_193] {strides = array<i32>} : memref<24x128xf32, #tpu.memory_space<vmem>>, vector<16xf32>,
    %add3A_195 = arith.constant 822 : i32
    %add3A_196 = vector.broadcast %add3A_195 : i32 to vector<16xi32>
    %add3A_197 = arith.addi %add3A_196, %iota3A : vector<16xi32>
    tpu.vector_store_idx %arg6[%add3A_197], %get3A_194 : memref<3096xf32, #tpu.memory_space<vmem>>[vector<16xi32>], vector<16xf32>,
    %get3A_198 = arith.constant 7 : i32
    %get3A_199 = arith.index_cast %get3A_198 : i32 to index
    %get3A_200 = arith.constant 0 : index
    %get3A_201 = tpu.vector_load %arg5[%get3A_199, %get3A_200] {strides = array<i32>} : memref<24x128xf32, #tpu.memory_space<vmem>>, vector<16xf32>,
    %add3A_202 = arith.constant 903 : i32
    %add3A_203 = vector.broadcast %add3A_202 : i32 to vector<16xi32>
    %add3A_204 = arith.addi %add3A_203, %iota3A : vector<16xi32>
    tpu.vector_store_idx %arg6[%add3A_204], %get3A_201 : memref<3096xf32, #tpu.memory_space<vmem>>[vector<16xi32>], vector<16xf32>,
    %get3A_205 = arith.constant 7 : i32
    %get3A_206 = arith.index_cast %get3A_205 : i32 to index
    %get3A_207 = arith.constant 16 : index
    %get3A_208 = tpu.vector_load %arg5[%get3A_206, %get3A_207] {strides = array<i32>} : memref<24x128xf32, #tpu.memory_space<vmem>>, vector<16xf32>,
    %add3A_209 = arith.constant 919 : i32
    %add3A_210 = vector.broadcast %add3A_209 : i32 to vector<16xi32>
    %add3A_211 = arith.addi %add3A_210, %iota3A : vector<16xi32>
    tpu.vector_store_idx %arg6[%add3A_211], %get3A_208 : memref<3096xf32, #tpu.memory_space<vmem>>[vector<16xi32>], vector<16xf32>,
    %get3A_212 = arith.constant 7 : i32
    %get3A_213 = arith.index_cast %get3A_212 : i32 to index
    %get3A_214 = arith.constant 32 : index
    %get3A_215 = tpu.vector_load %arg5[%get3A_213, %get3A_214] {strides = array<i32>} : memref<24x128xf32, #tpu.memory_space<vmem>>, vector<16xf32>,
    %add3A_216 = arith.constant 935 : i32
    %add3A_217 = vector.broadcast %add3A_216 : i32 to vector<16xi32>
    %add3A_218 = arith.addi %add3A_217, %iota3A : vector<16xi32>
    tpu.vector_store_idx %arg6[%add3A_218], %get3A_215 : memref<3096xf32, #tpu.memory_space<vmem>>[vector<16xi32>], vector<16xf32>,
    %get3A_219 = arith.constant 7 : i32
    %get3A_220 = arith.index_cast %get3A_219 : i32 to index
    %get3A_221 = arith.constant 48 : index
    %get3A_222 = tpu.vector_load %arg5[%get3A_220, %get3A_221] {strides = array<i32>} : memref<24x128xf32, #tpu.memory_space<vmem>>, vector<16xf32>,
    %add3A_223 = arith.constant 951 : i32
    %add3A_224 = vector.broadcast %add3A_223 : i32 to vector<16xi32>
    %add3A_225 = arith.addi %add3A_224, %iota3A : vector<16xi32>
    tpu.vector_store_idx %arg6[%add3A_225], %get3A_222 : memref<3096xf32, #tpu.memory_space<vmem>>[vector<16xi32>], vector<16xf32>,
    %get3A_226 = arith.constant 8 : i32
    %get3A_227 = arith.index_cast %get3A_226 : i32 to index
    %get3A_228 = arith.constant 0 : index
    %get3A_229 = tpu.vector_load %arg5[%get3A_227, %get3A_228] {strides = array<i32>} : memref<24x128xf32, #tpu.memory_space<vmem>>, vector<16xf32>,
    %add3A_230 = arith.constant 1032 : i32
    %add3A_231 = vector.broadcast %add3A_230 : i32 to vector<16xi32>
    %add3A_232 = arith.addi %add3A_231, %iota3A : vector<16xi32>
    tpu.vector_store_idx %arg6[%add3A_232], %get3A_229 : memref<3096xf32, #tpu.memory_space<vmem>>[vector<16xi32>], vector<16xf32>,
    %get3A_233 = arith.constant 8 : i32
    %get3A_234 = arith.index_cast %get3A_233 : i32 to index
    %get3A_235 = arith.constant 16 : index
    %get3A_236 = tpu.vector_load %arg5[%get3A_234, %get3A_235] {strides = array<i32>} : memref<24x128xf32, #tpu.memory_space<vmem>>, vector<16xf32>,
    %add3A_237 = arith.constant 1048 : i32
    %add3A_238 = vector.broadcast %add3A_237 : i32 to vector<16xi32>
    %add3A_239 = arith.addi %add3A_238, %iota3A : vector<16xi32>
    tpu.vector_store_idx %arg6[%add3A_239], %get3A_236 : memref<3096xf32, #tpu.memory_space<vmem>>[vector<16xi32>], vector<16xf32>,
    %get3A_240 = arith.constant 8 : i32
    %get3A_241 = arith.index_cast %get3A_240 : i32 to index
    %get3A_242 = arith.constant 32 : index
    %get3A_243 = tpu.vector_load %arg5[%get3A_241, %get3A_242] {strides = array<i32>} : memref<24x128xf32, #tpu.memory_space<vmem>>, vector<16xf32>,
    %add3A_244 = arith.constant 1064 : i32
    %add3A_245 = vector.broadcast %add3A_244 : i32 to vector<16xi32>
    %add3A_246 = arith.addi %add3A_245, %iota3A : vector<16xi32>
    tpu.vector_store_idx %arg6[%add3A_246], %get3A_243 : memref<3096xf32, #tpu.memory_space<vmem>>[vector<16xi32>], vector<16xf32>,
    %get3A_247 = arith.constant 8 : i32
    %get3A_248 = arith.index_cast %get3A_247 : i32 to index
    %get3A_249 = arith.constant 48 : index
    %get3A_250 = tpu.vector_load %arg5[%get3A_248, %get3A_249] {strides = array<i32>} : memref<24x128xf32, #tpu.memory_space<vmem>>, vector<16xf32>,
    %add3A_251 = arith.constant 1080 : i32
    %add3A_252 = vector.broadcast %add3A_251 : i32 to vector<16xi32>
    %add3A_253 = arith.addi %add3A_252, %iota3A : vector<16xi32>
    tpu.vector_store_idx %arg6[%add3A_253], %get3A_250 : memref<3096xf32, #tpu.memory_space<vmem>>[vector<16xi32>], vector<16xf32>,
    %get3A_254 = arith.constant 9 : i32
    %get3A_255 = arith.index_cast %get3A_254 : i32 to index
    %get3A_256 = arith.constant 0 : index
    %get3A_257 = tpu.vector_load %arg5[%get3A_255, %get3A_256] {strides = array<i32>} : memref<24x128xf32, #tpu.memory_space<vmem>>, vector<16xf32>,
    %add3A_258 = arith.constant 1161 : i32
    %add3A_259 = vector.broadcast %add3A_258 : i32 to vector<16xi32>
    %add3A_260 = arith.addi %add3A_259, %iota3A : vector<16xi32>
    tpu.vector_store_idx %arg6[%add3A_260], %get3A_257 : memref<3096xf32, #tpu.memory_space<vmem>>[vector<16xi32>], vector<16xf32>,
    %get3A_261 = arith.constant 9 : i32
    %get3A_262 = arith.index_cast %get3A_261 : i32 to index
    %get3A_263 = arith.constant 16 : index
    %get3A_264 = tpu.vector_load %arg5[%get3A_262, %get3A_263] {strides = array<i32>} : memref<24x128xf32, #tpu.memory_space<vmem>>, vector<16xf32>,
    %add3A_265 = arith.constant 1177 : i32
    %add3A_266 = vector.broadcast %add3A_265 : i32 to vector<16xi32>
    %add3A_267 = arith.addi %add3A_266, %iota3A : vector<16xi32>
    tpu.vector_store_idx %arg6[%add3A_267], %get3A_264 : memref<3096xf32, #tpu.memory_space<vmem>>[vector<16xi32>], vector<16xf32>,
    %get3A_268 = arith.constant 9 : i32
    %get3A_269 = arith.index_cast %get3A_268 : i32 to index
    %get3A_270 = arith.constant 32 : index
    %get3A_271 = tpu.vector_load %arg5[%get3A_269, %get3A_270] {strides = array<i32>} : memref<24x128xf32, #tpu.memory_space<vmem>>, vector<16xf32>,
    %add3A_272 = arith.constant 1193 : i32
    %add3A_273 = vector.broadcast %add3A_272 : i32 to vector<16xi32>
    %add3A_274 = arith.addi %add3A_273, %iota3A : vector<16xi32>
    tpu.vector_store_idx %arg6[%add3A_274], %get3A_271 : memref<3096xf32, #tpu.memory_space<vmem>>[vector<16xi32>], vector<16xf32>,
    %get3A_275 = arith.constant 9 : i32
    %get3A_276 = arith.index_cast %get3A_275 : i32 to index
    %get3A_277 = arith.constant 48 : index
    %get3A_278 = tpu.vector_load %arg5[%get3A_276, %get3A_277] {strides = array<i32>} : memref<24x128xf32, #tpu.memory_space<vmem>>, vector<16xf32>,
    %add3A_279 = arith.constant 1209 : i32
    %add3A_280 = vector.broadcast %add3A_279 : i32 to vector<16xi32>
    %add3A_281 = arith.addi %add3A_280, %iota3A : vector<16xi32>
    tpu.vector_store_idx %arg6[%add3A_281], %get3A_278 : memref<3096xf32, #tpu.memory_space<vmem>>[vector<16xi32>], vector<16xf32>,
    %get3A_282 = arith.constant 10 : i32
    %get3A_283 = arith.index_cast %get3A_282 : i32 to index
    %get3A_284 = arith.constant 0 : index
    %get3A_285 = tpu.vector_load %arg5[%get3A_283, %get3A_284] {strides = array<i32>} : memref<24x128xf32, #tpu.memory_space<vmem>>, vector<16xf32>,
    %add3A_286 = arith.constant 1290 : i32
    %add3A_287 = vector.broadcast %add3A_286 : i32 to vector<16xi32>
    %add3A_288 = arith.addi %add3A_287, %iota3A : vector<16xi32>
    tpu.vector_store_idx %arg6[%add3A_288], %get3A_285 : memref<3096xf32, #tpu.memory_space<vmem>>[vector<16xi32>], vector<16xf32>,
    %get3A_289 = arith.constant 10 : i32
    %get3A_290 = arith.index_cast %get3A_289 : i32 to index
    %get3A_291 = arith.constant 16 : index
    %get3A_292 = tpu.vector_load %arg5[%get3A_290, %get3A_291] {strides = array<i32>} : memref<24x128xf32, #tpu.memory_space<vmem>>, vector<16xf32>,
    %add3A_293 = arith.constant 1306 : i32
    %add3A_294 = vector.broadcast %add3A_293 : i32 to vector<16xi32>
    %add3A_295 = arith.addi %add3A_294, %iota3A : vector<16xi32>
    tpu.vector_store_idx %arg6[%add3A_295], %get3A_292 : memref<3096xf32, #tpu.memory_space<vmem>>[vector<16xi32>], vector<16xf32>,
    %get3A_296 = arith.constant 10 : i32
    %get3A_297 = arith.index_cast %get3A_296 : i32 to index
    %get3A_298 = arith.constant 32 : index
    %get3A_299 = tpu.vector_load %arg5[%get3A_297, %get3A_298] {strides = array<i32>} : memref<24x128xf32, #tpu.memory_space<vmem>>, vector<16xf32>,
    %add3A_300 = arith.constant 1322 : i32
    %add3A_301 = vector.broadcast %add3A_300 : i32 to vector<16xi32>
    %add3A_302 = arith.addi %add3A_301, %iota3A : vector<16xi32>
    tpu.vector_store_idx %arg6[%add3A_302], %get3A_299 : memref<3096xf32, #tpu.memory_space<vmem>>[vector<16xi32>], vector<16xf32>,
    %get3A_303 = arith.constant 10 : i32
    %get3A_304 = arith.index_cast %get3A_303 : i32 to index
    %get3A_305 = arith.constant 48 : index
    %get3A_306 = tpu.vector_load %arg5[%get3A_304, %get3A_305] {strides = array<i32>} : memref<24x128xf32, #tpu.memory_space<vmem>>, vector<16xf32>,
    %add3A_307 = arith.constant 1338 : i32
    %add3A_308 = vector.broadcast %add3A_307 : i32 to vector<16xi32>
    %add3A_309 = arith.addi %add3A_308, %iota3A : vector<16xi32>
    tpu.vector_store_idx %arg6[%add3A_309], %get3A_306 : memref<3096xf32, #tpu.memory_space<vmem>>[vector<16xi32>], vector<16xf32>,
    %get3A_310 = arith.constant 11 : i32
    %get3A_311 = arith.index_cast %get3A_310 : i32 to index
    %get3A_312 = arith.constant 0 : index
    %get3A_313 = tpu.vector_load %arg5[%get3A_311, %get3A_312] {strides = array<i32>} : memref<24x128xf32, #tpu.memory_space<vmem>>, vector<16xf32>,
    %add3A_314 = arith.constant 1419 : i32
    %add3A_315 = vector.broadcast %add3A_314 : i32 to vector<16xi32>
    %add3A_316 = arith.addi %add3A_315, %iota3A : vector<16xi32>
    tpu.vector_store_idx %arg6[%add3A_316], %get3A_313 : memref<3096xf32, #tpu.memory_space<vmem>>[vector<16xi32>], vector<16xf32>,
    %get3A_317 = arith.constant 11 : i32
    %get3A_318 = arith.index_cast %get3A_317 : i32 to index
    %get3A_319 = arith.constant 16 : index
    %get3A_320 = tpu.vector_load %arg5[%get3A_318, %get3A_319] {strides = array<i32>} : memref<24x128xf32, #tpu.memory_space<vmem>>, vector<16xf32>,
    %add3A_321 = arith.constant 1435 : i32
    %add3A_322 = vector.broadcast %add3A_321 : i32 to vector<16xi32>
    %add3A_323 = arith.addi %add3A_322, %iota3A : vector<16xi32>
    tpu.vector_store_idx %arg6[%add3A_323], %get3A_320 : memref<3096xf32, #tpu.memory_space<vmem>>[vector<16xi32>], vector<16xf32>,
    %get3A_324 = arith.constant 11 : i32
    %get3A_325 = arith.index_cast %get3A_324 : i32 to index
    %get3A_326 = arith.constant 32 : index
    %get3A_327 = tpu.vector_load %arg5[%get3A_325, %get3A_326] {strides = array<i32>} : memref<24x128xf32, #tpu.memory_space<vmem>>, vector<16xf32>,
    %add3A_328 = arith.constant 1451 : i32
    %add3A_329 = vector.broadcast %add3A_328 : i32 to vector<16xi32>
    %add3A_330 = arith.addi %add3A_329, %iota3A : vector<16xi32>
    tpu.vector_store_idx %arg6[%add3A_330], %get3A_327 : memref<3096xf32, #tpu.memory_space<vmem>>[vector<16xi32>], vector<16xf32>,
    %get3A_331 = arith.constant 11 : i32
    %get3A_332 = arith.index_cast %get3A_331 : i32 to index
    %get3A_333 = arith.constant 48 : index
    %get3A_334 = tpu.vector_load %arg5[%get3A_332, %get3A_333] {strides = array<i32>} : memref<24x128xf32, #tpu.memory_space<vmem>>, vector<16xf32>,
    %add3A_335 = arith.constant 1467 : i32
    %add3A_336 = vector.broadcast %add3A_335 : i32 to vector<16xi32>
    %add3A_337 = arith.addi %add3A_336, %iota3A : vector<16xi32>
    tpu.vector_store_idx %arg6[%add3A_337], %get3A_334 : memref<3096xf32, #tpu.memory_space<vmem>>[vector<16xi32>], vector<16xf32>,
    %get3A_338 = arith.constant 12 : i32
    %get3A_339 = arith.index_cast %get3A_338 : i32 to index
    %get3A_340 = arith.constant 0 : index
    %get3A_341 = tpu.vector_load %arg5[%get3A_339, %get3A_340] {strides = array<i32>} : memref<24x128xf32, #tpu.memory_space<vmem>>, vector<16xf32>,
    %add3A_342 = arith.constant 1548 : i32
    %add3A_343 = vector.broadcast %add3A_342 : i32 to vector<16xi32>
    %add3A_344 = arith.addi %add3A_343, %iota3A : vector<16xi32>
    tpu.vector_store_idx %arg6[%add3A_344], %get3A_341 : memref<3096xf32, #tpu.memory_space<vmem>>[vector<16xi32>], vector<16xf32>,
    %get3A_345 = arith.constant 12 : i32
    %get3A_346 = arith.index_cast %get3A_345 : i32 to index
    %get3A_347 = arith.constant 16 : index
    %get3A_348 = tpu.vector_load %arg5[%get3A_346, %get3A_347] {strides = array<i32>} : memref<24x128xf32, #tpu.memory_space<vmem>>, vector<16xf32>,
    %add3A_349 = arith.constant 1564 : i32
    %add3A_350 = vector.broadcast %add3A_349 : i32 to vector<16xi32>
    %add3A_351 = arith.addi %add3A_350, %iota3A : vector<16xi32>
    tpu.vector_store_idx %arg6[%add3A_351], %get3A_348 : memref<3096xf32, #tpu.memory_space<vmem>>[vector<16xi32>], vector<16xf32>,
    %get3A_352 = arith.constant 12 : i32
    %get3A_353 = arith.index_cast %get3A_352 : i32 to index
    %get3A_354 = arith.constant 32 : index
    %get3A_355 = tpu.vector_load %arg5[%get3A_353, %get3A_354] {strides = array<i32>} : memref<24x128xf32, #tpu.memory_space<vmem>>, vector<16xf32>,
    %add3A_356 = arith.constant 1580 : i32
    %add3A_357 = vector.broadcast %add3A_356 : i32 to vector<16xi32>
    %add3A_358 = arith.addi %add3A_357, %iota3A : vector<16xi32>
    tpu.vector_store_idx %arg6[%add3A_358], %get3A_355 : memref<3096xf32, #tpu.memory_space<vmem>>[vector<16xi32>], vector<16xf32>,
    %get3A_359 = arith.constant 12 : i32
    %get3A_360 = arith.index_cast %get3A_359 : i32 to index
    %get3A_361 = arith.constant 48 : index
    %get3A_362 = tpu.vector_load %arg5[%get3A_360, %get3A_361] {strides = array<i32>} : memref<24x128xf32, #tpu.memory_space<vmem>>, vector<16xf32>,
    %add3A_363 = arith.constant 1596 : i32
    %add3A_364 = vector.broadcast %add3A_363 : i32 to vector<16xi32>
    %add3A_365 = arith.addi %add3A_364, %iota3A : vector<16xi32>
    tpu.vector_store_idx %arg6[%add3A_365], %get3A_362 : memref<3096xf32, #tpu.memory_space<vmem>>[vector<16xi32>], vector<16xf32>,
    %get3A_366 = arith.constant 13 : i32
    %get3A_367 = arith.index_cast %get3A_366 : i32 to index
    %get3A_368 = arith.constant 0 : index
    %get3A_369 = tpu.vector_load %arg5[%get3A_367, %get3A_368] {strides = array<i32>} : memref<24x128xf32, #tpu.memory_space<vmem>>, vector<16xf32>,
    %add3A_370 = arith.constant 1677 : i32
    %add3A_371 = vector.broadcast %add3A_370 : i32 to vector<16xi32>
    %add3A_372 = arith.addi %add3A_371, %iota3A : vector<16xi32>
    tpu.vector_store_idx %arg6[%add3A_372], %get3A_369 : memref<3096xf32, #tpu.memory_space<vmem>>[vector<16xi32>], vector<16xf32>,
    %get3A_373 = arith.constant 13 : i32
    %get3A_374 = arith.index_cast %get3A_373 : i32 to index
    %get3A_375 = arith.constant 16 : index
    %get3A_376 = tpu.vector_load %arg5[%get3A_374, %get3A_375] {strides = array<i32>} : memref<24x128xf32, #tpu.memory_space<vmem>>, vector<16xf32>,
    %add3A_377 = arith.constant 1693 : i32
    %add3A_378 = vector.broadcast %add3A_377 : i32 to vector<16xi32>
    %add3A_379 = arith.addi %add3A_378, %iota3A : vector<16xi32>
    tpu.vector_store_idx %arg6[%add3A_379], %get3A_376 : memref<3096xf32, #tpu.memory_space<vmem>>[vector<16xi32>], vector<16xf32>,
    %get3A_380 = arith.constant 13 : i32
    %get3A_381 = arith.index_cast %get3A_380 : i32 to index
    %get3A_382 = arith.constant 32 : index
    %get3A_383 = tpu.vector_load %arg5[%get3A_381, %get3A_382] {strides = array<i32>} : memref<24x128xf32, #tpu.memory_space<vmem>>, vector<16xf32>,
    %add3A_384 = arith.constant 1709 : i32
    %add3A_385 = vector.broadcast %add3A_384 : i32 to vector<16xi32>
    %add3A_386 = arith.addi %add3A_385, %iota3A : vector<16xi32>
    tpu.vector_store_idx %arg6[%add3A_386], %get3A_383 : memref<3096xf32, #tpu.memory_space<vmem>>[vector<16xi32>], vector<16xf32>,
    %get3A_387 = arith.constant 13 : i32
    %get3A_388 = arith.index_cast %get3A_387 : i32 to index
    %get3A_389 = arith.constant 48 : index
    %get3A_390 = tpu.vector_load %arg5[%get3A_388, %get3A_389] {strides = array<i32>} : memref<24x128xf32, #tpu.memory_space<vmem>>, vector<16xf32>,
    %add3A_391 = arith.constant 1725 : i32
    %add3A_392 = vector.broadcast %add3A_391 : i32 to vector<16xi32>
    %add3A_393 = arith.addi %add3A_392, %iota3A : vector<16xi32>
    tpu.vector_store_idx %arg6[%add3A_393], %get3A_390 : memref<3096xf32, #tpu.memory_space<vmem>>[vector<16xi32>], vector<16xf32>,
    %get3A_394 = arith.constant 14 : i32
    %get3A_395 = arith.index_cast %get3A_394 : i32 to index
    %get3A_396 = arith.constant 0 : index
    %get3A_397 = tpu.vector_load %arg5[%get3A_395, %get3A_396] {strides = array<i32>} : memref<24x128xf32, #tpu.memory_space<vmem>>, vector<16xf32>,
    %add3A_398 = arith.constant 1806 : i32
    %add3A_399 = vector.broadcast %add3A_398 : i32 to vector<16xi32>
    %add3A_400 = arith.addi %add3A_399, %iota3A : vector<16xi32>
    tpu.vector_store_idx %arg6[%add3A_400], %get3A_397 : memref<3096xf32, #tpu.memory_space<vmem>>[vector<16xi32>], vector<16xf32>,
    %get3A_401 = arith.constant 14 : i32
    %get3A_402 = arith.index_cast %get3A_401 : i32 to index
    %get3A_403 = arith.constant 16 : index
    %get3A_404 = tpu.vector_load %arg5[%get3A_402, %get3A_403] {strides = array<i32>} : memref<24x128xf32, #tpu.memory_space<vmem>>, vector<16xf32>,
    %add3A_405 = arith.constant 1822 : i32
    %add3A_406 = vector.broadcast %add3A_405 : i32 to vector<16xi32>
    %add3A_407 = arith.addi %add3A_406, %iota3A : vector<16xi32>
    tpu.vector_store_idx %arg6[%add3A_407], %get3A_404 : memref<3096xf32, #tpu.memory_space<vmem>>[vector<16xi32>], vector<16xf32>,
    %get3A_408 = arith.constant 14 : i32
    %get3A_409 = arith.index_cast %get3A_408 : i32 to index
    %get3A_410 = arith.constant 32 : index
    %get3A_411 = tpu.vector_load %arg5[%get3A_409, %get3A_410] {strides = array<i32>} : memref<24x128xf32, #tpu.memory_space<vmem>>, vector<16xf32>,
    %add3A_412 = arith.constant 1838 : i32
    %add3A_413 = vector.broadcast %add3A_412 : i32 to vector<16xi32>
    %add3A_414 = arith.addi %add3A_413, %iota3A : vector<16xi32>
    tpu.vector_store_idx %arg6[%add3A_414], %get3A_411 : memref<3096xf32, #tpu.memory_space<vmem>>[vector<16xi32>], vector<16xf32>,
    %get3A_415 = arith.constant 14 : i32
    %get3A_416 = arith.index_cast %get3A_415 : i32 to index
    %get3A_417 = arith.constant 48 : index
    %get3A_418 = tpu.vector_load %arg5[%get3A_416, %get3A_417] {strides = array<i32>} : memref<24x128xf32, #tpu.memory_space<vmem>>, vector<16xf32>,
    %add3A_419 = arith.constant 1854 : i32
    %add3A_420 = vector.broadcast %add3A_419 : i32 to vector<16xi32>
    %add3A_421 = arith.addi %add3A_420, %iota3A : vector<16xi32>
    tpu.vector_store_idx %arg6[%add3A_421], %get3A_418 : memref<3096xf32, #tpu.memory_space<vmem>>[vector<16xi32>], vector<16xf32>,
    %get3A_422 = arith.constant 15 : i32
    %get3A_423 = arith.index_cast %get3A_422 : i32 to index
    %get3A_424 = arith.constant 0 : index
    %get3A_425 = tpu.vector_load %arg5[%get3A_423, %get3A_424] {strides = array<i32>} : memref<24x128xf32, #tpu.memory_space<vmem>>, vector<16xf32>,
    %add3A_426 = arith.constant 1935 : i32
    %add3A_427 = vector.broadcast %add3A_426 : i32 to vector<16xi32>
    %add3A_428 = arith.addi %add3A_427, %iota3A : vector<16xi32>
    tpu.vector_store_idx %arg6[%add3A_428], %get3A_425 : memref<3096xf32, #tpu.memory_space<vmem>>[vector<16xi32>], vector<16xf32>,
    %get3A_429 = arith.constant 15 : i32
    %get3A_430 = arith.index_cast %get3A_429 : i32 to index
    %get3A_431 = arith.constant 16 : index
    %get3A_432 = tpu.vector_load %arg5[%get3A_430, %get3A_431] {strides = array<i32>} : memref<24x128xf32, #tpu.memory_space<vmem>>, vector<16xf32>,
    %add3A_433 = arith.constant 1951 : i32
    %add3A_434 = vector.broadcast %add3A_433 : i32 to vector<16xi32>
    %add3A_435 = arith.addi %add3A_434, %iota3A : vector<16xi32>
    tpu.vector_store_idx %arg6[%add3A_435], %get3A_432 : memref<3096xf32, #tpu.memory_space<vmem>>[vector<16xi32>], vector<16xf32>,
    %get3A_436 = arith.constant 15 : i32
    %get3A_437 = arith.index_cast %get3A_436 : i32 to index
    %get3A_438 = arith.constant 32 : index
    %get3A_439 = tpu.vector_load %arg5[%get3A_437, %get3A_438] {strides = array<i32>} : memref<24x128xf32, #tpu.memory_space<vmem>>, vector<16xf32>,
    %add3A_440 = arith.constant 1967 : i32
    %add3A_441 = vector.broadcast %add3A_440 : i32 to vector<16xi32>
    %add3A_442 = arith.addi %add3A_441, %iota3A : vector<16xi32>
    tpu.vector_store_idx %arg6[%add3A_442], %get3A_439 : memref<3096xf32, #tpu.memory_space<vmem>>[vector<16xi32>], vector<16xf32>,
    %get3A_443 = arith.constant 15 : i32
    %get3A_444 = arith.index_cast %get3A_443 : i32 to index
    %get3A_445 = arith.constant 48 : index
    %get3A_446 = tpu.vector_load %arg5[%get3A_444, %get3A_445] {strides = array<i32>} : memref<24x128xf32, #tpu.memory_space<vmem>>, vector<16xf32>,
    %add3A_447 = arith.constant 1983 : i32
    %add3A_448 = vector.broadcast %add3A_447 : i32 to vector<16xi32>
    %add3A_449 = arith.addi %add3A_448, %iota3A : vector<16xi32>
    tpu.vector_store_idx %arg6[%add3A_449], %get3A_446 : memref<3096xf32, #tpu.memory_space<vmem>>[vector<16xi32>], vector<16xf32>,
    %get3A_450 = arith.constant 16 : i32
    %get3A_451 = arith.index_cast %get3A_450 : i32 to index
    %get3A_452 = arith.constant 0 : index
    %get3A_453 = tpu.vector_load %arg5[%get3A_451, %get3A_452] {strides = array<i32>} : memref<24x128xf32, #tpu.memory_space<vmem>>, vector<16xf32>,
    %add3A_454 = arith.constant 2064 : i32
    %add3A_455 = vector.broadcast %add3A_454 : i32 to vector<16xi32>
    %add3A_456 = arith.addi %add3A_455, %iota3A : vector<16xi32>
    tpu.vector_store_idx %arg6[%add3A_456], %get3A_453 : memref<3096xf32, #tpu.memory_space<vmem>>[vector<16xi32>], vector<16xf32>,
    %get3A_457 = arith.constant 16 : i32
    %get3A_458 = arith.index_cast %get3A_457 : i32 to index
    %get3A_459 = arith.constant 16 : index
    %get3A_460 = tpu.vector_load %arg5[%get3A_458, %get3A_459] {strides = array<i32>} : memref<24x128xf32, #tpu.memory_space<vmem>>, vector<16xf32>,
    %add3A_461 = arith.constant 2080 : i32
    %add3A_462 = vector.broadcast %add3A_461 : i32 to vector<16xi32>
    %add3A_463 = arith.addi %add3A_462, %iota3A : vector<16xi32>
    tpu.vector_store_idx %arg6[%add3A_463], %get3A_460 : memref<3096xf32, #tpu.memory_space<vmem>>[vector<16xi32>], vector<16xf32>,
    %get3A_464 = arith.constant 16 : i32
    %get3A_465 = arith.index_cast %get3A_464 : i32 to index
    %get3A_466 = arith.constant 32 : index
    %get3A_467 = tpu.vector_load %arg5[%get3A_465, %get3A_466] {strides = array<i32>} : memref<24x128xf32, #tpu.memory_space<vmem>>, vector<16xf32>,
    %add3A_468 = arith.constant 2096 : i32
    %add3A_469 = vector.broadcast %add3A_468 : i32 to vector<16xi32>
    %add3A_470 = arith.addi %add3A_469, %iota3A : vector<16xi32>
    tpu.vector_store_idx %arg6[%add3A_470], %get3A_467 : memref<3096xf32, #tpu.memory_space<vmem>>[vector<16xi32>], vector<16xf32>,
    %get3A_471 = arith.constant 16 : i32
    %get3A_472 = arith.index_cast %get3A_471 : i32 to index
    %get3A_473 = arith.constant 48 : index
    %get3A_474 = tpu.vector_load %arg5[%get3A_472, %get3A_473] {strides = array<i32>} : memref<24x128xf32, #tpu.memory_space<vmem>>, vector<16xf32>,
    %add3A_475 = arith.constant 2112 : i32
    %add3A_476 = vector.broadcast %add3A_475 : i32 to vector<16xi32>
    %add3A_477 = arith.addi %add3A_476, %iota3A : vector<16xi32>
    tpu.vector_store_idx %arg6[%add3A_477], %get3A_474 : memref<3096xf32, #tpu.memory_space<vmem>>[vector<16xi32>], vector<16xf32>,
    %get3A_478 = arith.constant 17 : i32
    %get3A_479 = arith.index_cast %get3A_478 : i32 to index
    %get3A_480 = arith.constant 0 : index
    %get3A_481 = tpu.vector_load %arg5[%get3A_479, %get3A_480] {strides = array<i32>} : memref<24x128xf32, #tpu.memory_space<vmem>>, vector<16xf32>,
    %add3A_482 = arith.constant 2193 : i32
    %add3A_483 = vector.broadcast %add3A_482 : i32 to vector<16xi32>
    %add3A_484 = arith.addi %add3A_483, %iota3A : vector<16xi32>
    tpu.vector_store_idx %arg6[%add3A_484], %get3A_481 : memref<3096xf32, #tpu.memory_space<vmem>>[vector<16xi32>], vector<16xf32>,
    %get3A_485 = arith.constant 17 : i32
    %get3A_486 = arith.index_cast %get3A_485 : i32 to index
    %get3A_487 = arith.constant 16 : index
    %get3A_488 = tpu.vector_load %arg5[%get3A_486, %get3A_487] {strides = array<i32>} : memref<24x128xf32, #tpu.memory_space<vmem>>, vector<16xf32>,
    %add3A_489 = arith.constant 2209 : i32
    %add3A_490 = vector.broadcast %add3A_489 : i32 to vector<16xi32>
    %add3A_491 = arith.addi %add3A_490, %iota3A : vector<16xi32>
    tpu.vector_store_idx %arg6[%add3A_491], %get3A_488 : memref<3096xf32, #tpu.memory_space<vmem>>[vector<16xi32>], vector<16xf32>,
    %get3A_492 = arith.constant 17 : i32
    %get3A_493 = arith.index_cast %get3A_492 : i32 to index
    %get3A_494 = arith.constant 32 : index
    %get3A_495 = tpu.vector_load %arg5[%get3A_493, %get3A_494] {strides = array<i32>} : memref<24x128xf32, #tpu.memory_space<vmem>>, vector<16xf32>,
    %add3A_496 = arith.constant 2225 : i32
    %add3A_497 = vector.broadcast %add3A_496 : i32 to vector<16xi32>
    %add3A_498 = arith.addi %add3A_497, %iota3A : vector<16xi32>
    tpu.vector_store_idx %arg6[%add3A_498], %get3A_495 : memref<3096xf32, #tpu.memory_space<vmem>>[vector<16xi32>], vector<16xf32>,
    %get3A_499 = arith.constant 17 : i32
    %get3A_500 = arith.index_cast %get3A_499 : i32 to index
    %get3A_501 = arith.constant 48 : index
    %get3A_502 = tpu.vector_load %arg5[%get3A_500, %get3A_501] {strides = array<i32>} : memref<24x128xf32, #tpu.memory_space<vmem>>, vector<16xf32>,
    %add3A_503 = arith.constant 2241 : i32
    %add3A_504 = vector.broadcast %add3A_503 : i32 to vector<16xi32>
    %add3A_505 = arith.addi %add3A_504, %iota3A : vector<16xi32>
    tpu.vector_store_idx %arg6[%add3A_505], %get3A_502 : memref<3096xf32, #tpu.memory_space<vmem>>[vector<16xi32>], vector<16xf32>,
    %get3A_506 = arith.constant 18 : i32
    %get3A_507 = arith.index_cast %get3A_506 : i32 to index
    %get3A_508 = arith.constant 0 : index
    %get3A_509 = tpu.vector_load %arg5[%get3A_507, %get3A_508] {strides = array<i32>} : memref<24x128xf32, #tpu.memory_space<vmem>>, vector<16xf32>,
    %add3A_510 = arith.constant 2322 : i32
    %add3A_511 = vector.broadcast %add3A_510 : i32 to vector<16xi32>
    %add3A_512 = arith.addi %add3A_511, %iota3A : vector<16xi32>
    tpu.vector_store_idx %arg6[%add3A_512], %get3A_509 : memref<3096xf32, #tpu.memory_space<vmem>>[vector<16xi32>], vector<16xf32>,
    %get3A_513 = arith.constant 18 : i32
    %get3A_514 = arith.index_cast %get3A_513 : i32 to index
    %get3A_515 = arith.constant 16 : index
    %get3A_516 = tpu.vector_load %arg5[%get3A_514, %get3A_515] {strides = array<i32>} : memref<24x128xf32, #tpu.memory_space<vmem>>, vector<16xf32>,
    %add3A_517 = arith.constant 2338 : i32
    %add3A_518 = vector.broadcast %add3A_517 : i32 to vector<16xi32>
    %add3A_519 = arith.addi %add3A_518, %iota3A : vector<16xi32>
    tpu.vector_store_idx %arg6[%add3A_519], %get3A_516 : memref<3096xf32, #tpu.memory_space<vmem>>[vector<16xi32>], vector<16xf32>,
    %get3A_520 = arith.constant 18 : i32
    %get3A_521 = arith.index_cast %get3A_520 : i32 to index
    %get3A_522 = arith.constant 32 : index
    %get3A_523 = tpu.vector_load %arg5[%get3A_521, %get3A_522] {strides = array<i32>} : memref<24x128xf32, #tpu.memory_space<vmem>>, vector<16xf32>,
    %add3A_524 = arith.constant 2354 : i32
    %add3A_525 = vector.broadcast %add3A_524 : i32 to vector<16xi32>
    %add3A_526 = arith.addi %add3A_525, %iota3A : vector<16xi32>
    tpu.vector_store_idx %arg6[%add3A_526], %get3A_523 : memref<3096xf32, #tpu.memory_space<vmem>>[vector<16xi32>], vector<16xf32>,
    %get3A_527 = arith.constant 18 : i32
    %get3A_528 = arith.index_cast %get3A_527 : i32 to index
    %get3A_529 = arith.constant 48 : index
    %get3A_530 = tpu.vector_load %arg5[%get3A_528, %get3A_529] {strides = array<i32>} : memref<24x128xf32, #tpu.memory_space<vmem>>, vector<16xf32>,
    %add3A_531 = arith.constant 2370 : i32
    %add3A_532 = vector.broadcast %add3A_531 : i32 to vector<16xi32>
    %add3A_533 = arith.addi %add3A_532, %iota3A : vector<16xi32>
    tpu.vector_store_idx %arg6[%add3A_533], %get3A_530 : memref<3096xf32, #tpu.memory_space<vmem>>[vector<16xi32>], vector<16xf32>,
    %get3A_534 = arith.constant 19 : i32
    %get3A_535 = arith.index_cast %get3A_534 : i32 to index
    %get3A_536 = arith.constant 0 : index
    %get3A_537 = tpu.vector_load %arg5[%get3A_535, %get3A_536] {strides = array<i32>} : memref<24x128xf32, #tpu.memory_space<vmem>>, vector<16xf32>,
    %add3A_538 = arith.constant 2451 : i32
    %add3A_539 = vector.broadcast %add3A_538 : i32 to vector<16xi32>
    %add3A_540 = arith.addi %add3A_539, %iota3A : vector<16xi32>
    tpu.vector_store_idx %arg6[%add3A_540], %get3A_537 : memref<3096xf32, #tpu.memory_space<vmem>>[vector<16xi32>], vector<16xf32>,
    %get3A_541 = arith.constant 19 : i32
    %get3A_542 = arith.index_cast %get3A_541 : i32 to index
    %get3A_543 = arith.constant 16 : index
    %get3A_544 = tpu.vector_load %arg5[%get3A_542, %get3A_543] {strides = array<i32>} : memref<24x128xf32, #tpu.memory_space<vmem>>, vector<16xf32>,
    %add3A_545 = arith.constant 2467 : i32
    %add3A_546 = vector.broadcast %add3A_545 : i32 to vector<16xi32>
    %add3A_547 = arith.addi %add3A_546, %iota3A : vector<16xi32>
    tpu.vector_store_idx %arg6[%add3A_547], %get3A_544 : memref<3096xf32, #tpu.memory_space<vmem>>[vector<16xi32>], vector<16xf32>,
    %get3A_548 = arith.constant 19 : i32
    %get3A_549 = arith.index_cast %get3A_548 : i32 to index
    %get3A_550 = arith.constant 32 : index
    %get3A_551 = tpu.vector_load %arg5[%get3A_549, %get3A_550] {strides = array<i32>} : memref<24x128xf32, #tpu.memory_space<vmem>>, vector<16xf32>,
    %add3A_552 = arith.constant 2483 : i32
    %add3A_553 = vector.broadcast %add3A_552 : i32 to vector<16xi32>
    %add3A_554 = arith.addi %add3A_553, %iota3A : vector<16xi32>
    tpu.vector_store_idx %arg6[%add3A_554], %get3A_551 : memref<3096xf32, #tpu.memory_space<vmem>>[vector<16xi32>], vector<16xf32>,
    %get3A_555 = arith.constant 19 : i32
    %get3A_556 = arith.index_cast %get3A_555 : i32 to index
    %get3A_557 = arith.constant 48 : index
    %get3A_558 = tpu.vector_load %arg5[%get3A_556, %get3A_557] {strides = array<i32>} : memref<24x128xf32, #tpu.memory_space<vmem>>, vector<16xf32>,
    %add3A_559 = arith.constant 2499 : i32
    %add3A_560 = vector.broadcast %add3A_559 : i32 to vector<16xi32>
    %add3A_561 = arith.addi %add3A_560, %iota3A : vector<16xi32>
    tpu.vector_store_idx %arg6[%add3A_561], %get3A_558 : memref<3096xf32, #tpu.memory_space<vmem>>[vector<16xi32>], vector<16xf32>,
    %get3A_562 = arith.constant 20 : i32
    %get3A_563 = arith.index_cast %get3A_562 : i32 to index
    %get3A_564 = arith.constant 0 : index
    %get3A_565 = tpu.vector_load %arg5[%get3A_563, %get3A_564] {strides = array<i32>} : memref<24x128xf32, #tpu.memory_space<vmem>>, vector<16xf32>,
    %add3A_566 = arith.constant 2580 : i32
    %add3A_567 = vector.broadcast %add3A_566 : i32 to vector<16xi32>
    %add3A_568 = arith.addi %add3A_567, %iota3A : vector<16xi32>
    tpu.vector_store_idx %arg6[%add3A_568], %get3A_565 : memref<3096xf32, #tpu.memory_space<vmem>>[vector<16xi32>], vector<16xf32>,
    %get3A_569 = arith.constant 20 : i32
    %get3A_570 = arith.index_cast %get3A_569 : i32 to index
    %get3A_571 = arith.constant 16 : index
    %get3A_572 = tpu.vector_load %arg5[%get3A_570, %get3A_571] {strides = array<i32>} : memref<24x128xf32, #tpu.memory_space<vmem>>, vector<16xf32>,
    %add3A_573 = arith.constant 2596 : i32
    %add3A_574 = vector.broadcast %add3A_573 : i32 to vector<16xi32>
    %add3A_575 = arith.addi %add3A_574, %iota3A : vector<16xi32>
    tpu.vector_store_idx %arg6[%add3A_575], %get3A_572 : memref<3096xf32, #tpu.memory_space<vmem>>[vector<16xi32>], vector<16xf32>,
    %get3A_576 = arith.constant 20 : i32
    %get3A_577 = arith.index_cast %get3A_576 : i32 to index
    %get3A_578 = arith.constant 32 : index
    %get3A_579 = tpu.vector_load %arg5[%get3A_577, %get3A_578] {strides = array<i32>} : memref<24x128xf32, #tpu.memory_space<vmem>>, vector<16xf32>,
    %add3A_580 = arith.constant 2612 : i32
    %add3A_581 = vector.broadcast %add3A_580 : i32 to vector<16xi32>
    %add3A_582 = arith.addi %add3A_581, %iota3A : vector<16xi32>
    tpu.vector_store_idx %arg6[%add3A_582], %get3A_579 : memref<3096xf32, #tpu.memory_space<vmem>>[vector<16xi32>], vector<16xf32>,
    %get3A_583 = arith.constant 20 : i32
    %get3A_584 = arith.index_cast %get3A_583 : i32 to index
    %get3A_585 = arith.constant 48 : index
    %get3A_586 = tpu.vector_load %arg5[%get3A_584, %get3A_585] {strides = array<i32>} : memref<24x128xf32, #tpu.memory_space<vmem>>, vector<16xf32>,
    %add3A_587 = arith.constant 2628 : i32
    %add3A_588 = vector.broadcast %add3A_587 : i32 to vector<16xi32>
    %add3A_589 = arith.addi %add3A_588, %iota3A : vector<16xi32>
    tpu.vector_store_idx %arg6[%add3A_589], %get3A_586 : memref<3096xf32, #tpu.memory_space<vmem>>[vector<16xi32>], vector<16xf32>,
    %get3A_590 = arith.constant 21 : i32
    %get3A_591 = arith.index_cast %get3A_590 : i32 to index
    %get3A_592 = arith.constant 0 : index
    %get3A_593 = tpu.vector_load %arg5[%get3A_591, %get3A_592] {strides = array<i32>} : memref<24x128xf32, #tpu.memory_space<vmem>>, vector<16xf32>,
    %add3A_594 = arith.constant 2709 : i32
    %add3A_595 = vector.broadcast %add3A_594 : i32 to vector<16xi32>
    %add3A_596 = arith.addi %add3A_595, %iota3A : vector<16xi32>
    tpu.vector_store_idx %arg6[%add3A_596], %get3A_593 : memref<3096xf32, #tpu.memory_space<vmem>>[vector<16xi32>], vector<16xf32>,
    %get3A_597 = arith.constant 21 : i32
    %get3A_598 = arith.index_cast %get3A_597 : i32 to index
    %get3A_599 = arith.constant 16 : index
    %get3A_600 = tpu.vector_load %arg5[%get3A_598, %get3A_599] {strides = array<i32>} : memref<24x128xf32, #tpu.memory_space<vmem>>, vector<16xf32>,
    %add3A_601 = arith.constant 2725 : i32
    %add3A_602 = vector.broadcast %add3A_601 : i32 to vector<16xi32>
    %add3A_603 = arith.addi %add3A_602, %iota3A : vector<16xi32>
    tpu.vector_store_idx %arg6[%add3A_603], %get3A_600 : memref<3096xf32, #tpu.memory_space<vmem>>[vector<16xi32>], vector<16xf32>,
    %get3A_604 = arith.constant 21 : i32
    %get3A_605 = arith.index_cast %get3A_604 : i32 to index
    %get3A_606 = arith.constant 32 : index
    %get3A_607 = tpu.vector_load %arg5[%get3A_605, %get3A_606] {strides = array<i32>} : memref<24x128xf32, #tpu.memory_space<vmem>>, vector<16xf32>,
    %add3A_608 = arith.constant 2741 : i32
    %add3A_609 = vector.broadcast %add3A_608 : i32 to vector<16xi32>
    %add3A_610 = arith.addi %add3A_609, %iota3A : vector<16xi32>
    tpu.vector_store_idx %arg6[%add3A_610], %get3A_607 : memref<3096xf32, #tpu.memory_space<vmem>>[vector<16xi32>], vector<16xf32>,
    %get3A_611 = arith.constant 21 : i32
    %get3A_612 = arith.index_cast %get3A_611 : i32 to index
    %get3A_613 = arith.constant 48 : index
    %get3A_614 = tpu.vector_load %arg5[%get3A_612, %get3A_613] {strides = array<i32>} : memref<24x128xf32, #tpu.memory_space<vmem>>, vector<16xf32>,
    %add3A_615 = arith.constant 2757 : i32
    %add3A_616 = vector.broadcast %add3A_615 : i32 to vector<16xi32>
    %add3A_617 = arith.addi %add3A_616, %iota3A : vector<16xi32>
    tpu.vector_store_idx %arg6[%add3A_617], %get3A_614 : memref<3096xf32, #tpu.memory_space<vmem>>[vector<16xi32>], vector<16xf32>,
    %get3A_618 = arith.constant 22 : i32
    %get3A_619 = arith.index_cast %get3A_618 : i32 to index
    %get3A_620 = arith.constant 0 : index
    %get3A_621 = tpu.vector_load %arg5[%get3A_619, %get3A_620] {strides = array<i32>} : memref<24x128xf32, #tpu.memory_space<vmem>>, vector<16xf32>,
    %add3A_622 = arith.constant 2838 : i32
    %add3A_623 = vector.broadcast %add3A_622 : i32 to vector<16xi32>
    %add3A_624 = arith.addi %add3A_623, %iota3A : vector<16xi32>
    tpu.vector_store_idx %arg6[%add3A_624], %get3A_621 : memref<3096xf32, #tpu.memory_space<vmem>>[vector<16xi32>], vector<16xf32>,
    %get3A_625 = arith.constant 22 : i32
    %get3A_626 = arith.index_cast %get3A_625 : i32 to index
    %get3A_627 = arith.constant 16 : index
    %get3A_628 = tpu.vector_load %arg5[%get3A_626, %get3A_627] {strides = array<i32>} : memref<24x128xf32, #tpu.memory_space<vmem>>, vector<16xf32>,
    %add3A_629 = arith.constant 2854 : i32
    %add3A_630 = vector.broadcast %add3A_629 : i32 to vector<16xi32>
    %add3A_631 = arith.addi %add3A_630, %iota3A : vector<16xi32>
    tpu.vector_store_idx %arg6[%add3A_631], %get3A_628 : memref<3096xf32, #tpu.memory_space<vmem>>[vector<16xi32>], vector<16xf32>,
    %get3A_632 = arith.constant 22 : i32
    %get3A_633 = arith.index_cast %get3A_632 : i32 to index
    %get3A_634 = arith.constant 32 : index
    %get3A_635 = tpu.vector_load %arg5[%get3A_633, %get3A_634] {strides = array<i32>} : memref<24x128xf32, #tpu.memory_space<vmem>>, vector<16xf32>,
    %add3A_636 = arith.constant 2870 : i32
    %add3A_637 = vector.broadcast %add3A_636 : i32 to vector<16xi32>
    %add3A_638 = arith.addi %add3A_637, %iota3A : vector<16xi32>
    tpu.vector_store_idx %arg6[%add3A_638], %get3A_635 : memref<3096xf32, #tpu.memory_space<vmem>>[vector<16xi32>], vector<16xf32>,
    %get3A_639 = arith.constant 22 : i32
    %get3A_640 = arith.index_cast %get3A_639 : i32 to index
    %get3A_641 = arith.constant 48 : index
    %get3A_642 = tpu.vector_load %arg5[%get3A_640, %get3A_641] {strides = array<i32>} : memref<24x128xf32, #tpu.memory_space<vmem>>, vector<16xf32>,
    %add3A_643 = arith.constant 2886 : i32
    %add3A_644 = vector.broadcast %add3A_643 : i32 to vector<16xi32>
    %add3A_645 = arith.addi %add3A_644, %iota3A : vector<16xi32>
    tpu.vector_store_idx %arg6[%add3A_645], %get3A_642 : memref<3096xf32, #tpu.memory_space<vmem>>[vector<16xi32>], vector<16xf32>,
    %get3A_646 = arith.constant 23 : i32
    %get3A_647 = arith.index_cast %get3A_646 : i32 to index
    %get3A_648 = arith.constant 0 : index
    %get3A_649 = tpu.vector_load %arg5[%get3A_647, %get3A_648] {strides = array<i32>} : memref<24x128xf32, #tpu.memory_space<vmem>>, vector<16xf32>,
    %add3A_650 = arith.constant 2967 : i32
    %add3A_651 = vector.broadcast %add3A_650 : i32 to vector<16xi32>
    %add3A_652 = arith.addi %add3A_651, %iota3A : vector<16xi32>
    tpu.vector_store_idx %arg6[%add3A_652], %get3A_649 : memref<3096xf32, #tpu.memory_space<vmem>>[vector<16xi32>], vector<16xf32>,
    %get3A_653 = arith.constant 23 : i32
    %get3A_654 = arith.index_cast %get3A_653 : i32 to index
    %get3A_655 = arith.constant 16 : index
    %get3A_656 = tpu.vector_load %arg5[%get3A_654, %get3A_655] {strides = array<i32>} : memref<24x128xf32, #tpu.memory_space<vmem>>, vector<16xf32>,
    %add3A_657 = arith.constant 2983 : i32
    %add3A_658 = vector.broadcast %add3A_657 : i32 to vector<16xi32>
    %add3A_659 = arith.addi %add3A_658, %iota3A : vector<16xi32>
    tpu.vector_store_idx %arg6[%add3A_659], %get3A_656 : memref<3096xf32, #tpu.memory_space<vmem>>[vector<16xi32>], vector<16xf32>,
    %get3A_660 = arith.constant 23 : i32
    %get3A_661 = arith.index_cast %get3A_660 : i32 to index
    %get3A_662 = arith.constant 32 : index
    %get3A_663 = tpu.vector_load %arg5[%get3A_661, %get3A_662] {strides = array<i32>} : memref<24x128xf32, #tpu.memory_space<vmem>>, vector<16xf32>,
    %add3A_664 = arith.constant 2999 : i32
    %add3A_665 = vector.broadcast %add3A_664 : i32 to vector<16xi32>
    %add3A_666 = arith.addi %add3A_665, %iota3A : vector<16xi32>
    tpu.vector_store_idx %arg6[%add3A_666], %get3A_663 : memref<3096xf32, #tpu.memory_space<vmem>>[vector<16xi32>], vector<16xf32>,
    %get3A_667 = arith.constant 23 : i32
    %get3A_668 = arith.index_cast %get3A_667 : i32 to index
    %get3A_669 = arith.constant 48 : index
    %get3A_670 = tpu.vector_load %arg5[%get3A_668, %get3A_669] {strides = array<i32>} : memref<24x128xf32, #tpu.memory_space<vmem>>, vector<16xf32>,
    %add3A_671 = arith.constant 3015 : i32
    %add3A_672 = vector.broadcast %add3A_671 : i32 to vector<16xi32>
    %add3A_673 = arith.addi %add3A_672, %iota3A : vector<16xi32>
    tpu.vector_store_idx %arg6[%add3A_673], %get3A_670 : memref<3096xf32, #tpu.memory_space<vmem>>[vector<16xi32>], vector<16xf32>,
    %mul3A_674 = arith.constant 200 : i32
    %mul3A_675 = vector.broadcast %mul3A_674 : i32 to vector<16xi32>
    %mul3A_676 = arith.muli %iota3A, %mul3A_675 : vector<16xi32>
    %scan3A = arith.constant 0 : i32
    %scan3A_677 = arith.constant 0 : i32
    %scan3A_678 = arith.constant 4 : i32
    %scan3A_679 = arith.addi %scan3A_677, %scan3A_678 : i32
    %scan3A_680 = arith.constant 1 : i32
    scf.for %scan3A_715 = %scan3A_677 to %scan3A_679 step %scan3A_680  : i32 {
      %mul3A_716 = arith.constant 128 : i32
      %mul3A_717 = arith.muli %scan3A_715, %mul3A_716 : i32
      %add3A_718 = arith.addi %mul3A_2, %mul3A_717 : i32
      %multiple_of3A_719 = tpu.assume_multiple %add3A_718, 128 : i32
      %mul3A_720 = arith.constant 200 : i32
      %mul3A_721 = arith.muli %multiple_of3A_719, %mul3A_720 : i32
      %multiple_of3A_722 = tpu.assume_multiple %mul3A_721, 8 : i32
      "tpu.region"() ({
        %run_scoped3A = tpu.sem_alloc : memref<!tpu.dma_semaphore, #tpu.memory_space<semaphore_mem>>
        %dma_start3A = tpu.memref_slice %arg3[%multiple_of3A_722] : memref<3276800xi32, #tpu.memory_space<hbm>> -> memref<25600xi32, #tpu.memory_space<hbm>>
        %dma_start3A_729 = tpu.memref_slice %arg3[%multiple_of3A_722] : memref<3276800xi32, #tpu.memory_space<hbm>> -> memref<25600xi32, #tpu.memory_space<hbm>>
        tpu.enqueue_dma source(%dma_start3A_729 : memref<25600xi32, #tpu.memory_space<hbm>>) target(%arg7 : memref<25600xi32, #tpu.memory_space<vmem>>) target_semaphore(%run_scoped3A : memref<!tpu.dma_semaphore, #tpu.memory_space<semaphore_mem>>)
        %dma_wait3A_730 = tpu.memref_slice %arg3[%multiple_of3A_722] : memref<3276800xi32, #tpu.memory_space<hbm>> -> memref<25600xi32, #tpu.memory_space<hbm>>
        %dma_wait3A_731 = tpu.memref_slice %arg3[%multiple_of3A_722] : memref<3276800xi32, #tpu.memory_space<hbm>> -> memref<25600xi32, #tpu.memory_space<hbm>>
        tpu.wait_dma2 semaphore(%run_scoped3A : memref<!tpu.dma_semaphore, #tpu.memory_space<semaphore_mem>>) src(%dma_wait3A_731 : memref<25600xi32, #tpu.memory_space<hbm>>) dst(%arg7 : memref<25600xi32, #tpu.memory_space<vmem>>)
        tpu.yield
      }) : () -> ()
      %scan3A_723 = arith.constant 0 : i32
      %scan3A_724 = arith.constant 0 : i32
      %scan3A_725 = arith.constant 100 : i32
      %scan3A_726 = arith.addi %scan3A_724, %scan3A_725 : i32
      %scan3A_727 = arith.constant 1 : i32
      scf.for %scan3A_729 = %scan3A_724 to %scan3A_726 step %scan3A_727  : i32 {
        %mul3A_730 = arith.constant 2 : i32
        %mul3A_731 = arith.muli %mul3A_730, %scan3A_729 : i32
        %add3A_732 = arith.constant 0 : i32
        %add3A_733 = arith.addi %mul3A_731, %add3A_732 : i32
        %ge3A = arith.constant 1 : i32
        %ge3A_734 = arith.cmpi sge, %scan3A_729, %ge3A : i32
        %gt3A = arith.constant 0 : i32
        %gt3A_735 = arith.cmpi sgt, %scan3A_715, %gt3A : i32
        %or3A = arith.ori %ge3A_734, %gt3A_735 : i1
        %convert_element_type3A = arith.extui %or3A : i1 to i32
        %cond3A = arith.constant 0 : i32
        %cond3A_736 = arith.cmpi ne, %convert_element_type3A, %cond3A : i32
        scf.if %cond3A_736 {
          %dma_wait3A_910 = arith.constant 0 : i32
          %dma_wait3A_911 = arith.constant 0 : i32
          %dma_wait3A_912 = arith.constant 0 : i32
          %dma_wait3A_913 = tpu.memref_slice %arg8[%dma_wait3A_910, %dma_wait3A_911, %dma_wait3A_912] : memref<2x64x128xf32, #tpu.memory_space<vmem>> -> memref<1x64x128xf32, #tpu.memory_space<vmem>>
          %dma_wait3A_914 = tpu.memref_squeeze %dma_wait3A_913 : memref<1x64x128xf32, #tpu.memory_space<vmem>> -> memref<64x128xf32, #tpu.memory_space<vmem>>
          %dma_wait3A_915 = arith.constant 0 : i32
          %dma_wait3A_916 = tpu.memref_slice %arg4[%add3A_733, %dma_wait3A_915, %multiple_of3A_719] : memref<200x64x16384xf32, #tpu.memory_space<hbm>> -> memref<1x64x128xf32, #tpu.memory_space<hbm>>
          %dma_wait3A_917 = tpu.memref_squeeze %dma_wait3A_916 : memref<1x64x128xf32, #tpu.memory_space<hbm>> -> memref<64x128xf32, #tpu.memory_space<hbm>>
          %dma_wait3A_918 = arith.constant 0 : i32
          %dma_wait3A_919 = tpu.memref_slice %arg4[%add3A_733, %dma_wait3A_918, %multiple_of3A_719] : memref<200x64x16384xf32, #tpu.memory_space<hbm>> -> memref<1x64x128xf32, #tpu.memory_space<hbm>>
          %dma_wait3A_920 = tpu.memref_squeeze %dma_wait3A_919 : memref<1x64x128xf32, #tpu.memory_space<hbm>> -> memref<64x128xf32, #tpu.memory_space<hbm>>
          %dma_wait3A_921 = arith.constant 0 : i32
          %dma_wait3A_922 = arith.constant 0 : i32
          %dma_wait3A_923 = tpu.memref_slice %arg8[%dma_wait3A_910, %dma_wait3A_921, %dma_wait3A_922] : memref<2x64x128xf32, #tpu.memory_space<vmem>> -> memref<1x64x128xf32, #tpu.memory_space<vmem>>
          %dma_wait3A_924 = tpu.memref_squeeze %dma_wait3A_923 : memref<1x64x128xf32, #tpu.memory_space<vmem>> -> memref<64x128xf32, #tpu.memory_space<vmem>>
          tpu.wait_dma2 semaphore(%arg9 : memref<!tpu.dma_semaphore, #tpu.memory_space<semaphore_mem>>) src(%dma_wait3A_924 : memref<64x128xf32, #tpu.memory_space<vmem>>) dst(%dma_wait3A_920 : memref<64x128xf32, #tpu.memory_space<hbm>>)
        } else {
        }
        %add3A_737 = arith.constant 0 : i32
        %add3A_738 = arith.addi %add3A_733, %add3A_737 : i32
        %add3A_739 = vector.broadcast %add3A_738 : i32 to vector<16xi32>
        %add3A_740 = arith.addi %mul3A_676, %add3A_739 : vector<16xi32>
        %gather3A = tpu.vector_load_idx %arg7[%add3A_740] : memref<25600xi32, #tpu.memory_space<vmem>>[vector<16xi32>], vector<16xi32>,
        %mul3A_741 = arith.constant 129 : i32
        %mul3A_742 = vector.broadcast %mul3A_741 : i32 to vector<16xi32>
        %mul3A_743 = arith.muli %gather3A, %mul3A_742 : vector<16xi32>
        %add3A_744 = arith.constant 3200 : i32
        %add3A_745 = arith.addi %add3A_733, %add3A_744 : i32
        %add3A_746 = vector.broadcast %add3A_745 : i32 to vector<16xi32>
        %add3A_747 = arith.addi %mul3A_676, %add3A_746 : vector<16xi32>
        %gather3A_748 = tpu.vector_load_idx %arg7[%add3A_747] : memref<25600xi32, #tpu.memory_space<vmem>>[vector<16xi32>], vector<16xi32>,
        %mul3A_749 = arith.constant 129 : i32
        %mul3A_750 = vector.broadcast %mul3A_749 : i32 to vector<16xi32>
        %mul3A_751 = arith.muli %gather3A_748, %mul3A_750 : vector<16xi32>
        %add3A_752 = arith.constant 6400 : i32
        %add3A_753 = arith.addi %add3A_733, %add3A_752 : i32
        %add3A_754 = vector.broadcast %add3A_753 : i32 to vector<16xi32>
        %add3A_755 = arith.addi %mul3A_676, %add3A_754 : vector<16xi32>
        %gather3A_756 = tpu.vector_load_idx %arg7[%add3A_755] : memref<25600xi32, #tpu.memory_space<vmem>>[vector<16xi32>], vector<16xi32>,
        %mul3A_757 = arith.constant 129 : i32
        %mul3A_758 = vector.broadcast %mul3A_757 : i32 to vector<16xi32>
        %mul3A_759 = arith.muli %gather3A_756, %mul3A_758 : vector<16xi32>
        %add3A_760 = arith.constant 9600 : i32
        %add3A_761 = arith.addi %add3A_733, %add3A_760 : i32
        %add3A_762 = vector.broadcast %add3A_761 : i32 to vector<16xi32>
        %add3A_763 = arith.addi %mul3A_676, %add3A_762 : vector<16xi32>
        %gather3A_764 = tpu.vector_load_idx %arg7[%add3A_763] : memref<25600xi32, #tpu.memory_space<vmem>>[vector<16xi32>], vector<16xi32>,
        %mul3A_765 = arith.constant 129 : i32
        %mul3A_766 = vector.broadcast %mul3A_765 : i32 to vector<16xi32>
        %mul3A_767 = arith.muli %gather3A_764, %mul3A_766 : vector<16xi32>
        %add3A_768 = arith.constant 12800 : i32
        %add3A_769 = arith.addi %add3A_733, %add3A_768 : i32
        %add3A_770 = vector.broadcast %add3A_769 : i32 to vector<16xi32>
        %add3A_771 = arith.addi %mul3A_676, %add3A_770 : vector<16xi32>
        %gather3A_772 = tpu.vector_load_idx %arg7[%add3A_771] : memref<25600xi32, #tpu.memory_space<vmem>>[vector<16xi32>], vector<16xi32>,
        %mul3A_773 = arith.constant 129 : i32
        %mul3A_774 = vector.broadcast %mul3A_773 : i32 to vector<16xi32>
        %mul3A_775 = arith.muli %gather3A_772, %mul3A_774 : vector<16xi32>
        %add3A_776 = arith.constant 16000 : i32
        %add3A_777 = arith.addi %add3A_733, %add3A_776 : i32
        %add3A_778 = vector.broadcast %add3A_777 : i32 to vector<16xi32>
        %add3A_779 = arith.addi %mul3A_676, %add3A_778 : vector<16xi32>
        %gather3A_780 = tpu.vector_load_idx %arg7[%add3A_779] : memref<25600xi32, #tpu.memory_space<vmem>>[vector<16xi32>], vector<16xi32>,
        %mul3A_781 = arith.constant 129 : i32
        %mul3A_782 = vector.broadcast %mul3A_781 : i32 to vector<16xi32>
        %mul3A_783 = arith.muli %gather3A_780, %mul3A_782 : vector<16xi32>
        %add3A_784 = arith.constant 19200 : i32
        %add3A_785 = arith.addi %add3A_733, %add3A_784 : i32
        %add3A_786 = vector.broadcast %add3A_785 : i32 to vector<16xi32>
        %add3A_787 = arith.addi %mul3A_676, %add3A_786 : vector<16xi32>
        %gather3A_788 = tpu.vector_load_idx %arg7[%add3A_787] : memref<25600xi32, #tpu.memory_space<vmem>>[vector<16xi32>], vector<16xi32>,
        %mul3A_789 = arith.constant 129 : i32
        %mul3A_790 = vector.broadcast %mul3A_789 : i32 to vector<16xi32>
        %mul3A_791 = arith.muli %gather3A_788, %mul3A_790 : vector<16xi32>
        %add3A_792 = arith.constant 22400 : i32
        %add3A_793 = arith.addi %add3A_733, %add3A_792 : i32
        %add3A_794 = vector.broadcast %add3A_793 : i32 to vector<16xi32>
        %add3A_795 = arith.addi %mul3A_676, %add3A_794 : vector<16xi32>
        %gather3A_796 = tpu.vector_load_idx %arg7[%add3A_795] : memref<25600xi32, #tpu.memory_space<vmem>>[vector<16xi32>], vector<16xi32>,
        %mul3A_797 = arith.constant 129 : i32
        %mul3A_798 = vector.broadcast %mul3A_797 : i32 to vector<16xi32>
        %mul3A_799 = arith.muli %gather3A_796, %mul3A_798 : vector<16xi32>
        %parallel_loop3A = arith.constant 0 : i32
        %parallel_loop3A_800 = arith.constant 64 : i32
        %parallel_loop3A_801 = arith.constant 1 : i32
        scf.for %parallel_loop3A_910 = %parallel_loop3A to %parallel_loop3A_800 step %parallel_loop3A_801  : i32 {
          %parallel_loop3A_911 = vector.broadcast %parallel_loop3A_910 : i32 to vector<16xi32>
          %parallel_loop3A_912 = arith.addi %mul3A_743, %parallel_loop3A_911 : vector<16xi32>
          %parallel_loop3A_913 = tpu.vector_load_idx %arg6[%parallel_loop3A_912] : memref<3096xf32, #tpu.memory_space<vmem>>[vector<16xi32>], vector<16xf32>,
          %parallel_loop3A_914 = arith.constant 0 : i32
          %parallel_loop3A_915 = arith.index_cast %parallel_loop3A_914 : i32 to index
          %parallel_loop3A_916 = arith.index_cast %parallel_loop3A_910 : i32 to index
          %parallel_loop3A_917 = arith.constant 0 : index
          %parallel_loop3A_918 = tpu.vector_load %arg8[%parallel_loop3A_915, %parallel_loop3A_916, %parallel_loop3A_917] {strides = array<i32>} : memref<2x64x128xf32, #tpu.memory_space<vmem>>, vector<16xf32>,
          tpu.vector_store %arg8[%parallel_loop3A_915, %parallel_loop3A_916, %parallel_loop3A_917], %parallel_loop3A_913 {strides = array<i32>} : memref<2x64x128xf32, #tpu.memory_space<vmem>>, vector<16xf32>,
          %parallel_loop3A_919 = arith.addi %mul3A_751, %parallel_loop3A_911 : vector<16xi32>
          %parallel_loop3A_920 = tpu.vector_load_idx %arg6[%parallel_loop3A_919] : memref<3096xf32, #tpu.memory_space<vmem>>[vector<16xi32>], vector<16xf32>,
          %parallel_loop3A_921 = arith.constant 0 : i32
          %parallel_loop3A_922 = arith.index_cast %parallel_loop3A_921 : i32 to index
          %parallel_loop3A_923 = arith.index_cast %parallel_loop3A_910 : i32 to index
          %parallel_loop3A_924 = arith.constant 16 : index
          %parallel_loop3A_925 = tpu.vector_load %arg8[%parallel_loop3A_922, %parallel_loop3A_923, %parallel_loop3A_924] {strides = array<i32>} : memref<2x64x128xf32, #tpu.memory_space<vmem>>, vector<16xf32>,
          tpu.vector_store %arg8[%parallel_loop3A_922, %parallel_loop3A_923, %parallel_loop3A_924], %parallel_loop3A_920 {strides = array<i32>} : memref<2x64x128xf32, #tpu.memory_space<vmem>>, vector<16xf32>,
          %parallel_loop3A_926 = arith.addi %mul3A_759, %parallel_loop3A_911 : vector<16xi32>
          %parallel_loop3A_927 = tpu.vector_load_idx %arg6[%parallel_loop3A_926] : memref<3096xf32, #tpu.memory_space<vmem>>[vector<16xi32>], vector<16xf32>,
          %parallel_loop3A_928 = arith.constant 0 : i32
          %parallel_loop3A_929 = arith.index_cast %parallel_loop3A_928 : i32 to index
          %parallel_loop3A_930 = arith.index_cast %parallel_loop3A_910 : i32 to index
          %parallel_loop3A_931 = arith.constant 32 : index
          %parallel_loop3A_932 = tpu.vector_load %arg8[%parallel_loop3A_929, %parallel_loop3A_930, %parallel_loop3A_931] {strides = array<i32>} : memref<2x64x128xf32, #tpu.memory_space<vmem>>, vector<16xf32>,
          tpu.vector_store %arg8[%parallel_loop3A_929, %parallel_loop3A_930, %parallel_loop3A_931], %parallel_loop3A_927 {strides = array<i32>} : memref<2x64x128xf32, #tpu.memory_space<vmem>>, vector<16xf32>,
          %parallel_loop3A_933 = arith.addi %mul3A_767, %parallel_loop3A_911 : vector<16xi32>
          %parallel_loop3A_934 = tpu.vector_load_idx %arg6[%parallel_loop3A_933] : memref<3096xf32, #tpu.memory_space<vmem>>[vector<16xi32>], vector<16xf32>,
          %parallel_loop3A_935 = arith.constant 0 : i32
          %parallel_loop3A_936 = arith.index_cast %parallel_loop3A_935 : i32 to index
          %parallel_loop3A_937 = arith.index_cast %parallel_loop3A_910 : i32 to index
          %parallel_loop3A_938 = arith.constant 48 : index
          %parallel_loop3A_939 = tpu.vector_load %arg8[%parallel_loop3A_936, %parallel_loop3A_937, %parallel_loop3A_938] {strides = array<i32>} : memref<2x64x128xf32, #tpu.memory_space<vmem>>, vector<16xf32>,
          tpu.vector_store %arg8[%parallel_loop3A_936, %parallel_loop3A_937, %parallel_loop3A_938], %parallel_loop3A_934 {strides = array<i32>} : memref<2x64x128xf32, #tpu.memory_space<vmem>>, vector<16xf32>,
          %parallel_loop3A_940 = arith.addi %mul3A_775, %parallel_loop3A_911 : vector<16xi32>
          %parallel_loop3A_941 = tpu.vector_load_idx %arg6[%parallel_loop3A_940] : memref<3096xf32, #tpu.memory_space<vmem>>[vector<16xi32>], vector<16xf32>,
          %parallel_loop3A_942 = arith.constant 0 : i32
          %parallel_loop3A_943 = arith.index_cast %parallel_loop3A_942 : i32 to index
          %parallel_loop3A_944 = arith.index_cast %parallel_loop3A_910 : i32 to index
          %parallel_loop3A_945 = arith.constant 64 : index
          %parallel_loop3A_946 = tpu.vector_load %arg8[%parallel_loop3A_943, %parallel_loop3A_944, %parallel_loop3A_945] {strides = array<i32>} : memref<2x64x128xf32, #tpu.memory_space<vmem>>, vector<16xf32>,
          tpu.vector_store %arg8[%parallel_loop3A_943, %parallel_loop3A_944, %parallel_loop3A_945], %parallel_loop3A_941 {strides = array<i32>} : memref<2x64x128xf32, #tpu.memory_space<vmem>>, vector<16xf32>,
          %parallel_loop3A_947 = arith.addi %mul3A_783, %parallel_loop3A_911 : vector<16xi32>
          %parallel_loop3A_948 = tpu.vector_load_idx %arg6[%parallel_loop3A_947] : memref<3096xf32, #tpu.memory_space<vmem>>[vector<16xi32>], vector<16xf32>,
          %parallel_loop3A_949 = arith.constant 0 : i32
          %parallel_loop3A_950 = arith.index_cast %parallel_loop3A_949 : i32 to index
          %parallel_loop3A_951 = arith.index_cast %parallel_loop3A_910 : i32 to index
          %parallel_loop3A_952 = arith.constant 80 : index
          %parallel_loop3A_953 = tpu.vector_load %arg8[%parallel_loop3A_950, %parallel_loop3A_951, %parallel_loop3A_952] {strides = array<i32>} : memref<2x64x128xf32, #tpu.memory_space<vmem>>, vector<16xf32>,
          tpu.vector_store %arg8[%parallel_loop3A_950, %parallel_loop3A_951, %parallel_loop3A_952], %parallel_loop3A_948 {strides = array<i32>} : memref<2x64x128xf32, #tpu.memory_space<vmem>>, vector<16xf32>,
          %parallel_loop3A_954 = arith.addi %mul3A_791, %parallel_loop3A_911 : vector<16xi32>
          %parallel_loop3A_955 = tpu.vector_load_idx %arg6[%parallel_loop3A_954] : memref<3096xf32, #tpu.memory_space<vmem>>[vector<16xi32>], vector<16xf32>,
          %parallel_loop3A_956 = arith.constant 0 : i32
          %parallel_loop3A_957 = arith.index_cast %parallel_loop3A_956 : i32 to index
          %parallel_loop3A_958 = arith.index_cast %parallel_loop3A_910 : i32 to index
          %parallel_loop3A_959 = arith.constant 96 : index
          %parallel_loop3A_960 = tpu.vector_load %arg8[%parallel_loop3A_957, %parallel_loop3A_958, %parallel_loop3A_959] {strides = array<i32>} : memref<2x64x128xf32, #tpu.memory_space<vmem>>, vector<16xf32>,
          tpu.vector_store %arg8[%parallel_loop3A_957, %parallel_loop3A_958, %parallel_loop3A_959], %parallel_loop3A_955 {strides = array<i32>} : memref<2x64x128xf32, #tpu.memory_space<vmem>>, vector<16xf32>,
          %parallel_loop3A_961 = arith.addi %mul3A_799, %parallel_loop3A_911 : vector<16xi32>
          %parallel_loop3A_962 = tpu.vector_load_idx %arg6[%parallel_loop3A_961] : memref<3096xf32, #tpu.memory_space<vmem>>[vector<16xi32>], vector<16xf32>,
          %parallel_loop3A_963 = arith.constant 0 : i32
          %parallel_loop3A_964 = arith.index_cast %parallel_loop3A_963 : i32 to index
          %parallel_loop3A_965 = arith.index_cast %parallel_loop3A_910 : i32 to index
          %parallel_loop3A_966 = arith.constant 112 : index
          %parallel_loop3A_967 = tpu.vector_load %arg8[%parallel_loop3A_964, %parallel_loop3A_965, %parallel_loop3A_966] {strides = array<i32>} : memref<2x64x128xf32, #tpu.memory_space<vmem>>, vector<16xf32>,
          tpu.vector_store %arg8[%parallel_loop3A_964, %parallel_loop3A_965, %parallel_loop3A_966], %parallel_loop3A_962 {strides = array<i32>} : memref<2x64x128xf32, #tpu.memory_space<vmem>>, vector<16xf32>,
        } {sc.loop_unroll_factor = 16 : i64, sc.parallel_access}
        %dma_start3A = arith.constant 0 : i32
        %dma_start3A_802 = arith.constant 0 : i32
        %dma_start3A_803 = arith.constant 0 : i32
        %dma_start3A_804 = tpu.memref_slice %arg8[%dma_start3A, %dma_start3A_802, %dma_start3A_803] : memref<2x64x128xf32, #tpu.memory_space<vmem>> -> memref<1x64x128xf32, #tpu.memory_space<vmem>>
        %dma_start3A_805 = tpu.memref_squeeze %dma_start3A_804 : memref<1x64x128xf32, #tpu.memory_space<vmem>> -> memref<64x128xf32, #tpu.memory_space<vmem>>
        %dma_start3A_806 = arith.constant 0 : i32
        %dma_start3A_807 = tpu.memref_slice %arg4[%add3A_733, %dma_start3A_806, %multiple_of3A_719] : memref<200x64x16384xf32, #tpu.memory_space<hbm>> -> memref<1x64x128xf32, #tpu.memory_space<hbm>>
        %dma_start3A_808 = tpu.memref_squeeze %dma_start3A_807 : memref<1x64x128xf32, #tpu.memory_space<hbm>> -> memref<64x128xf32, #tpu.memory_space<hbm>>
        %dma_start3A_809 = arith.constant 0 : i32
        %dma_start3A_810 = tpu.memref_slice %arg4[%add3A_733, %dma_start3A_809, %multiple_of3A_719] : memref<200x64x16384xf32, #tpu.memory_space<hbm>> -> memref<1x64x128xf32, #tpu.memory_space<hbm>>
        %dma_start3A_811 = tpu.memref_squeeze %dma_start3A_810 : memref<1x64x128xf32, #tpu.memory_space<hbm>> -> memref<64x128xf32, #tpu.memory_space<hbm>>
        %dma_start3A_812 = arith.constant 0 : i32
        %dma_start3A_813 = arith.constant 0 : i32
        %dma_start3A_814 = tpu.memref_slice %arg8[%dma_start3A, %dma_start3A_812, %dma_start3A_813] : memref<2x64x128xf32, #tpu.memory_space<vmem>> -> memref<1x64x128xf32, #tpu.memory_space<vmem>>
        %dma_start3A_815 = tpu.memref_squeeze %dma_start3A_814 : memref<1x64x128xf32, #tpu.memory_space<vmem>> -> memref<64x128xf32, #tpu.memory_space<vmem>>
        tpu.enqueue_dma source(%dma_start3A_815 : memref<64x128xf32, #tpu.memory_space<vmem>>) target(%dma_start3A_811 : memref<64x128xf32, #tpu.memory_space<hbm>>) target_semaphore(%arg9 : memref<!tpu.dma_semaphore, #tpu.memory_space<semaphore_mem>>)
        %mul3A_816 = arith.constant 2 : i32
        %mul3A_817 = arith.muli %mul3A_816, %scan3A_729 : i32
        %add3A_818 = arith.constant 1 : i32
        %add3A_819 = arith.addi %mul3A_817, %add3A_818 : i32
        %ge3A_820 = arith.constant 1 : i32
        %ge3A_821 = arith.cmpi sge, %scan3A_729, %ge3A_820 : i32
        %gt3A_822 = arith.constant 0 : i32
        %gt3A_823 = arith.cmpi sgt, %scan3A_715, %gt3A_822 : i32
        %or3A_824 = arith.ori %ge3A_821, %gt3A_823 : i1
        %convert_element_type3A_825 = arith.extui %or3A_824 : i1 to i32
        %cond3A_826 = arith.constant 0 : i32
        %cond3A_827 = arith.cmpi ne, %convert_element_type3A_825, %cond3A_826 : i32
        scf.if %cond3A_827 {
          %dma_wait3A_910 = arith.constant 1 : i32
          %dma_wait3A_911 = arith.constant 0 : i32
          %dma_wait3A_912 = arith.constant 0 : i32
          %dma_wait3A_913 = tpu.memref_slice %arg8[%dma_wait3A_910, %dma_wait3A_911, %dma_wait3A_912] : memref<2x64x128xf32, #tpu.memory_space<vmem>> -> memref<1x64x128xf32, #tpu.memory_space<vmem>>
          %dma_wait3A_914 = tpu.memref_squeeze %dma_wait3A_913 : memref<1x64x128xf32, #tpu.memory_space<vmem>> -> memref<64x128xf32, #tpu.memory_space<vmem>>
          %dma_wait3A_915 = arith.constant 0 : i32
          %dma_wait3A_916 = tpu.memref_slice %arg4[%add3A_819, %dma_wait3A_915, %multiple_of3A_719] : memref<200x64x16384xf32, #tpu.memory_space<hbm>> -> memref<1x64x128xf32, #tpu.memory_space<hbm>>
          %dma_wait3A_917 = tpu.memref_squeeze %dma_wait3A_916 : memref<1x64x128xf32, #tpu.memory_space<hbm>> -> memref<64x128xf32, #tpu.memory_space<hbm>>
          %dma_wait3A_918 = arith.constant 0 : i32
          %dma_wait3A_919 = tpu.memref_slice %arg4[%add3A_819, %dma_wait3A_918, %multiple_of3A_719] : memref<200x64x16384xf32, #tpu.memory_space<hbm>> -> memref<1x64x128xf32, #tpu.memory_space<hbm>>
          %dma_wait3A_920 = tpu.memref_squeeze %dma_wait3A_919 : memref<1x64x128xf32, #tpu.memory_space<hbm>> -> memref<64x128xf32, #tpu.memory_space<hbm>>
          %dma_wait3A_921 = arith.constant 0 : i32
          %dma_wait3A_922 = arith.constant 0 : i32
          %dma_wait3A_923 = tpu.memref_slice %arg8[%dma_wait3A_910, %dma_wait3A_921, %dma_wait3A_922] : memref<2x64x128xf32, #tpu.memory_space<vmem>> -> memref<1x64x128xf32, #tpu.memory_space<vmem>>
          %dma_wait3A_924 = tpu.memref_squeeze %dma_wait3A_923 : memref<1x64x128xf32, #tpu.memory_space<vmem>> -> memref<64x128xf32, #tpu.memory_space<vmem>>
          tpu.wait_dma2 semaphore(%arg10 : memref<!tpu.dma_semaphore, #tpu.memory_space<semaphore_mem>>) src(%dma_wait3A_924 : memref<64x128xf32, #tpu.memory_space<vmem>>) dst(%dma_wait3A_920 : memref<64x128xf32, #tpu.memory_space<hbm>>)
        } else {
        }
        %add3A_828 = arith.constant 0 : i32
        %add3A_829 = arith.addi %add3A_819, %add3A_828 : i32
        %add3A_830 = vector.broadcast %add3A_829 : i32 to vector<16xi32>
        %add3A_831 = arith.addi %mul3A_676, %add3A_830 : vector<16xi32>
        %gather3A_832 = tpu.vector_load_idx %arg7[%add3A_831] : memref<25600xi32, #tpu.memory_space<vmem>>[vector<16xi32>], vector<16xi32>,
        %mul3A_833 = arith.constant 129 : i32
        %mul3A_834 = vector.broadcast %mul3A_833 : i32 to vector<16xi32>
        %mul3A_835 = arith.muli %gather3A_832, %mul3A_834 : vector<16xi32>
        %add3A_836 = arith.constant 3200 : i32
        %add3A_837 = arith.addi %add3A_819, %add3A_836 : i32
        %add3A_838 = vector.broadcast %add3A_837 : i32 to vector<16xi32>
        %add3A_839 = arith.addi %mul3A_676, %add3A_838 : vector<16xi32>
        %gather3A_840 = tpu.vector_load_idx %arg7[%add3A_839] : memref<25600xi32, #tpu.memory_space<vmem>>[vector<16xi32>], vector<16xi32>,
        %mul3A_841 = arith.constant 129 : i32
        %mul3A_842 = vector.broadcast %mul3A_841 : i32 to vector<16xi32>
        %mul3A_843 = arith.muli %gather3A_840, %mul3A_842 : vector<16xi32>
        %add3A_844 = arith.constant 6400 : i32
        %add3A_845 = arith.addi %add3A_819, %add3A_844 : i32
        %add3A_846 = vector.broadcast %add3A_845 : i32 to vector<16xi32>
        %add3A_847 = arith.addi %mul3A_676, %add3A_846 : vector<16xi32>
        %gather3A_848 = tpu.vector_load_idx %arg7[%add3A_847] : memref<25600xi32, #tpu.memory_space<vmem>>[vector<16xi32>], vector<16xi32>,
        %mul3A_849 = arith.constant 129 : i32
        %mul3A_850 = vector.broadcast %mul3A_849 : i32 to vector<16xi32>
        %mul3A_851 = arith.muli %gather3A_848, %mul3A_850 : vector<16xi32>
        %add3A_852 = arith.constant 9600 : i32
        %add3A_853 = arith.addi %add3A_819, %add3A_852 : i32
        %add3A_854 = vector.broadcast %add3A_853 : i32 to vector<16xi32>
        %add3A_855 = arith.addi %mul3A_676, %add3A_854 : vector<16xi32>
        %gather3A_856 = tpu.vector_load_idx %arg7[%add3A_855] : memref<25600xi32, #tpu.memory_space<vmem>>[vector<16xi32>], vector<16xi32>,
        %mul3A_857 = arith.constant 129 : i32
        %mul3A_858 = vector.broadcast %mul3A_857 : i32 to vector<16xi32>
        %mul3A_859 = arith.muli %gather3A_856, %mul3A_858 : vector<16xi32>
        %add3A_860 = arith.constant 12800 : i32
        %add3A_861 = arith.addi %add3A_819, %add3A_860 : i32
        %add3A_862 = vector.broadcast %add3A_861 : i32 to vector<16xi32>
        %add3A_863 = arith.addi %mul3A_676, %add3A_862 : vector<16xi32>
        %gather3A_864 = tpu.vector_load_idx %arg7[%add3A_863] : memref<25600xi32, #tpu.memory_space<vmem>>[vector<16xi32>], vector<16xi32>,
        %mul3A_865 = arith.constant 129 : i32
        %mul3A_866 = vector.broadcast %mul3A_865 : i32 to vector<16xi32>
        %mul3A_867 = arith.muli %gather3A_864, %mul3A_866 : vector<16xi32>
        %add3A_868 = arith.constant 16000 : i32
        %add3A_869 = arith.addi %add3A_819, %add3A_868 : i32
        %add3A_870 = vector.broadcast %add3A_869 : i32 to vector<16xi32>
        %add3A_871 = arith.addi %mul3A_676, %add3A_870 : vector<16xi32>
        %gather3A_872 = tpu.vector_load_idx %arg7[%add3A_871] : memref<25600xi32, #tpu.memory_space<vmem>>[vector<16xi32>], vector<16xi32>,
        %mul3A_873 = arith.constant 129 : i32
        %mul3A_874 = vector.broadcast %mul3A_873 : i32 to vector<16xi32>
        %mul3A_875 = arith.muli %gather3A_872, %mul3A_874 : vector<16xi32>
        %add3A_876 = arith.constant 19200 : i32
        %add3A_877 = arith.addi %add3A_819, %add3A_876 : i32
        %add3A_878 = vector.broadcast %add3A_877 : i32 to vector<16xi32>
        %add3A_879 = arith.addi %mul3A_676, %add3A_878 : vector<16xi32>
        %gather3A_880 = tpu.vector_load_idx %arg7[%add3A_879] : memref<25600xi32, #tpu.memory_space<vmem>>[vector<16xi32>], vector<16xi32>,
        %mul3A_881 = arith.constant 129 : i32
        %mul3A_882 = vector.broadcast %mul3A_881 : i32 to vector<16xi32>
        %mul3A_883 = arith.muli %gather3A_880, %mul3A_882 : vector<16xi32>
        %add3A_884 = arith.constant 22400 : i32
        %add3A_885 = arith.addi %add3A_819, %add3A_884 : i32
        %add3A_886 = vector.broadcast %add3A_885 : i32 to vector<16xi32>
        %add3A_887 = arith.addi %mul3A_676, %add3A_886 : vector<16xi32>
        %gather3A_888 = tpu.vector_load_idx %arg7[%add3A_887] : memref<25600xi32, #tpu.memory_space<vmem>>[vector<16xi32>], vector<16xi32>,
        %mul3A_889 = arith.constant 129 : i32
        %mul3A_890 = vector.broadcast %mul3A_889 : i32 to vector<16xi32>
        %mul3A_891 = arith.muli %gather3A_888, %mul3A_890 : vector<16xi32>
        %parallel_loop3A_892 = arith.constant 0 : i32
        %parallel_loop3A_893 = arith.constant 64 : i32
        %parallel_loop3A_894 = arith.constant 1 : i32
        scf.for %parallel_loop3A_910 = %parallel_loop3A_892 to %parallel_loop3A_893 step %parallel_loop3A_894  : i32 {
          %parallel_loop3A_911 = vector.broadcast %parallel_loop3A_910 : i32 to vector<16xi32>
          %parallel_loop3A_912 = arith.addi %mul3A_835, %parallel_loop3A_911 : vector<16xi32>
          %parallel_loop3A_913 = tpu.vector_load_idx %arg6[%parallel_loop3A_912] : memref<3096xf32, #tpu.memory_space<vmem>>[vector<16xi32>], vector<16xf32>,
          %parallel_loop3A_914 = arith.constant 1 : i32
          %parallel_loop3A_915 = arith.index_cast %parallel_loop3A_914 : i32 to index
          %parallel_loop3A_916 = arith.index_cast %parallel_loop3A_910 : i32 to index
          %parallel_loop3A_917 = arith.constant 0 : index
          %parallel_loop3A_918 = tpu.vector_load %arg8[%parallel_loop3A_915, %parallel_loop3A_916, %parallel_loop3A_917] {strides = array<i32>} : memref<2x64x128xf32, #tpu.memory_space<vmem>>, vector<16xf32>,
          tpu.vector_store %arg8[%parallel_loop3A_915, %parallel_loop3A_916, %parallel_loop3A_917], %parallel_loop3A_913 {strides = array<i32>} : memref<2x64x128xf32, #tpu.memory_space<vmem>>, vector<16xf32>,
          %parallel_loop3A_919 = arith.addi %mul3A_843, %parallel_loop3A_911 : vector<16xi32>
          %parallel_loop3A_920 = tpu.vector_load_idx %arg6[%parallel_loop3A_919] : memref<3096xf32, #tpu.memory_space<vmem>>[vector<16xi32>], vector<16xf32>,
          %parallel_loop3A_921 = arith.constant 1 : i32
          %parallel_loop3A_922 = arith.index_cast %parallel_loop3A_921 : i32 to index
          %parallel_loop3A_923 = arith.index_cast %parallel_loop3A_910 : i32 to index
          %parallel_loop3A_924 = arith.constant 16 : index
          %parallel_loop3A_925 = tpu.vector_load %arg8[%parallel_loop3A_922, %parallel_loop3A_923, %parallel_loop3A_924] {strides = array<i32>} : memref<2x64x128xf32, #tpu.memory_space<vmem>>, vector<16xf32>,
          tpu.vector_store %arg8[%parallel_loop3A_922, %parallel_loop3A_923, %parallel_loop3A_924], %parallel_loop3A_920 {strides = array<i32>} : memref<2x64x128xf32, #tpu.memory_space<vmem>>, vector<16xf32>,
          %parallel_loop3A_926 = arith.addi %mul3A_851, %parallel_loop3A_911 : vector<16xi32>
          %parallel_loop3A_927 = tpu.vector_load_idx %arg6[%parallel_loop3A_926] : memref<3096xf32, #tpu.memory_space<vmem>>[vector<16xi32>], vector<16xf32>,
          %parallel_loop3A_928 = arith.constant 1 : i32
          %parallel_loop3A_929 = arith.index_cast %parallel_loop3A_928 : i32 to index
          %parallel_loop3A_930 = arith.index_cast %parallel_loop3A_910 : i32 to index
          %parallel_loop3A_931 = arith.constant 32 : index
          %parallel_loop3A_932 = tpu.vector_load %arg8[%parallel_loop3A_929, %parallel_loop3A_930, %parallel_loop3A_931] {strides = array<i32>} : memref<2x64x128xf32, #tpu.memory_space<vmem>>, vector<16xf32>,
          tpu.vector_store %arg8[%parallel_loop3A_929, %parallel_loop3A_930, %parallel_loop3A_931], %parallel_loop3A_927 {strides = array<i32>} : memref<2x64x128xf32, #tpu.memory_space<vmem>>, vector<16xf32>,
          %parallel_loop3A_933 = arith.addi %mul3A_859, %parallel_loop3A_911 : vector<16xi32>
          %parallel_loop3A_934 = tpu.vector_load_idx %arg6[%parallel_loop3A_933] : memref<3096xf32, #tpu.memory_space<vmem>>[vector<16xi32>], vector<16xf32>,
          %parallel_loop3A_935 = arith.constant 1 : i32
          %parallel_loop3A_936 = arith.index_cast %parallel_loop3A_935 : i32 to index
          %parallel_loop3A_937 = arith.index_cast %parallel_loop3A_910 : i32 to index
          %parallel_loop3A_938 = arith.constant 48 : index
          %parallel_loop3A_939 = tpu.vector_load %arg8[%parallel_loop3A_936, %parallel_loop3A_937, %parallel_loop3A_938] {strides = array<i32>} : memref<2x64x128xf32, #tpu.memory_space<vmem>>, vector<16xf32>,
          tpu.vector_store %arg8[%parallel_loop3A_936, %parallel_loop3A_937, %parallel_loop3A_938], %parallel_loop3A_934 {strides = array<i32>} : memref<2x64x128xf32, #tpu.memory_space<vmem>>, vector<16xf32>,
          %parallel_loop3A_940 = arith.addi %mul3A_867, %parallel_loop3A_911 : vector<16xi32>
          %parallel_loop3A_941 = tpu.vector_load_idx %arg6[%parallel_loop3A_940] : memref<3096xf32, #tpu.memory_space<vmem>>[vector<16xi32>], vector<16xf32>,
          %parallel_loop3A_942 = arith.constant 1 : i32
          %parallel_loop3A_943 = arith.index_cast %parallel_loop3A_942 : i32 to index
          %parallel_loop3A_944 = arith.index_cast %parallel_loop3A_910 : i32 to index
          %parallel_loop3A_945 = arith.constant 64 : index
          %parallel_loop3A_946 = tpu.vector_load %arg8[%parallel_loop3A_943, %parallel_loop3A_944, %parallel_loop3A_945] {strides = array<i32>} : memref<2x64x128xf32, #tpu.memory_space<vmem>>, vector<16xf32>,
          tpu.vector_store %arg8[%parallel_loop3A_943, %parallel_loop3A_944, %parallel_loop3A_945], %parallel_loop3A_941 {strides = array<i32>} : memref<2x64x128xf32, #tpu.memory_space<vmem>>, vector<16xf32>,
          %parallel_loop3A_947 = arith.addi %mul3A_875, %parallel_loop3A_911 : vector<16xi32>
          %parallel_loop3A_948 = tpu.vector_load_idx %arg6[%parallel_loop3A_947] : memref<3096xf32, #tpu.memory_space<vmem>>[vector<16xi32>], vector<16xf32>,
          %parallel_loop3A_949 = arith.constant 1 : i32
          %parallel_loop3A_950 = arith.index_cast %parallel_loop3A_949 : i32 to index
          %parallel_loop3A_951 = arith.index_cast %parallel_loop3A_910 : i32 to index
          %parallel_loop3A_952 = arith.constant 80 : index
          %parallel_loop3A_953 = tpu.vector_load %arg8[%parallel_loop3A_950, %parallel_loop3A_951, %parallel_loop3A_952] {strides = array<i32>} : memref<2x64x128xf32, #tpu.memory_space<vmem>>, vector<16xf32>,
          tpu.vector_store %arg8[%parallel_loop3A_950, %parallel_loop3A_951, %parallel_loop3A_952], %parallel_loop3A_948 {strides = array<i32>} : memref<2x64x128xf32, #tpu.memory_space<vmem>>, vector<16xf32>,
          %parallel_loop3A_954 = arith.addi %mul3A_883, %parallel_loop3A_911 : vector<16xi32>
          %parallel_loop3A_955 = tpu.vector_load_idx %arg6[%parallel_loop3A_954] : memref<3096xf32, #tpu.memory_space<vmem>>[vector<16xi32>], vector<16xf32>,
          %parallel_loop3A_956 = arith.constant 1 : i32
          %parallel_loop3A_957 = arith.index_cast %parallel_loop3A_956 : i32 to index
          %parallel_loop3A_958 = arith.index_cast %parallel_loop3A_910 : i32 to index
          %parallel_loop3A_959 = arith.constant 96 : index
          %parallel_loop3A_960 = tpu.vector_load %arg8[%parallel_loop3A_957, %parallel_loop3A_958, %parallel_loop3A_959] {strides = array<i32>} : memref<2x64x128xf32, #tpu.memory_space<vmem>>, vector<16xf32>,
          tpu.vector_store %arg8[%parallel_loop3A_957, %parallel_loop3A_958, %parallel_loop3A_959], %parallel_loop3A_955 {strides = array<i32>} : memref<2x64x128xf32, #tpu.memory_space<vmem>>, vector<16xf32>,
          %parallel_loop3A_961 = arith.addi %mul3A_891, %parallel_loop3A_911 : vector<16xi32>
          %parallel_loop3A_962 = tpu.vector_load_idx %arg6[%parallel_loop3A_961] : memref<3096xf32, #tpu.memory_space<vmem>>[vector<16xi32>], vector<16xf32>,
          %parallel_loop3A_963 = arith.constant 1 : i32
          %parallel_loop3A_964 = arith.index_cast %parallel_loop3A_963 : i32 to index
          %parallel_loop3A_965 = arith.index_cast %parallel_loop3A_910 : i32 to index
          %parallel_loop3A_966 = arith.constant 112 : index
          %parallel_loop3A_967 = tpu.vector_load %arg8[%parallel_loop3A_964, %parallel_loop3A_965, %parallel_loop3A_966] {strides = array<i32>} : memref<2x64x128xf32, #tpu.memory_space<vmem>>, vector<16xf32>,
          tpu.vector_store %arg8[%parallel_loop3A_964, %parallel_loop3A_965, %parallel_loop3A_966], %parallel_loop3A_962 {strides = array<i32>} : memref<2x64x128xf32, #tpu.memory_space<vmem>>, vector<16xf32>,
        } {sc.loop_unroll_factor = 16 : i64, sc.parallel_access}
        %dma_start3A_895 = arith.constant 1 : i32
        %dma_start3A_896 = arith.constant 0 : i32
        %dma_start3A_897 = arith.constant 0 : i32
        %dma_start3A_898 = tpu.memref_slice %arg8[%dma_start3A_895, %dma_start3A_896, %dma_start3A_897] : memref<2x64x128xf32, #tpu.memory_space<vmem>> -> memref<1x64x128xf32, #tpu.memory_space<vmem>>
        %dma_start3A_899 = tpu.memref_squeeze %dma_start3A_898 : memref<1x64x128xf32, #tpu.memory_space<vmem>> -> memref<64x128xf32, #tpu.memory_space<vmem>>
        %dma_start3A_900 = arith.constant 0 : i32
        %dma_start3A_901 = tpu.memref_slice %arg4[%add3A_819, %dma_start3A_900, %multiple_of3A_719] : memref<200x64x16384xf32, #tpu.memory_space<hbm>> -> memref<1x64x128xf32, #tpu.memory_space<hbm>>
        %dma_start3A_902 = tpu.memref_squeeze %dma_start3A_901 : memref<1x64x128xf32, #tpu.memory_space<hbm>> -> memref<64x128xf32, #tpu.memory_space<hbm>>
        %dma_start3A_903 = arith.constant 0 : i32
        %dma_start3A_904 = tpu.memref_slice %arg4[%add3A_819, %dma_start3A_903, %multiple_of3A_719] : memref<200x64x16384xf32, #tpu.memory_space<hbm>> -> memref<1x64x128xf32, #tpu.memory_space<hbm>>
        %dma_start3A_905 = tpu.memref_squeeze %dma_start3A_904 : memref<1x64x128xf32, #tpu.memory_space<hbm>> -> memref<64x128xf32, #tpu.memory_space<hbm>>
        %dma_start3A_906 = arith.constant 0 : i32
        %dma_start3A_907 = arith.constant 0 : i32
        %dma_start3A_908 = tpu.memref_slice %arg8[%dma_start3A_895, %dma_start3A_906, %dma_start3A_907] : memref<2x64x128xf32, #tpu.memory_space<vmem>> -> memref<1x64x128xf32, #tpu.memory_space<vmem>>
        %dma_start3A_909 = tpu.memref_squeeze %dma_start3A_908 : memref<1x64x128xf32, #tpu.memory_space<vmem>> -> memref<64x128xf32, #tpu.memory_space<vmem>>
        tpu.enqueue_dma source(%dma_start3A_909 : memref<64x128xf32, #tpu.memory_space<vmem>>) target(%dma_start3A_905 : memref<64x128xf32, #tpu.memory_space<hbm>>) target_semaphore(%arg10 : memref<!tpu.dma_semaphore, #tpu.memory_space<semaphore_mem>>)
      }
      %scan3A_728 = arith.constant 100 : i32
    }
    %scan3A_681 = arith.constant 4 : i32
    %add3A_682 = arith.constant 384 : i32
    %add3A_683 = arith.addi %mul3A_2, %add3A_682 : i32
    %multiple_of3A = tpu.assume_multiple %add3A_683, 128 : i32
    %dma_wait3A = arith.constant 0 : i32
    %dma_wait3A_684 = arith.constant 198 : i32
    %dma_wait3A_685 = arith.constant 0 : i32
    %dma_wait3A_686 = arith.constant 0 : i32
    %dma_wait3A_687 = tpu.memref_slice %arg8[%dma_wait3A, %dma_wait3A_685, %dma_wait3A_686] : memref<2x64x128xf32, #tpu.memory_space<vmem>> -> memref<1x64x128xf32, #tpu.memory_space<vmem>>
    %dma_wait3A_688 = tpu.memref_squeeze %dma_wait3A_687 : memref<1x64x128xf32, #tpu.memory_space<vmem>> -> memref<64x128xf32, #tpu.memory_space<vmem>>
    %dma_wait3A_689 = arith.constant 0 : i32
    %dma_wait3A_690 = tpu.memref_slice %arg4[%dma_wait3A_684, %dma_wait3A_689, %multiple_of3A] : memref<200x64x16384xf32, #tpu.memory_space<hbm>> -> memref<1x64x128xf32, #tpu.memory_space<hbm>>
    %dma_wait3A_691 = tpu.memref_squeeze %dma_wait3A_690 : memref<1x64x128xf32, #tpu.memory_space<hbm>> -> memref<64x128xf32, #tpu.memory_space<hbm>>
    %dma_wait3A_692 = arith.constant 0 : i32
    %dma_wait3A_693 = tpu.memref_slice %arg4[%dma_wait3A_684, %dma_wait3A_692, %multiple_of3A] : memref<200x64x16384xf32, #tpu.memory_space<hbm>> -> memref<1x64x128xf32, #tpu.memory_space<hbm>>
    %dma_wait3A_694 = tpu.memref_squeeze %dma_wait3A_693 : memref<1x64x128xf32, #tpu.memory_space<hbm>> -> memref<64x128xf32, #tpu.memory_space<hbm>>
    %dma_wait3A_695 = arith.constant 0 : i32
    %dma_wait3A_696 = arith.constant 0 : i32
    %dma_wait3A_697 = tpu.memref_slice %arg8[%dma_wait3A, %dma_wait3A_695, %dma_wait3A_696] : memref<2x64x128xf32, #tpu.memory_space<vmem>> -> memref<1x64x128xf32, #tpu.memory_space<vmem>>
    %dma_wait3A_698 = tpu.memref_squeeze %dma_wait3A_697 : memref<1x64x128xf32, #tpu.memory_space<vmem>> -> memref<64x128xf32, #tpu.memory_space<vmem>>
    tpu.wait_dma2 semaphore(%arg9 : memref<!tpu.dma_semaphore, #tpu.memory_space<semaphore_mem>>) src(%dma_wait3A_698 : memref<64x128xf32, #tpu.memory_space<vmem>>) dst(%dma_wait3A_694 : memref<64x128xf32, #tpu.memory_space<hbm>>)
    %dma_wait3A_699 = arith.constant 1 : i32
    %dma_wait3A_700 = arith.constant 199 : i32
    %dma_wait3A_701 = arith.constant 0 : i32
    %dma_wait3A_702 = arith.constant 0 : i32
    %dma_wait3A_703 = tpu.memref_slice %arg8[%dma_wait3A_699, %dma_wait3A_701, %dma_wait3A_702] : memref<2x64x128xf32, #tpu.memory_space<vmem>> -> memref<1x64x128xf32, #tpu.memory_space<vmem>>
    %dma_wait3A_704 = tpu.memref_squeeze %dma_wait3A_703 : memref<1x64x128xf32, #tpu.memory_space<vmem>> -> memref<64x128xf32, #tpu.memory_space<vmem>>
    %dma_wait3A_705 = arith.constant 0 : i32
    %dma_wait3A_706 = tpu.memref_slice %arg4[%dma_wait3A_700, %dma_wait3A_705, %multiple_of3A] : memref<200x64x16384xf32, #tpu.memory_space<hbm>> -> memref<1x64x128xf32, #tpu.memory_space<hbm>>
    %dma_wait3A_707 = tpu.memref_squeeze %dma_wait3A_706 : memref<1x64x128xf32, #tpu.memory_space<hbm>> -> memref<64x128xf32, #tpu.memory_space<hbm>>
    %dma_wait3A_708 = arith.constant 0 : i32
    %dma_wait3A_709 = tpu.memref_slice %arg4[%dma_wait3A_700, %dma_wait3A_708, %multiple_of3A] : memref<200x64x16384xf32, #tpu.memory_space<hbm>> -> memref<1x64x128xf32, #tpu.memory_space<hbm>>
    %dma_wait3A_710 = tpu.memref_squeeze %dma_wait3A_709 : memref<1x64x128xf32, #tpu.memory_space<hbm>> -> memref<64x128xf32, #tpu.memory_space<hbm>>
    %dma_wait3A_711 = arith.constant 0 : i32
    %dma_wait3A_712 = arith.constant 0 : i32
    %dma_wait3A_713 = tpu.memref_slice %arg8[%dma_wait3A_699, %dma_wait3A_711, %dma_wait3A_712] : memref<2x64x128xf32, #tpu.memory_space<vmem>> -> memref<1x64x128xf32, #tpu.memory_space<vmem>>
    %dma_wait3A_714 = tpu.memref_squeeze %dma_wait3A_713 : memref<1x64x128xf32, #tpu.memory_space<vmem>> -> memref<64x128xf32, #tpu.memory_space<vmem>>
    tpu.wait_dma2 semaphore(%arg10 : memref<!tpu.dma_semaphore, #tpu.memory_space<semaphore_mem>>) src(%dma_wait3A_714 : memref<64x128xf32, #tpu.memory_space<vmem>>) dst(%dma_wait3A_710 : memref<64x128xf32, #tpu.memory_space<hbm>>)
    return
  }
}

module attributes {stable_mosaic.version = 14 : i64} {
  func.func @_project_body(%arg0: memref<24x64xf32, #tpu.memory_space<vmem>>, %arg1: memref<128x64xf32, #tpu.memory_space<vmem>>, %arg2: memref<1x128xf32, #tpu.memory_space<vmem>>, %arg3: memref<24x128xf32, #tpu.memory_space<vmem>>) attributes {dimension_semantics = [], scalar_prefetch = 0 : i64, scratch_operands = 0 : i64, tpu.core_type = #tpu.core_type<tc>} {
    %get3A = arith.constant 0 : index
    %get3A_0 = arith.constant 0 : index
    %get3A_1 = vector.load %arg0[%get3A, %get3A_0] : memref<24x64xf32, #tpu.memory_space<vmem>>, vector<24x64xf32>
    %get3A_2 = arith.constant 0 : index
    %get3A_3 = arith.constant 0 : index
    %get3A_4 = vector.load %arg1[%get3A_2, %get3A_3] : memref<128x64xf32, #tpu.memory_space<vmem>>, vector<128x64xf32>
    %dot_general3A = arith.constant dense<0.000000e+00> : vector<24x128xf32>
    %dot_general3A_5 = tpu.matmul %get3A_1, %get3A_4, %dot_general3A {dimension_numbers = #tpu.dot_dimension_numbers<[1], [1], [0], [0], [0, 0, 1, 0], [], []>, transpose_lhs_hint = false} : vector<24x64xf32>, vector<128x64xf32>, vector<24x128xf32> -> vector<24x128xf32>
    %get3A_6 = arith.constant 0 : index
    %get3A_7 = arith.constant 0 : index
    %get3A_8 = vector.load %arg2[%get3A_6, %get3A_7] : memref<1x128xf32, #tpu.memory_space<vmem>>, vector<1x128xf32>
    %add3A = vector.broadcast %get3A_8 : vector<1x128xf32> to vector<24x128xf32>
    %add3A_9 = arith.addf %dot_general3A_5, %add3A : vector<24x128xf32>
    %swap3A = arith.constant 0 : index
    %swap3A_10 = arith.constant 0 : index
    %swap3A_11 = vector.load %arg3[%swap3A, %swap3A_10] : memref<24x128xf32, #tpu.memory_space<vmem>>, vector<24x128xf32>
    tpu.vector_store %arg3[%swap3A, %swap3A_10], %add3A_9 {strides = array<i32>} : memref<24x128xf32, #tpu.memory_space<vmem>>, vector<24x128xf32>,
    return
  }
}

</mosaic_0001>

<sc_bundles>
// kernel: kernel.4.cloned.1.call-start
scs
__scs_entry_jumppad:
0x0: {  	(pc) =	sbr.rel $0x88, $3  }
0x1: {  	(tag) =	ssettag $0x0;
	lr =	simm.s32 $0x1  }
0x2: {  	[smem:$0x3F9D] =	sst lr;
	_ =	strace $0xD0000000  }
0x3: {  	_ = 	snop  }
0x4: {  	_ = 	snop  }
0x5: {  	_ = 	snop  }
0x6: {  	_ = 	snop  }
0x7: {  	_ = 	snop  }
__scs_overlays_trampoline_lowered:
0x8: {  	[smem:$0x3FAC] =	sst s0  }
0x9: {  	[smem:$0x3FAD] =	sst s1  }
0xa: {  	[smem:$0x3FAE] =	sst s2  }
0xb: {  	[smem:$0x3FAF] =	sst s3  }
0xc: {  	[smem:$0x3FB0] =	sst s4  }
0xd: {  	[smem:$0x3FB1] =	sst s5  }
0xe: {  	[smem:$0x3FB2] =	sst s6  }
0xf: {  	[smem:$0x3FB3] =	sst s7  }
0x10: {  	[smem:$0x3FB4] =	sst s8  }
0x11: {  	[smem:$0x3FB5] =	sst s9;
	s0 =	simm.s32 @!p0 $0x0  }
0x12: {  	s1 =	sld [smem:$0x3F9B];
	s0 =	simm.s32 @p0 $0x1  }
0x13: {  	[smem:$0x3FB6] =	sst s0;
	s0 =	simm.s32 @!p1 $0x0  }
0x14: {  	s2 =	sld [smem:$0x3F9A];
	s0 =	simm.s32 @p1 $0x1  }
0x15: {  	[smem:$0x3FB7] =	sst s0;
	s0 =	simm.s32 @!p2 $0x0  }
0x16: {  	s3 =	sld [smem:$0x3FDB];
	s0 =	simm.s32 @p2 $0x1  }
0x17: {  	s4 =	simm.s32 $0x1BF5;
	[smem:$0x3FB9] =	sst s0  }
0x18: {  	s0 =	sld [smem:$0x3F9C];
	_ =	swait.ge [sflag:s4], $0x0  }
0x19: {  	s7 =	sld [smem:$0x3F9D]  }
0x1a: {  	s8 =	sadd.s32 $0xFFFFE003, lr  }
0x1b: {  	s9 =	sadd.s32 $0xFFFFFEF7, lr;
	s5 =	simm.s32 $0xFFFFFFFF;
	p2 =	slt.u32 s8, $0xFFFFF086  }
0x1c: {  	p1 =	slt.u32 s9, $0xF7A;
	s5 =	simm.s32 @!p2 $0x0  }
0x1d: {  	s5 =	simm.s32 @p1 $0x1;
	p0 =	seq.s32 s7, s2  }
0x1e: {  	s7 =	smul.u32 @!p0 $0xF7A, s2;
	p2 =	seq.s32 @!p0 s5, $0x0  }
0x1f: {  	s9 =	smul.u32 $0xF7A, s1;
	s8 =	simm.s32 @!p0 $0x1BF5;
	p2 =	por !p2, p0  }
0x20: {  	[sflag:s8] =	ssyncset.s32 @!p0 $0xFFFFF086;
	s6 =	sadd.s32 @!p0 s3, s7;
	s7 =	simm.s32 @!p0 $0x108  }
0x21: {  	s3 =	sadd.s32 s3, s9;
	s6 =	sadd.s32 @!p0 $0x88, s6;
	s7 =	simm.s32 @p2 $0x1082  }
0x22: {  	[simem:s7], [sflag:s8] =	dma.local @!p0 [hbm:s6], $0xF7A  }
0x23: {  	s9 =	sor.u32 $0xD0000000, s2;
	s6 =	simm.s32 $0x108;
	_ =	swait.ge @!p0 [sflag:s8], $0x0  }
0x24: {  	s3 =	sadd.s32 $0x88, s3;
	s6 =	simm.s32 @!p1 $0x1082;
	[sflag:s4] =	ssyncset.s32 $0xFFFFF086  }
0x25: {  	[simem:s6], [sflag:s4] =	dma.local [hbm:s3], $0xF7A  }
0x26: {  	[smem:$0x3F9D] =	sst s1;
	(tag) =	ssettag s2;
	_ =	strace s9  }
0x27: {  	s1 =	sld [smem:$0x3FAD]  }
0x28: {  	s2 =	sld [smem:$0x3FAE]  }
0x29: {  	s4 =	sld [smem:$0x3FB0]  }
0x2a: {  	p0 =	seq.s32 s5, $0x0;
	s5 =	sld [smem:$0x3FB1]  }
0x2b: {  	s6 =	sld [smem:$0x3FB2]  }
0x2c: {  	s7 =	sld [smem:$0x3FB3]  }
0x2d: {  	s3 =	simm.s32 $0x108;
	s8 =	sld [smem:$0x3FB4]  }
0x2e: {  	s3 =	simm.s32 @!p0 $0x1082;
	s9 =	sld [smem:$0x3FB5]  }
0x2f: {  	lr =	sadd.s32 s0, s3;
	s0 =	sld [smem:$0x3FAC]  }
0x30: {  	s3 =	sld [smem:$0x3FAF]  }
0x31: {  	[smem:$0x3FB8] =	sst s10  }
0x32: {  	s10 =	sld [smem:$0x3FB6];
	_ =	sdelay $0x3  }
0x33: {  	p0 =	seq.s32 s10, $0x1;
	s10 =	sld [smem:$0x3FB8];
	_ =	sdelay $0x3  }
0x34: {  	[smem:$0x3FB8] =	sst s10  }
0x35: {  	s10 =	sld [smem:$0x3FB7];
	_ =	sdelay $0x3  }
0x36: {  	p1 =	seq.s32 s10, $0x1;
	s10 =	sld [smem:$0x3FB8];
	_ =	sdelay $0x3  }
0x37: {  	[smem:$0x3FB8] =	sst s10  }
0x38: {  	s10 =	sld [smem:$0x3FB9]  }
0x39: {  	_ = 	snop;
	(pc) =	sbr.ind lr, $3  }
0x3a: {  	_ = 	snop  }
0x3b: {  	_ = 	snop  }
0x3c: {  	p2 =	seq.s32 s10, $0x1;
	s10 =	sld [smem:$0x3FB8]  }
0x3d: {  	_ =	shalt  }
0x3e: {  	_ =	shalt  }
0x3f: {  	_ =	shalt  }
0x40: {  	_ =	shalt  }
0x41: {  	_ =	shalt  }
0x42: {  	_ =	shalt  }
0x43: {  	_ =	shalt  }
0x44: {  	_ =	shalt  }
0x45: {  	_ =	shalt  }
0x46: {  	_ =	shalt  }
0x47: {  	_ =	shalt  }
0x48: {  	_ =	shalt  }
0x49: {  	_ =	shalt  }
0x4a: {  	_ =	shalt  }
0x4b: {  	_ =	shalt  }
0x4c: {  	_ =	shalt  }
0x4d: {  	_ =	shalt  }
0x4e: {  	_ =	shalt  }
0x4f: {  	_ =	shalt  }
0x50: {  	_ =	shalt  }
0x51: {  	_ =	shalt  }
0x52: {  	_ =	shalt  }
0x53: {  	_ =	shalt  }
0x54: {  	_ =	shalt  }
0x55: {  	_ =	shalt  }
0x56: {  	_ =	shalt  }
0x57: {  	_ =	shalt  }
0x58: {  	_ =	shalt  }
0x59: {  	_ =	shalt  }
0x5a: {  	_ =	shalt  }
0x5b: {  	_ =	shalt  }
0x5c: {  	_ =	shalt  }
0x5d: {  	_ =	shalt  }
0x5e: {  	_ =	shalt  }
0x5f: {  	_ =	shalt  }
0x60: {  	_ =	shalt  }
0x61: {  	_ =	shalt  }
0x62: {  	_ =	shalt  }
0x63: {  	_ =	shalt  }
0x64: {  	_ =	shalt  }
0x65: {  	_ =	shalt  }
0x66: {  	_ =	shalt  }
0x67: {  	_ =	shalt  }
0x68: {  	_ =	shalt  }
0x69: {  	_ =	shalt  }
0x6a: {  	_ =	shalt  }
0x6b: {  	_ =	shalt  }
0x6c: {  	_ =	shalt  }
0x6d: {  	_ =	shalt  }
0x6e: {  	_ =	shalt  }
0x6f: {  	_ =	shalt  }
0x70: {  	_ =	shalt  }
0x71: {  	_ =	shalt  }
0x72: {  	_ =	shalt  }
0x73: {  	_ =	shalt  }
0x74: {  	_ =	shalt  }
0x75: {  	_ =	shalt  }
0x76: {  	_ =	shalt  }
0x77: {  	_ =	shalt  }
0x78: {  	_ =	shalt  }
0x79: {  	_ =	shalt  }
0x7a: {  	_ =	shalt  }
0x7b: {  	_ =	shalt  }
0x7c: {  	_ =	shalt  }
0x7d: {  	_ =	shalt  }
0x7e: {  	_ =	shalt  }
0x7f: {  	_ =	shalt  }
0x80: {  	_ =	shalt  }
0x81: {  	_ =	shalt  }
0x82: {  	_ =	shalt  }
0x83: {  	_ =	shalt  }
0x84: {  	_ =	shalt  }
0x85: {  	_ =	shalt  }
0x86: {  	_ =	shalt  }
0x87: {  	_ =	shalt  }
.Lfunc_end0:
.L_simem_size_0:
called_computation_lowered:
.L_overlay_start_0:
0x88: {  	s2 =	sld [smem:$0x3FD9]  }
0x89: {  	s3 =	sld [smem:$0x3FFE];
	_ =	sdelay $0x1  }
0x8a: {  	s1 =	srdreg.scid  }
0x8b: {  	s0 =	sand.u32 $0x1, s1  }
0x8c: {  	s17 =	sshll.u32 s0, $0xA;
	s2 =	sadd.s32 s3, s2  }
0x8d: {  	s2 =	sadd.s32 s2, s17  }
0x8e: {  	[smem:$0x3FC4] =	sst s2  }
0x8f: {  	_ = 	snop  }
0x90: {  	s2 =	sld [smem:$0x3FD0];
	(tm) =	ssettm $0x1  }
0x91: {  	s18 =	sld [smem:$0x3FFB];
	_ =	sdelay $0x3  }
0x92: {  	_ =	strace s18  }
0x93: {  	s3 =	sld [smem:$0x3FFC];
	_ =	sdelay $0x3  }
0x94: {  	_ =	strace s3  }
0x95: {  	s3 =	sld [smem:$0x3FFD];
	_ =	sdelay $0x3  }
0x96: {  	_ =	strace s3  }
0x97: {  	_ =	strace $0x8FFFFFFF  }
0x98: {  	s19 =	sld [smem:$0x3FDB];
	_ =	sdelay $0x1  }
0x99: {  	s4 =	simm.s32 $_scs_section_size  }
0x9a: {  	s5 =	simm.s32 $_size__tile_overlayer_lowered;
	s6 =	simm.s32 $_tile_overlayer_lowered  }
0x9b: {  	s22 =	simm.s32 $0x1BFF;
	s21 =	sshll.u32 s6, $0x1;
	s3 =	sadd.s32 s4, s19  }
0x9c: {  	s7 =	simm.s32 $0x0;
	s20 =	sshll.u32 s5, $0x1;
	s5 =	sadd.s32 s21, s3  }
0x9d: {  	[timem:s7], [sflag:s22] =	dma.local [hbm:s5], s20  }
0x9e: {  	_ =	swait.ge [sflag:s22], s20  }
0x9f: {  	s4 =	ssub.s32 $0x0, s20;
	[sflag:s22] =	ssyncset.done $0x0  }
0xa0: {  	[sflag:s22] =	ssyncadd.s32 s4;
	_ =	sdelay $0x1  }
0xa1: {  	s23 =	simm.s32 $0x1B8B  }
0xa2: {  	_ =	swait.ge [sflag:s23], $0x1  }
0xa3: {  	[sflag:s23] =	ssyncset.done $0x0  }
0xa4: {  	s25 =	simm.s32 $0x1B8E;
	s24 =	sld [smem:$0x3FFE];
	[sflag:s23] =	ssyncadd.s32 $0xFFFFFFFF  }
0xa5: {  	s26 =	simm.s32 $execute0_lowered;
	[smem:$0x3FD2] =	sst s25  }
0xa6: {  	s5 =	sshll.u32 s26, $0x1;
	_ =	strace $0x80000046;
	[dreg:$0x1] =	wrdreg $0xFFFFFFFF  }
0xa7: {  	s28 =	simm.s32 $_size_execute0_lowered;
	s3 =	sadd.s32 s3, s5;
	[dreg:$0x0] =	wrdreg $0x0  }
0xa8: {  	s5 =	sshll.u32 s28, $0x1;
	[dreg:$0x2] =	wrdreg s3  }
0xa9: {  	[dreg:$0x3] =	wrdreg s5  }
0xaa: {  	[dreg:$0x4] =	wrdreg $0xC0  }
0xab: {  	_ =	task [dreg:s7], $0x5FFFF  }
0xac: {  	[dreg:$0x1] =	wrdreg $0xFFFFFFFF  }
0xad: {  	[dreg:$0x0] =	wrdreg $0x60  }
0xae: {  	[dreg:$0x2] =	wrdreg s24  }
0xaf: {  	[dreg:$0x3] =	wrdreg s2  }
0xb0: {  	[dreg:$0x4] =	wrdreg $0x9  }
0xb1: {  	_ =	task.clear_ibuf [dreg:s7], $0x5FFFF;
	_ =	strace $0x90000046  }
0xb2: {  	s29 =	simm.s32 $0x9;
	_ =	strace $0x80000048  }
0xb3: {  	_ =	swait.ge [sflag:s29], $0x1  }
0xb4: {  	[sflag:s29] =	ssyncadd.s32 $0xFFFFFFFF  }
0xb5: {  	_ =	strace $0x90000048  }
0xb6: {  	_ =	sfence  }
0xb7: {  	s30 =	sld [smem:$0x0];
	_ =	sdelay $0x2  }
0xb8: {  	s31 =	sshll.u32 s1, $0xD;
	s1 =	sshrl.u32 s1, $0x2  }
0xb9: {  	s3 =	sand.u32 $0x4000, s31;
	s1 =	sadd.s32 s1, s30  }
0xba: {  	s0 =	sor.u32 s3, s0;
	s1 =	sshll.u32 s1, $0x11  }
0xbb: {  	s0 =	sor.u32 s1, s0  }
0xbc: {  	s0 =	sadd.s32 $0x8F2B, s0  }
0xbd: {  	[sflag:s0] =	ssyncadd.remote.s32 $0x1  }
0xbe: {  	_ =	sfence.sel $0xFFFF  }
0xbf: {  	[dreg:$0x0] =	wrdreg $0xFFFFFFFF;
	(pc) =	sbr.abs _section_cstart, $3  }
0xc0: {  	[dreg:$0x1] =	wrdreg $0xFFFFFFFF  }
0xc1: {  	_ =	task.clear_ibuf [dreg:s7], $0x2FFFF;
	_ =	strace $0x9FFFFFFF  }
0xc2: {  	(tm) =	ssettm $0x7FFFFFFF  }
0xc3: {  	_ =	shalt  }
tec
execute0_lowered:
.L_overlay_start_1:
0x0: {  	(tag) =	ssettag $0x1  }
0x1: {  	v0 =	vlaneseq.u32  }
0x2: {  	v1 =	vor.u32 $0x10, v0  }
0x3: {  	[tilespmem:$0x1FDD0] =	vst v1;
	v1 =	vor.u32 $0x20, v0  }
0x4: {  	[tilespmem:$0x1FDE0] =	vst v1;
	v1 =	vor.u32 $0x30, v0  }
0x5: {  	[tilespmem:$0x1FDF0] =	vst v1;
	v1 =	vadd.s32 $0x81, v0  }
0x6: {  	[tilespmem:$0x1FE00] =	vst v1;
	v1 =	vadd.s32 $0x91, v0  }
0x7: {  	[tilespmem:$0x1FE10] =	vst v1;
	v1 =	vadd.s32 $0xA1, v0  }
0x8: {  	[tilespmem:$0x1FE20] =	vst v1;
	v1 =	vadd.s32 $0xB1, v0  }
0x9: {  	[tilespmem:$0x1FE30] =	vst v1;
	v1 =	vadd.s32 $0x102, v0  }
0xa: {  	[tilespmem:$0x1FE40] =	vst v1;
	v1 =	vadd.s32 $0x112, v0  }
0xb: {  	[tilespmem:$0x1FE50] =	vst v1;
	v1 =	vadd.s32 $0x122, v0  }
0xc: {  	[tilespmem:$0x1FE60] =	vst v1;
	v1 =	vadd.s32 $0x132, v0  }
0xd: {  	[tilespmem:$0x1FE70] =	vst v1;
	v1 =	vadd.s32 $0x183, v0  }
0xe: {  	[tilespmem:$0x1FE80] =	vst v1;
	v1 =	vadd.s32 $0x193, v0  }
0xf: {  	[tilespmem:$0x1FE90] =	vst v1;
	v1 =	vadd.s32 $0x1A3, v0  }
0x10: {  	[tilespmem:$0x1FEA0] =	vst v1;
	v1 =	vadd.s32 $0x1B3, v0  }
0x11: {  	[tilespmem:$0x1FEB0] =	vst v1;
	v1 =	vadd.s32 $0x204, v0  }
0x12: {  	[tilespmem:$0x1FEC0] =	vst v1;
	v1 =	vadd.s32 $0x214, v0  }
0x13: {  	[tilespmem:$0x1FED0] =	vst v1;
	v1 =	vadd.s32 $0x224, v0  }
0x14: {  	[tilespmem:$0x1FEE0] =	vst v1;
	v1 =	vadd.s32 $0x234, v0  }
0x15: {  	[tilespmem:$0x1FEF0] =	vst v1;
	v1 =	vadd.s32 $0x285, v0  }
0x16: {  	[tilespmem:$0x1FF00] =	vst v1;
	v1 =	vadd.s32 $0x295, v0  }
0x17: {  	[tilespmem:$0x1FF10] =	vst v1;
	v1 =	vadd.s32 $0x2A5, v0  }
0x18: {  	[tilespmem:$0x1FF20] =	vst v1;
	v1 =	vadd.s32 $0x2B5, v0  }
0x19: {  	[tilespmem:$0x1FF30] =	vst v1;
	v1 =	vadd.s32 $0x306, v0  }
0x1a: {  	[tilespmem:$0x1FF40] =	vst v1;
	v1 =	vadd.s32 $0x316, v0  }
0x1b: {  	[tilespmem:$0x1FF50] =	vst v1;
	v1 =	vadd.s32 $0x326, v0  }
0x1c: {  	[tilespmem:$0x1FF60] =	vst v1;
	v1 =	vadd.s32 $0x336, v0  }
0x1d: {  	v36 =	vadd.s32 $0x489, v0;
	v37 =	vadd.s32 $0x499, v0;
	[tilespmem:$0x1FF70] =	vst v1;
	v1 =	vadd.s32 $0x387, v0  }
0x1e: {  	v38 =	vadd.s32 $0x4A9, v0;
	v39 =	vadd.s32 $0x4B9, v0;
	[tilespmem:$0x1FF80] =	vst v1;
	v1 =	vadd.s32 $0x397, v0  }
0x1f: {  	s0 =	rddreg [dreg:$0x0];
	v40 =	vadd.s32 $0x50A, v0;
	v41 =	vadd.s32 $0x51A, v0;
	[tilespmem:$0x1FF90] =	vst v1;
	v1 =	vadd.s32 $0x3A7, v0  }
0x20: {  	s2 =	simm.s32 $0x0;
	s1 =	srdreg.scid;
	s9 =	simm.s32 $0xC00;
	v42 =	vadd.s32 $0x52A, v0;
	v43 =	vadd.s32 $0x53A, v0;
	[tilespmem:$0x1FFA0] =	vst v1;
	v1 =	vadd.s32 $0x3B7, v0  }
0x21: {  	s3 =	stileid.u32;
	s10 =	simm.s32 $0x1880;
	s11 =	simm.s32 $0x400;
	v44 =	vadd.s32 $0x58B, v0;
	v45 =	vadd.s32 $0x59B, v0;
	[tilespmem:$0x1FFB0] =	vst v1;
	v1 =	vadd.s32 $0x408, v0  }
0x22: {  	s8 =	simm.s32 $0x3;
	s12 =	simm.s32 $0x20000;
	s13 =	simm.s32 $0x7C80;
	v46 =	vadd.s32 $0x5AB, v0;
	v47 =	vadd.s32 $0x5BB, v0;
	[tilespmem:$0x1FFC0] =	vst v1;
	v1 =	vadd.s32 $0x418, v0  }
0x23: {  	s14 =	simm.s32 $0x9C80;
	s19 =	simm.s32 $0x0;
	s1 =	sand.u32 $0x1, s1;
	v48 =	vadd.s32 $0x60C, v0;
	v49 =	vadd.s32 $0x61C, v0;
	[tilespmem:$0x1FFD0] =	vst v1;
	v1 =	vadd.s32 $0x428, v0  }
0x24: {  	[smem:$0x7FF] =	sst s2;
	s28 =	sadd.s32 $0x64600, s0;
	v50 =	vadd.s32 $0x62C, v0;
	v51 =	vadd.s32 $0x63C, v0;
	s29 =	ssub.s32 $0x2, s1;
	[tilespmem:$0x1FFE0] =	vst v1;
	v1 =	vadd.s32 $0x438, v0  }
0x25: {  	s0 =	sadd.s32 $0x600, s0;
	s31 =	sshll.u32 s3, $0xA;
	v52 =	vadd.s32 $0x68D, v0;
	v53 =	vadd.s32 $0x69D, v0;
	v54 =	vadd.s32 $0x6AD, v0;
	s30 =	sshrl.u32 s29, $0x1;
	[tilespmem:$0x1FFF0] =	vst v1  }
0x26: {  	v55 =	vadd.s32 $0x6BD, v0;
	v56 =	vadd.s32 $0x70E, v0;
	v57 =	vadd.s32 $0x71E, v0;
	_ =	strace $0x80000047;
	[dreg:$0x4] =	wrdreg s0;
	s0 =	ssub.s32 s29, s30  }
0x27: {  	v58 =	vadd.s32 $0x72E, v0;
	v59 =	vadd.s32 $0x73E, v0;
	v60 =	vadd.s32 $0x78F, v0;
	s1 =	sshll.u32 s1, $0x9;
	[dreg:$0x3] =	wrdreg s28;
	s0 =	smax.u32 s0, $0x1  }
0x28: {  	v61 =	vadd.s32 $0x79F, v0;
	v62 =	vadd.s32 $0x7AF, v0;
	v63 =	vadd.s32 $0x7BF, v0;
	s2 =	simm.s32 $0x0;
	s6 =	sor.u32 s1, s31;
	[dreg:$0x5] =	wrdreg s0  }
.LBB2_1:
0x29: {  	[dreg:$0x6] =	wrdreg s2  }
0x2a: {  	s0 =	simm.s32 $0x0;
	s1 =	rddreg [dreg:$0x3]  }
0x2b: {  	[tilespmem:s0], [sflag:$0x3] =	stream.linear.gather [hbm4b:s1+s0], $0xC00, $0x38;
	[tilespmem:$0xBC80] =	vst v63  }
0x2c: {  	_ =	swait.ge [sflag:s8], $0xC00  }
0x2d: {  	[sflag:s8] =	ssyncset.done $0x0  }
0x2e: {  	[sflag:s8] =	ssyncadd.s32 $0xFFFFF400  }
0x2f: {  	v1 =	vld [tilespmem:$0x0];
	_ =	sdelay $0x2  }
0x30: {  	v2 =	vld [tilespmem:$0x1FDD0];
	_ =	sdelay $0x1  }
0x31: {  	[tilespmem:v0+s9+$0x0] =	vst.idx.msk $0xffff, v1  }
0x32: {  	v1 =	vld [tilespmem:$0x10];
	_ =	sdelay $0x4  }
0x33: {  	[tilespmem:v2+s9+$0x0] =	vst.idx.msk $0xffff, v1;
	v2 =	vld [tilespmem:$0x1FDE0];
	_ =	sdelay $0x2  }
0x34: {  	v1 =	vld [tilespmem:$0x20];
	_ =	sdelay $0x4  }
0x35: {  	[tilespmem:v2+s9+$0x0] =	vst.idx.msk $0xffff, v1;
	v2 =	vld [tilespmem:$0x1FDF0];
	_ =	sdelay $0x2  }
0x36: {  	v1 =	vld [tilespmem:$0x30];
	_ =	sdelay $0x4  }
0x37: {  	[tilespmem:v2+s9+$0x0] =	vst.idx.msk $0xffff, v1;
	v2 =	vld [tilespmem:$0x1FE00];
	_ =	sdelay $0x2  }
0x38: {  	v1 =	vld [tilespmem:$0x80];
	_ =	sdelay $0x4  }
0x39: {  	[tilespmem:v2+s9+$0x0] =	vst.idx.msk $0xffff, v1;
	v2 =	vld [tilespmem:$0x1FE10];
	_ =	sdelay $0x2  }
0x3a: {  	v1 =	vld [tilespmem:$0x90];
	_ =	sdelay $0x4  }
0x3b: {  	[tilespmem:v2+s9+$0x0] =	vst.idx.msk $0xffff, v1;
	v2 =	vld [tilespmem:$0x1FE20];
	_ =	sdelay $0x2  }
0x3c: {  	v1 =	vld [tilespmem:$0xA0];
	_ =	sdelay $0x4  }
0x3d: {  	[tilespmem:v2+s9+$0x0] =	vst.idx.msk $0xffff, v1;
	v2 =	vld [tilespmem:$0x1FE30];
	_ =	sdelay $0x2  }
0x3e: {  	v1 =	vld [tilespmem:$0xB0];
	_ =	sdelay $0x4  }
0x3f: {  	[tilespmem:v2+s9+$0x0] =	vst.idx.msk $0xffff, v1;
	v2 =	vld [tilespmem:$0x1FE40];
	_ =	sdelay $0x2  }
0x40: {  	v1 =	vld [tilespmem:$0x100];
	_ =	sdelay $0x4  }
0x41: {  	[tilespmem:v2+s9+$0x0] =	vst.idx.msk $0xffff, v1;
	v2 =	vld [tilespmem:$0x1FE50];
	_ =	sdelay $0x2  }
0x42: {  	v1 =	vld [tilespmem:$0x110];
	_ =	sdelay $0x4  }
0x43: {  	[tilespmem:v2+s9+$0x0] =	vst.idx.msk $0xffff, v1;
	v2 =	vld [tilespmem:$0x1FE60];
	_ =	sdelay $0x2  }
0x44: {  	v1 =	vld [tilespmem:$0x120];
	_ =	sdelay $0x4  }
0x45: {  	[tilespmem:v2+s9+$0x0] =	vst.idx.msk $0xffff, v1;
	v2 =	vld [tilespmem:$0x1FE70];
	_ =	sdelay $0x2  }
0x46: {  	v1 =	vld [tilespmem:$0x130];
	_ =	sdelay $0x4  }
0x47: {  	[tilespmem:v2+s9+$0x0] =	vst.idx.msk $0xffff, v1;
	v2 =	vld [tilespmem:$0x1FE80];
	_ =	sdelay $0x2  }
0x48: {  	v1 =	vld [tilespmem:$0x180];
	_ =	sdelay $0x4  }
0x49: {  	[tilespmem:v2+s9+$0x0] =	vst.idx.msk $0xffff, v1;
	v2 =	vld [tilespmem:$0x1FE90];
	_ =	sdelay $0x2  }
0x4a: {  	v1 =	vld [tilespmem:$0x190];
	_ =	sdelay $0x4  }
0x4b: {  	[tilespmem:v2+s9+$0x0] =	vst.idx.msk $0xffff, v1;
	v2 =	vld [tilespmem:$0x1FEA0];
	_ =	sdelay $0x2  }
0x4c: {  	v1 =	vld [tilespmem:$0x1A0];
	_ =	sdelay $0x4  }
0x4d: {  	[tilespmem:v2+s9+$0x0] =	vst.idx.msk $0xffff, v1;
	v2 =	vld [tilespmem:$0x1FEB0];
	_ =	sdelay $0x2  }
0x4e: {  	v1 =	vld [tilespmem:$0x1B0];
	_ =	sdelay $0x4  }
0x4f: {  	[tilespmem:v2+s9+$0x0] =	vst.idx.msk $0xffff, v1;
	v2 =	vld [tilespmem:$0x1FEC0];
	_ =	sdelay $0x2  }
0x50: {  	v1 =	vld [tilespmem:$0x200];
	_ =	sdelay $0x4  }
0x51: {  	[tilespmem:v2+s9+$0x0] =	vst.idx.msk $0xffff, v1;
	v2 =	vld [tilespmem:$0x1FED0];
	_ =	sdelay $0x2  }
0x52: {  	v1 =	vld [tilespmem:$0x210];
	_ =	sdelay $0x4  }
0x53: {  	[tilespmem:v2+s9+$0x0] =	vst.idx.msk $0xffff, v1;
	v2 =	vld [tilespmem:$0x1FEE0];
	_ =	sdelay $0x2  }
0x54: {  	v1 =	vld [tilespmem:$0x220];
	_ =	sdelay $0x4  }
0x55: {  	[tilespmem:v2+s9+$0x0] =	vst.idx.msk $0xffff, v1;
	v2 =	vld [tilespmem:$0x1FEF0];
	_ =	sdelay $0x2  }
0x56: {  	v1 =	vld [tilespmem:$0x230];
	_ =	sdelay $0x4  }
0x57: {  	[tilespmem:v2+s9+$0x0] =	vst.idx.msk $0xffff, v1;
	v2 =	vld [tilespmem:$0x1FF00];
	_ =	sdelay $0x2  }
0x58: {  	v1 =	vld [tilespmem:$0x280];
	_ =	sdelay $0x4  }
0x59: {  	[tilespmem:v2+s9+$0x0] =	vst.idx.msk $0xffff, v1;
	v2 =	vld [tilespmem:$0x1FF10];
	_ =	sdelay $0x2  }
0x5a: {  	v1 =	vld [tilespmem:$0x290];
	_ =	sdelay $0x4  }
0x5b: {  	[tilespmem:v2+s9+$0x0] =	vst.idx.msk $0xffff, v1;
	v2 =	vld [tilespmem:$0x1FF20];
	_ =	sdelay $0x2  }
0x5c: {  	v1 =	vld [tilespmem:$0x2A0];
	_ =	sdelay $0x4  }
0x5d: {  	[tilespmem:v2+s9+$0x0] =	vst.idx.msk $0xffff, v1;
	v2 =	vld [tilespmem:$0x1FF30];
	_ =	sdelay $0x2  }
0x5e: {  	v1 =	vld [tilespmem:$0x2B0];
	_ =	sdelay $0x4  }
0x5f: {  	[tilespmem:v2+s9+$0x0] =	vst.idx.msk $0xffff, v1;
	v2 =	vld [tilespmem:$0x1FF40];
	_ =	sdelay $0x2  }
0x60: {  	v1 =	vld [tilespmem:$0x300];
	_ =	sdelay $0x4  }
0x61: {  	[tilespmem:v2+s9+$0x0] =	vst.idx.msk $0xffff, v1;
	v2 =	vld [tilespmem:$0x1FF50];
	_ =	sdelay $0x2  }
0x62: {  	v1 =	vld [tilespmem:$0x310];
	_ =	sdelay $0x4  }
0x63: {  	[tilespmem:v2+s9+$0x0] =	vst.idx.msk $0xffff, v1;
	v2 =	vld [tilespmem:$0x1FF60];
	_ =	sdelay $0x2  }
0x64: {  	v1 =	vld [tilespmem:$0x320];
	_ =	sdelay $0x4  }
0x65: {  	[tilespmem:v2+s9+$0x0] =	vst.idx.msk $0xffff, v1;
	v2 =	vld [tilespmem:$0x1FF70];
	_ =	sdelay $0x2  }
0x66: {  	v1 =	vld [tilespmem:$0x330];
	_ =	sdelay $0x4  }
0x67: {  	[tilespmem:v2+s9+$0x0] =	vst.idx.msk $0xffff, v1;
	v2 =	vld [tilespmem:$0x1FF80];
	_ =	sdelay $0x2  }
0x68: {  	v1 =	vld [tilespmem:$0x380];
	_ =	sdelay $0x4  }
0x69: {  	[tilespmem:v2+s9+$0x0] =	vst.idx.msk $0xffff, v1;
	v2 =	vld [tilespmem:$0x1FF90];
	_ =	sdelay $0x2  }
0x6a: {  	v1 =	vld [tilespmem:$0x390];
	_ =	sdelay $0x4  }
0x6b: {  	[tilespmem:v2+s9+$0x0] =	vst.idx.msk $0xffff, v1;
	v2 =	vld [tilespmem:$0x1FFA0];
	_ =	sdelay $0x2  }
0x6c: {  	v1 =	vld [tilespmem:$0x3A0];
	_ =	sdelay $0x4  }
0x6d: {  	[tilespmem:v2+s9+$0x0] =	vst.idx.msk $0xffff, v1;
	v2 =	vld [tilespmem:$0x1FFB0];
	_ =	sdelay $0x2  }
0x6e: {  	v1 =	vld [tilespmem:$0x3B0];
	_ =	sdelay $0x4  }
0x6f: {  	[tilespmem:v2+s9+$0x0] =	vst.idx.msk $0xffff, v1;
	v2 =	vld [tilespmem:$0x1FFC0];
	_ =	sdelay $0x2  }
0x70: {  	v1 =	vld [tilespmem:$0x400];
	_ =	sdelay $0x4  }
0x71: {  	[tilespmem:v2+s9+$0x0] =	vst.idx.msk $0xffff, v1;
	v2 =	vld [tilespmem:$0x1FFD0];
	_ =	sdelay $0x2  }
0x72: {  	v1 =	vld [tilespmem:$0x410];
	_ =	sdelay $0x4  }
0x73: {  	[tilespmem:v2+s9+$0x0] =	vst.idx.msk $0xffff, v1;
	v2 =	vld [tilespmem:$0x1FFE0];
	_ =	sdelay $0x2  }
0x74: {  	v1 =	vld [tilespmem:$0x420];
	_ =	sdelay $0x4  }
0x75: {  	[tilespmem:v2+s9+$0x0] =	vst.idx.msk $0xffff, v1;
	v2 =	vld [tilespmem:$0x1FFF0];
	_ =	sdelay $0x2  }
0x76: {  	v1 =	vld [tilespmem:$0x430];
	_ =	sdelay $0x4  }
0x77: {  	[tilespmem:v2+s9+$0x0] =	vst.idx.msk $0xffff, v1  }
0x78: {  	v1 =	vld [tilespmem:$0x480];
	_ =	sdelay $0x4  }
0x79: {  	[tilespmem:v36+s9+$0x0] =	vst.idx.msk $0xffff, v1  }
0x7a: {  	v1 =	vld [tilespmem:$0x490];
	_ =	sdelay $0x4  }
0x7b: {  	[tilespmem:v37+s9+$0x0] =	vst.idx.msk $0xffff, v1  }
0x7c: {  	v1 =	vld [tilespmem:$0x4A0];
	_ =	sdelay $0x4  }
0x7d: {  	[tilespmem:v38+s9+$0x0] =	vst.idx.msk $0xffff, v1  }
0x7e: {  	v1 =	vld [tilespmem:$0x4B0];
	_ =	sdelay $0x4  }
0x7f: {  	[tilespmem:v39+s9+$0x0] =	vst.idx.msk $0xffff, v1  }
0x80: {  	v1 =	vld [tilespmem:$0x500];
	_ =	sdelay $0x4  }
0x81: {  	[tilespmem:v40+s9+$0x0] =	vst.idx.msk $0xffff, v1  }
0x82: {  	v1 =	vld [tilespmem:$0x510];
	_ =	sdelay $0x4  }
0x83: {  	[tilespmem:v41+s9+$0x0] =	vst.idx.msk $0xffff, v1  }
0x84: {  	v1 =	vld [tilespmem:$0x520];
	_ =	sdelay $0x4  }
0x85: {  	[tilespmem:v42+s9+$0x0] =	vst.idx.msk $0xffff, v1  }
0x86: {  	v1 =	vld [tilespmem:$0x530];
	_ =	sdelay $0x4  }
0x87: {  	[tilespmem:v43+s9+$0x0] =	vst.idx.msk $0xffff, v1  }
0x88: {  	v1 =	vld [tilespmem:$0x580];
	_ =	sdelay $0x4  }
0x89: {  	[tilespmem:v44+s9+$0x0] =	vst.idx.msk $0xffff, v1  }
0x8a: {  	v1 =	vld [tilespmem:$0x590];
	_ =	sdelay $0x4  }
0x8b: {  	[tilespmem:v45+s9+$0x0] =	vst.idx.msk $0xffff, v1  }
0x8c: {  	v1 =	vld [tilespmem:$0x5A0];
	_ =	sdelay $0x4  }
0x8d: {  	[tilespmem:v46+s9+$0x0] =	vst.idx.msk $0xffff, v1  }
0x8e: {  	v1 =	vld [tilespmem:$0x5B0];
	_ =	sdelay $0x4  }
0x8f: {  	[tilespmem:v47+s9+$0x0] =	vst.idx.msk $0xffff, v1  }
0x90: {  	v1 =	vld [tilespmem:$0x600];
	_ =	sdelay $0x4  }
0x91: {  	[tilespmem:v48+s9+$0x0] =	vst.idx.msk $0xffff, v1  }
0x92: {  	v1 =	vld [tilespmem:$0x610];
	_ =	sdelay $0x4  }
0x93: {  	[tilespmem:v49+s9+$0x0] =	vst.idx.msk $0xffff, v1  }
0x94: {  	v1 =	vld [tilespmem:$0x620];
	_ =	sdelay $0x4  }
0x95: {  	[tilespmem:v50+s9+$0x0] =	vst.idx.msk $0xffff, v1  }
0x96: {  	v1 =	vld [tilespmem:$0x630];
	_ =	sdelay $0x4  }
0x97: {  	[tilespmem:v51+s9+$0x0] =	vst.idx.msk $0xffff, v1  }
0x98: {  	v1 =	vld [tilespmem:$0x680];
	_ =	sdelay $0x4  }
0x99: {  	[tilespmem:v52+s9+$0x0] =	vst.idx.msk $0xffff, v1  }
0x9a: {  	v1 =	vld [tilespmem:$0x690];
	_ =	sdelay $0x4  }
0x9b: {  	[tilespmem:v53+s9+$0x0] =	vst.idx.msk $0xffff, v1  }
0x9c: {  	v1 =	vld [tilespmem:$0x6A0];
	_ =	sdelay $0x4  }
0x9d: {  	[tilespmem:v54+s9+$0x0] =	vst.idx.msk $0xffff, v1  }
0x9e: {  	v1 =	vld [tilespmem:$0x6B0];
	_ =	sdelay $0x4  }
0x9f: {  	[tilespmem:v55+s9+$0x0] =	vst.idx.msk $0xffff, v1  }
0xa0: {  	v1 =	vld [tilespmem:$0x700];
	_ =	sdelay $0x4  }
0xa1: {  	[tilespmem:v56+s9+$0x0] =	vst.idx.msk $0xffff, v1  }
0xa2: {  	v1 =	vld [tilespmem:$0x710];
	_ =	sdelay $0x4  }
0xa3: {  	[tilespmem:v57+s9+$0x0] =	vst.idx.msk $0xffff, v1  }
0xa4: {  	v1 =	vld [tilespmem:$0x720];
	_ =	sdelay $0x4  }
0xa5: {  	[tilespmem:v58+s9+$0x0] =	vst.idx.msk $0xffff, v1  }
0xa6: {  	v1 =	vld [tilespmem:$0x730];
	_ =	sdelay $0x4  }
0xa7: {  	[tilespmem:v59+s9+$0x0] =	vst.idx.msk $0xffff, v1  }
0xa8: {  	v1 =	vld [tilespmem:$0x780];
	_ =	sdelay $0x4  }
0xa9: {  	[tilespmem:v60+s9+$0x0] =	vst.idx.msk $0xffff, v1  }
0xaa: {  	v1 =	vld [tilespmem:$0x790];
	_ =	sdelay $0x4  }
0xab: {  	[tilespmem:v61+s9+$0x0] =	vst.idx.msk $0xffff, v1  }
0xac: {  	v1 =	vld [tilespmem:$0x7A0];
	_ =	sdelay $0x4  }
0xad: {  	[tilespmem:v62+s9+$0x0] =	vst.idx.msk $0xffff, v1  }
0xae: {  	v1 =	vld [tilespmem:$0x7B0];
	_ =	sdelay $0x4  }
0xaf: {  	[tilespmem:v63+s9+$0x0] =	vst.idx.msk $0xffff, v1  }
0xb0: {  	v2 =	vor.u32 $0x810, v0;
	v1 =	vld [tilespmem:$0x800];
	_ =	sdelay $0x4  }
0xb1: {  	[tilespmem:v2+s9+$0x0] =	vst.idx.msk $0xffff, v1  }
0xb2: {  	v2 =	vor.u32 $0x820, v0;
	v1 =	vld [tilespmem:$0x810];
	_ =	sdelay $0x4  }
0xb3: {  	[tilespmem:v2+s9+$0x0] =	vst.idx.msk $0xffff, v1  }
0xb4: {  	v2 =	vor.u32 $0x830, v0;
	v1 =	vld [tilespmem:$0x820];
	_ =	sdelay $0x4  }
0xb5: {  	[tilespmem:v2+s9+$0x0] =	vst.idx.msk $0xffff, v1  }
0xb6: {  	v2 =	vor.u32 $0x840, v0;
	v1 =	vld [tilespmem:$0x830];
	_ =	sdelay $0x4  }
0xb7: {  	[tilespmem:v2+s9+$0x0] =	vst.idx.msk $0xffff, v1  }
0xb8: {  	v2 =	vadd.s32 $0x891, v0;
	v1 =	vld [tilespmem:$0x880];
	_ =	sdelay $0x4  }
0xb9: {  	[tilespmem:v2+s9+$0x0] =	vst.idx.msk $0xffff, v1  }
0xba: {  	v2 =	vadd.s32 $0x8A1, v0;
	v1 =	vld [tilespmem:$0x890];
	_ =	sdelay $0x4  }
0xbb: {  	[tilespmem:v2+s9+$0x0] =	vst.idx.msk $0xffff, v1  }
0xbc: {  	v2 =	vadd.s32 $0x8B1, v0;
	v1 =	vld [tilespmem:$0x8A0];
	_ =	sdelay $0x4  }
0xbd: {  	[tilespmem:v2+s9+$0x0] =	vst.idx.msk $0xffff, v1  }
0xbe: {  	v2 =	vadd.s32 $0x8C1, v0;
	v1 =	vld [tilespmem:$0x8B0];
	_ =	sdelay $0x4  }
0xbf: {  	[tilespmem:v2+s9+$0x0] =	vst.idx.msk $0xffff, v1  }
0xc0: {  	v2 =	vadd.s32 $0x912, v0;
	v1 =	vld [tilespmem:$0x900];
	_ =	sdelay $0x4  }
0xc1: {  	[tilespmem:v2+s9+$0x0] =	vst.idx.msk $0xffff, v1  }
0xc2: {  	v2 =	vadd.s32 $0x922, v0;
	v1 =	vld [tilespmem:$0x910];
	_ =	sdelay $0x4  }
0xc3: {  	[tilespmem:v2+s9+$0x0] =	vst.idx.msk $0xffff, v1  }
0xc4: {  	v2 =	vadd.s32 $0x932, v0;
	v1 =	vld [tilespmem:$0x920];
	_ =	sdelay $0x4  }
0xc5: {  	[tilespmem:v2+s9+$0x0] =	vst.idx.msk $0xffff, v1  }
0xc6: {  	v2 =	vadd.s32 $0x942, v0;
	v1 =	vld [tilespmem:$0x930];
	_ =	sdelay $0x4  }
0xc7: {  	[tilespmem:v2+s9+$0x0] =	vst.idx.msk $0xffff, v1  }
0xc8: {  	v2 =	vadd.s32 $0x993, v0;
	v1 =	vld [tilespmem:$0x980];
	_ =	sdelay $0x4  }
0xc9: {  	[tilespmem:v2+s9+$0x0] =	vst.idx.msk $0xffff, v1  }
0xca: {  	v2 =	vadd.s32 $0x9A3, v0;
	v1 =	vld [tilespmem:$0x990];
	_ =	sdelay $0x4  }
0xcb: {  	[tilespmem:v2+s9+$0x0] =	vst.idx.msk $0xffff, v1  }
0xcc: {  	v2 =	vadd.s32 $0x9B3, v0;
	v1 =	vld [tilespmem:$0x9A0];
	_ =	sdelay $0x4  }
0xcd: {  	[tilespmem:v2+s9+$0x0] =	vst.idx.msk $0xffff, v1  }
0xce: {  	v2 =	vadd.s32 $0x9C3, v0;
	v1 =	vld [tilespmem:$0x9B0];
	_ =	sdelay $0x4  }
0xcf: {  	[tilespmem:v2+s9+$0x0] =	vst.idx.msk $0xffff, v1  }
0xd0: {  	v2 =	vadd.s32 $0xA14, v0;
	v1 =	vld [tilespmem:$0xA00];
	_ =	sdelay $0x4  }
0xd1: {  	[tilespmem:v2+s9+$0x0] =	vst.idx.msk $0xffff, v1  }
0xd2: {  	v2 =	vadd.s32 $0xA24, v0;
	v1 =	vld [tilespmem:$0xA10];
	_ =	sdelay $0x4  }
0xd3: {  	[tilespmem:v2+s9+$0x0] =	vst.idx.msk $0xffff, v1  }
0xd4: {  	v2 =	vadd.s32 $0xA34, v0;
	v1 =	vld [tilespmem:$0xA20];
	_ =	sdelay $0x4  }
0xd5: {  	[tilespmem:v2+s9+$0x0] =	vst.idx.msk $0xffff, v1  }
0xd6: {  	v2 =	vadd.s32 $0xA44, v0;
	v1 =	vld [tilespmem:$0xA30];
	_ =	sdelay $0x4  }
0xd7: {  	[tilespmem:v2+s9+$0x0] =	vst.idx.msk $0xffff, v1  }
0xd8: {  	v2 =	vadd.s32 $0xA95, v0;
	v1 =	vld [tilespmem:$0xA80];
	_ =	sdelay $0x4  }
0xd9: {  	[tilespmem:v2+s9+$0x0] =	vst.idx.msk $0xffff, v1  }
0xda: {  	v2 =	vadd.s32 $0xAA5, v0;
	v1 =	vld [tilespmem:$0xA90];
	_ =	sdelay $0x4  }
0xdb: {  	[tilespmem:v2+s9+$0x0] =	vst.idx.msk $0xffff, v1  }
0xdc: {  	v2 =	vadd.s32 $0xAB5, v0;
	v1 =	vld [tilespmem:$0xAA0];
	_ =	sdelay $0x4  }
0xdd: {  	[tilespmem:v2+s9+$0x0] =	vst.idx.msk $0xffff, v1  }
0xde: {  	v2 =	vadd.s32 $0xAC5, v0;
	v1 =	vld [tilespmem:$0xAB0];
	_ =	sdelay $0x4  }
0xdf: {  	[tilespmem:v2+s9+$0x0] =	vst.idx.msk $0xffff, v1  }
0xe0: {  	v2 =	vadd.s32 $0xB16, v0;
	v1 =	vld [tilespmem:$0xB00];
	_ =	sdelay $0x4  }
0xe1: {  	[tilespmem:v2+s9+$0x0] =	vst.idx.msk $0xffff, v1  }
0xe2: {  	v2 =	vadd.s32 $0xB26, v0;
	v1 =	vld [tilespmem:$0xB10];
	_ =	sdelay $0x4  }
0xe3: {  	[tilespmem:v2+s9+$0x0] =	vst.idx.msk $0xffff, v1  }
0xe4: {  	v2 =	vadd.s32 $0xB36, v0;
	v1 =	vld [tilespmem:$0xB20];
	_ =	sdelay $0x4  }
0xe5: {  	[tilespmem:v2+s9+$0x0] =	vst.idx.msk $0xffff, v1  }
0xe6: {  	v2 =	vadd.s32 $0xB46, v0;
	v1 =	vld [tilespmem:$0xB30];
	_ =	sdelay $0x4  }
0xe7: {  	[tilespmem:v2+s9+$0x0] =	vst.idx.msk $0xffff, v1  }
0xe8: {  	v2 =	vadd.s32 $0xB97, v0;
	v1 =	vld [tilespmem:$0xB80];
	_ =	sdelay $0x4  }
0xe9: {  	[tilespmem:v2+s9+$0x0] =	vst.idx.msk $0xffff, v1  }
0xea: {  	v2 =	vadd.s32 $0xBA7, v0;
	v1 =	vld [tilespmem:$0xB90];
	_ =	sdelay $0x4  }
0xeb: {  	[tilespmem:v2+s9+$0x0] =	vst.idx.msk $0xffff, v1  }
0xec: {  	v2 =	vadd.s32 $0xBB7, v0;
	v1 =	vld [tilespmem:$0xBA0];
	_ =	sdelay $0x4  }
0xed: {  	[tilespmem:v2+s9+$0x0] =	vst.idx.msk $0xffff, v1  }
0xee: {  	v2 =	vadd.s32 $0xBC7, v0;
	v1 =	vld [tilespmem:$0xBB0];
	_ =	sdelay $0x4  }
0xef: {  	s18 =	simm.s32 $0x0;
	[tilespmem:v2+s9+$0x0] =	vst.idx.msk $0xffff, v1  }
.LBB2_2:
0xf0: {  	s0 =	sshll.u32 s18, $0x7  }
0xf1: {  	s0 =	sadd.s32 s6, s0  }
0xf2: {  	s1 =	smul.u32 $0x19, s0  }
0xf3: {  	s2 =	rddreg [dreg:$0x4]  }
0xf4: {  	s1 =	sadd.s32 s2, s1  }
0xf5: {  	[tilespmem:s10], [sflag:$0x3] =	stream.linear.gather [hbm4b:s1+s19], $0x6400, $0x38;
	[tilespmem:$0xBC80] =	vst v63  }
0xf6: {  	_ =	swait.ge [sflag:s8], $0x6400  }
0xf7: {  	[sflag:s8] =	ssyncset.done $0x0  }
0xf8: {  	[sflag:s8] =	ssyncadd.s32 $0xFFFF9C00  }
0xf9: {  	s31 =	rddreg [dreg:$0x1]  }
0xfa: {  	s21 =	simm.s32 $0x0;
	s20 =	sadd.s32 s31, s0  }
.LBB2_3:
0xfb: {  	v1 =	vmul.u32 $0xC8, v0  }
0xfc: {  	s22 =	sshll.u32 s21, $0x1;
	s0 =	sor.u32 s18, s21  }
0xfd: {  	p0 =	seq.s32 s0, $0x0;
	v2 =	vadd.s32 s22, v1  }
0xfe: {  	s0 =	simm.s32 @!p0 $0x1  }
0xff: {  	_ =	swait.ge @!p0 [sflag:s0], $0x2000  }
0x100: {  	[sflag:s0] =	ssyncset.done @!p0 $0x0  }
0x101: {  	s15 =	sadd.s32 $0xC80, s22;
	[sflag:s0] =	ssyncadd.s32 @!p0 $0xFFFFE000  }
0x102: {  	s16 =	sor.u32 $0x1900, s22;
	v3 =	vadd.s32 s15, v1;
	v2 =	vld.idx.msk [tilespmem:v2+s10+$0x0], $0xffff  }
0x103: {  	s17 =	sadd.s32 $0x2580, s22;
	v4 =	vadd.s32 s16, v1  }
0x104: {  	s23 =	sor.u32 $0x3200, s22;
	v5 =	vadd.s32 s17, v1  }
0x105: {  	s24 =	sadd.s32 $0x3E80, s22;
	v6 =	vadd.s32 s23, v1  }
0x106: {  	s25 =	sor.u32 $0x4B00, s22;
	v7 =	vadd.s32 s24, v1  }
0x107: {  	s26 =	sadd.s32 $0x5780, s22;
	v8 =	vld.idx.msk [tilespmem:v3+s10+$0x0], $0xffff;
	v9 =	vmul.u32 $0x81, v2;
	v2 =	vadd.s32 s25, v1  }
0x108: {  	v10 =	vadd.s32 s26, v1;
	v4 =	vld.idx.msk [tilespmem:v4+s10+$0x0], $0xffff  }
0x109: {  	s5 =	simm.s32 $0x1;
	v5 =	vld.idx.msk [tilespmem:v5+s10+$0x0], $0xffff;
	v11 =	vadd.s32 s19, v9  }
0x10a: {  	s7 =	simm.s32 $0x2;
	v12 =	vld.idx.msk [tilespmem:v6+s10+$0x0], $0xffff;
	v6 =	vadd.s32 s5, v9  }
0x10b: {  	s15 =	simm.s32 $0x3;
	v13 =	vld.idx.msk [tilespmem:v7+s10+$0x0], $0xffff;
	v7 =	vadd.s32 s7, v9  }
0x10c: {  	s0 =	simm.s32 $0x5;
	v14 =	vadd.s32 s15, v9;
	v3 =	vld.idx.msk [tilespmem:v2+s10+$0x0], $0xffff  }
0x10d: {  	s1 =	simm.s32 $0x6;
	v15 =	vadd.s32 s0, v9;
	v2 =	vld.idx.msk [tilespmem:v10+s10+$0x0], $0xffff  }
0x10e: {  	s23 =	simm.s32 $0xF;
	v16 =	vadd.s32 s1, v9;
	v11 =	vld.idx.msk [tilespmem:v11+s9+$0x0], $0xffff  }
0x10f: {  	s3 =	simm.s32 $0x8;
	v19 =	vadd.s32 s23, v9;
	v6 =	vld.idx.msk [tilespmem:v6+s9+$0x0], $0xffff  }
0x110: {  	s16 =	simm.s32 $0x9;
	v18 =	vadd.s32 s3, v9;
	v17 =	vld.idx.msk [tilespmem:v7+s9+$0x0], $0xffff  }
0x111: {  	s17 =	simm.s32 $0xA;
	v20 =	vadd.s32 s16, v9;
	v14 =	vld.idx.msk [tilespmem:v14+s9+$0x0], $0xffff  }
0x112: {  	s26 =	simm.s32 $0xC;
	v21 =	vadd.s32 s17, v9;
	v15 =	vld.idx.msk [tilespmem:v15+s9+$0x0], $0xffff  }
0x113: {  	s28 =	simm.s32 $0xD;
	v23 =	vadd.s32 s26, v9;
	v16 =	vld.idx.msk [tilespmem:v16+s9+$0x0], $0xffff  }
0x114: {  	s29 =	simm.s32 $0xE;
	v24 =	vadd.s32 s28, v9;
	v19 =	vld.idx.msk [tilespmem:v19+s9+$0x0], $0xffff  }
0x115: {  	s4 =	simm.s32 $0x4;
	v25 =	vadd.s32 s29, v9;
	v18 =	vld.idx.msk [tilespmem:v18+s9+$0x0], $0xffff  }
0x116: {  	s2 =	simm.s32 $0x7;
	v8 =	vmul.u32 $0x81, v8;
	v10 =	vadd.s32 s4, v9;
	v20 =	vld.idx.msk [tilespmem:v20+s9+$0x0], $0xffff  }
0x117: {  	v7 =	vadd.s32 s2, v9;
	v21 =	vld.idx.msk [tilespmem:v21+s9+$0x0], $0xffff  }
0x118: {  	s24 =	simm.s32 $0x8080;
	v26 =	vadd.s32 s23, v8;
	v23 =	vld.idx.msk [tilespmem:v23+s9+$0x0], $0xffff  }
0x119: {  	v27 =	vadd.s32 s5, v8;
	v24 =	vld.idx.msk [tilespmem:v24+s9+$0x0], $0xffff;
	[tilespmem:s24+$0x380] =	vst v19  }
0x11a: {  	v29 =	vadd.s32 s7, v8;
	v25 =	vld.idx.msk [tilespmem:v25+s9+$0x0], $0xffff;
	[tilespmem:s24+$0xFFFFFC80] =	vst v6  }
0x11b: {  	v30 =	vadd.s32 s15, v8;
	v10 =	vld.idx.msk [tilespmem:v10+s9+$0x0], $0xffff;
	[tilespmem:s24+$0xFFFFFD00] =	vst v17  }
0x11c: {  	s25 =	simm.s32 $0xB;
	v31 =	vadd.s32 s4, v8;
	v22 =	vld.idx.msk [tilespmem:v7+s9+$0x0], $0xffff;
	[tilespmem:s24+$0xFFFFFD80] =	vst v14  }
0x11d: {  	v7 =	vadd.s32 s25, v9;
	[tilespmem:s24+$0xFFFFFE80] =	vst v15;
	v6 =	vld.idx.msk [tilespmem:v26+s9+$0x0], $0xffff  }
0x11e: {  	v17 =	vadd.s32 s1, v8;
	[tilespmem:s24+$0xFFFFFF00] =	vst v16;
	v19 =	vld.idx.msk [tilespmem:v27+s9+$0x0], $0xffff  }
0x11f: {  	v15 =	vadd.s32 s3, v8;
	[tilespmem:s24+$0x0] =	vst v18;
	v26 =	vld.idx.msk [tilespmem:v29+s9+$0x0], $0xffff  }
0x120: {  	v18 =	vadd.s32 s26, v8;
	v27 =	vld.idx.msk [tilespmem:v30+s9+$0x0], $0xffff;
	[tilespmem:s24+$0xFFFFFE00] =	vst v10  }
0x121: {  	[tilespmem:s24+$0x100] =	vst v21;
	v21 =	vadd.s32 s29, v8;
	v29 =	vld.idx.msk [tilespmem:v31+s9+$0x0], $0xffff  }
0x122: {  	[tilespmem:s24+$0x200] =	vst v23;
	v10 =	vadd.s32 s2, v8;
	v28 =	vld.idx.msk [tilespmem:v7+s9+$0x0], $0xffff  }
0x123: {  	[tilespmem:s24+$0x300] =	vst v25;
	v7 =	vmul.u32 $0x81, v4;
	v4 =	vadd.s32 s0, v8;
	v16 =	vld.idx.msk [tilespmem:v17+s9+$0x0], $0xffff  }
0x124: {  	[tilespmem:s24+$0xFFFFFC00] =	vst v11;
	v17 =	vadd.s32 s17, v8;
	v15 =	vld.idx.msk [tilespmem:v15+s9+$0x0], $0xffff  }
0x125: {  	v18 =	vld.idx.msk [tilespmem:v18+s9+$0x0], $0xffff;
	[tilespmem:s24+$0x390] =	vst v6;
	v6 =	vmul.u32 $0x81, v5;
	v5 =	vadd.s32 s25, v8  }
0x126: {  	[tilespmem:s24+$0xFFFFFF80] =	vst v22;
	v11 =	vld.idx.msk [tilespmem:v21+s9+$0x0], $0xffff;
	v14 =	vadd.s32 s23, v7  }
0x127: {  	[tilespmem:s24+$0xFFFFFC90] =	vst v19;
	v23 =	vadd.s32 s5, v7;
	v10 =	vld.idx.msk [tilespmem:v10+s9+$0x0], $0xffff  }
0x128: {  	[tilespmem:s24+$0xFFFFFD90] =	vst v27;
	v19 =	vadd.s32 s4, v7;
	v30 =	vld.idx.msk [tilespmem:v4+s9+$0x0], $0xffff  }
0x129: {  	v27 =	vadd.s32 s1, v7;
	v17 =	vld.idx.msk [tilespmem:v17+s9+$0x0], $0xffff;
	[tilespmem:s24+$0x180] =	vst v28  }
0x12a: {  	[tilespmem:s24+$0x80] =	vst v20;
	v4 =	vadd.s32 s16, v8;
	v31 =	vld.idx.msk [tilespmem:v5+s9+$0x0], $0xffff  }
0x12b: {  	[tilespmem:s24+$0xFFFFFD10] =	vst v26;
	v28 =	vadd.s32 s19, v8;
	v14 =	vld.idx.msk [tilespmem:v14+s9+$0x0], $0xffff  }
0x12c: {  	[tilespmem:s24+$0xFFFFFE10] =	vst v29;
	v5 =	vmul.u32 $0x81, v12;
	v12 =	vadd.s32 s7, v7;
	v23 =	vld.idx.msk [tilespmem:v23+s9+$0x0], $0xffff  }
0x12d: {  	v26 =	vadd.s32 s0, v7;
	[tilespmem:s24+$0xFFFFFF10] =	vst v16;
	v19 =	vld.idx.msk [tilespmem:v19+s9+$0x0], $0xffff  }
0x12e: {  	[tilespmem:s24+$0x10] =	vst v15;
	v15 =	vadd.s32 s25, v7;
	v27 =	vld.idx.msk [tilespmem:v27+s9+$0x0], $0xffff  }
0x12f: {  	[tilespmem:s24+$0x280] =	vst v24;
	v20 =	vadd.s32 s23, v6;
	v22 =	vld.idx.msk [tilespmem:v4+s9+$0x0], $0xffff  }
0x130: {  	[tilespmem:s24+$0xFFFFFF90] =	vst v10;
	v10 =	vadd.s32 s17, v7;
	v25 =	vld.idx.msk [tilespmem:v28+s9+$0x0], $0xffff  }
0x131: {  	v4 =	vadd.s32 s28, v8;
	[tilespmem:s24+$0xFFFFFE90] =	vst v30;
	v12 =	vld.idx.msk [tilespmem:v12+s9+$0x0], $0xffff  }
0x132: {  	v28 =	vadd.s32 s2, v7;
	v26 =	vld.idx.msk [tilespmem:v26+s9+$0x0], $0xffff;
	[tilespmem:s24+$0x190] =	vst v31  }
0x133: {  	v30 =	vadd.s32 s5, v6;
	[tilespmem:s24+$0x3A0] =	vst v14;
	v15 =	vld.idx.msk [tilespmem:v15+s9+$0x0], $0xffff  }
0x134: {  	[tilespmem:s24+$0x110] =	vst v17;
	v17 =	vadd.s32 s19, v7;
	v14 =	vld.idx.msk [tilespmem:v20+s9+$0x0], $0xffff  }
0x135: {  	[tilespmem:s24+$0x210] =	vst v18;
	v20 =	vadd.s32 s15, v7;
	v10 =	vld.idx.msk [tilespmem:v10+s9+$0x0], $0xffff  }
0x136: {  	v21 =	vadd.s32 s23, v5;
	[tilespmem:s24+$0xFFFFFCA0] =	vst v23;
	v24 =	vld.idx.msk [tilespmem:v4+s9+$0x0], $0xffff  }
0x137: {  	v4 =	vmul.u32 $0x81, v13;
	v13 =	vadd.s32 s3, v7;
	v28 =	vld.idx.msk [tilespmem:v28+s9+$0x0], $0xffff;
	[tilespmem:s24+$0x90] =	vst v22  }
0x138: {  	v22 =	vadd.s32 s26, v7;
	[tilespmem:s24+$0xFFFFFC10] =	vst v25;
	v23 =	vld.idx.msk [tilespmem:v30+s9+$0x0], $0xffff  }
0x139: {  	[tilespmem:s24+$0x310] =	vst v11;
	v25 =	vadd.s32 s4, v6;
	v17 =	vld.idx.msk [tilespmem:v17+s9+$0x0], $0xffff  }
0x13a: {  	v30 =	vadd.s32 s17, v6;
	v20 =	vld.idx.msk [tilespmem:v20+s9+$0x0], $0xffff;
	[tilespmem:s24+$0x3B0] =	vst v14  }
0x13b: {  	v29 =	vadd.s32 s28, v7;
	[tilespmem:s24+$0xFFFFFE20] =	vst v19;
	v14 =	vld.idx.msk [tilespmem:v21+s9+$0x0], $0xffff  }
0x13c: {  	[tilespmem:s24+$0xFFFFFD20] =	vst v12;
	v12 =	vadd.s32 s1, v6;
	v13 =	vld.idx.msk [tilespmem:v13+s9+$0x0], $0xffff  }
0x13d: {  	v19 =	vadd.s32 s2, v6;
	[tilespmem:s24+$0xFFFFFF20] =	vst v27;
	v22 =	vld.idx.msk [tilespmem:v22+s9+$0x0], $0xffff  }
0x13e: {  	v31 =	vadd.s32 s19, v6;
	[tilespmem:s24+$0x120] =	vst v10;
	v25 =	vld.idx.msk [tilespmem:v25+s9+$0x0], $0xffff  }
0x13f: {  	v21 =	vadd.s32 s16, v7;
	[tilespmem:s24+$0x290] =	vst v24;
	v30 =	vld.idx.msk [tilespmem:v30+s9+$0x0], $0xffff  }
0x140: {  	v11 =	vadd.s32 s15, v6;
	[tilespmem:s24+$0xFFFFFEA0] =	vst v26;
	v29 =	vld.idx.msk [tilespmem:v29+s9+$0x0], $0xffff  }
0x141: {  	v16 =	vadd.s32 s23, v4;
	[tilespmem:s24+$0xFFFFFFA0] =	vst v28;
	v12 =	vld.idx.msk [tilespmem:v12+s9+$0x0], $0xffff  }
0x142: {  	v3 =	vmul.u32 $0x81, v3;
	v2 =	vmul.u32 $0x81, v2;
	v24 =	vadd.s32 s7, v6;
	v19 =	vld.idx.msk [tilespmem:v19+s9+$0x0], $0xffff;
	[tilespmem:s24+$0xFFFFFC20] =	vst v17  }
0x143: {  	v26 =	vadd.s32 s3, v6;
	v17 =	vld.idx.msk [tilespmem:v31+s9+$0x0], $0xffff;
	[tilespmem:s24+$0xFFFFFDA0] =	vst v20  }
0x144: {  	v18 =	vadd.s32 s23, v3;
	v20 =	vadd.s32 s23, v2;
	s23 =	simm.s32 $0x10;
	v21 =	vld.idx.msk [tilespmem:v21+s9+$0x0], $0xffff;
	[tilespmem:s24+$0x3C0] =	vst v14;
	v14 =	vadd.s32 s29, v7  }
0x145: {  	[tilespmem:s24+$0x1A0] =	vst v15;
	v11 =	vld.idx.msk [tilespmem:v11+s9+$0x0], $0xffff;
	v28 =	vadd.s32 s23, v9  }
0x146: {  	v27 =	vadd.s32 s16, v6;
	[tilespmem:s24+$0xFFFFFCB0] =	vst v23;
	v16 =	vld.idx.msk [tilespmem:v16+s9+$0x0], $0xffff  }
0x147: {  	v24 =	vld.idx.msk [tilespmem:v24+s9+$0x0], $0xffff;
	[tilespmem:s24+$0x20] =	vst v13;
	v13 =	vadd.s32 s26, v6  }
0x148: {  	[tilespmem:s24+$0x220] =	vst v22;
	v22 =	vadd.s32 s5, v5;
	v26 =	vld.idx.msk [tilespmem:v26+s9+$0x0], $0xffff  }
0x149: {  	[tilespmem:s24+$0xFFFFFF30] =	vst v12;
	v14 =	vld.idx.msk [tilespmem:v14+s9+$0x0], $0xffff  }
0x14a: {  	v12 =	vadd.s32 s17, v5;
	[tilespmem:s24+$0xA0] =	vst v21;
	v10 =	vld.idx.msk [tilespmem:v28+s9+$0x0], $0xffff  }
0x14b: {  	[tilespmem:s24+$0xFFFFFE30] =	vst v25;
	v25 =	vadd.s32 s3, v5;
	v21 =	vld.idx.msk [tilespmem:v27+s9+$0x0], $0xffff  }
0x14c: {  	v28 =	vadd.s32 s15, v5;
	[tilespmem:s24+$0xFFFFFDB0] =	vst v11;
	v13 =	vld.idx.msk [tilespmem:v13+s9+$0x0], $0xffff  }
0x14d: {  	v11 =	vadd.s32 s2, v5;
	[tilespmem:s24+$0x3D0] =	vst v16;
	v22 =	vld.idx.msk [tilespmem:v22+s9+$0x0], $0xffff  }
0x14e: {  	[tilespmem:s24+$0x130] =	vst v30;
	v16 =	vadd.s32 s0, v6;
	v18 =	vld.idx.msk [tilespmem:v18+s9+$0x0], $0xffff  }
0x14f: {  	v27 =	vadd.s32 s28, v6;
	[tilespmem:s24+$0x30] =	vst v26;
	v12 =	vld.idx.msk [tilespmem:v12+s9+$0x0], $0xffff  }
0x150: {  	v15 =	vadd.s32 s29, v6;
	[tilespmem:s24+$0xFFFFFFB0] =	vst v19;
	v25 =	vld.idx.msk [tilespmem:v25+s9+$0x0], $0xffff  }
0x151: {  	[tilespmem:s24+$0xFFFFFD30] =	vst v24;
	v24 =	vadd.s32 s1, v5;
	v28 =	vld.idx.msk [tilespmem:v28+s9+$0x0], $0xffff  }
0x152: {  	[tilespmem:s24+$0x2A0] =	vst v29;
	v26 =	vadd.s32 s26, v5;
	v11 =	vld.idx.msk [tilespmem:v11+s9+$0x0], $0xffff  }
0x153: {  	[tilespmem:s24+$0xFFFFFC30] =	vst v17;
	v16 =	vld.idx.msk [tilespmem:v16+s9+$0x0], $0xffff  }
0x154: {  	[tilespmem:s24+$0x320] =	vst v14;
	v14 =	vadd.s32 s4, v5;
	v27 =	vld.idx.msk [tilespmem:v27+s9+$0x0], $0xffff  }
0x155: {  	v15 =	vld.idx.msk [tilespmem:v15+s9+$0x0], $0xffff;
	[tilespmem:s24+$0x3E0] =	vst v18;
	v18 =	vadd.s32 s25, v6  }
0x156: {  	v23 =	vadd.s32 s0, v5;
	v24 =	vld.idx.msk [tilespmem:v24+s9+$0x0], $0xffff;
	[tilespmem:s24+$0x230] =	vst v13  }
0x157: {  	[tilespmem:s24+$0xB0] =	vst v21;
	v21 =	vadd.s32 s28, v5;
	v26 =	vld.idx.msk [tilespmem:v26+s9+$0x0], $0xffff  }
0x158: {  	v29 =	vadd.s32 s29, v5;
	v20 =	vld.idx.msk [tilespmem:v20+s9+$0x0], $0xffff;
	[tilespmem:s24+$0x40] =	vst v25  }
0x159: {  	v30 =	vadd.s32 s19, v5;
	v14 =	vld.idx.msk [tilespmem:v14+s9+$0x0], $0xffff;
	[tilespmem:s24+$0xFFFFFDC0] =	vst v28  }
0x15a: {  	v25 =	vadd.s32 s26, v4;
	[tilespmem:s24+$0xFFFFFEB0] =	vst v16;
	v18 =	vld.idx.msk [tilespmem:v18+s9+$0x0], $0xffff  }
0x15b: {  	v28 =	vadd.s32 s2, v4;
	[tilespmem:s24+$0x2B0] =	vst v27;
	v23 =	vld.idx.msk [tilespmem:v23+s9+$0x0], $0xffff  }
0x15c: {  	v16 =	vadd.s32 s16, v5;
	[tilespmem:s24+$0x330] =	vst v15;
	v21 =	vld.idx.msk [tilespmem:v21+s9+$0x0], $0xffff  }
0x15d: {  	[tilespmem:s24+$0xFFFFFFC0] =	vst v11;
	v27 =	vadd.s32 s15, v4;
	v17 =	vld.idx.msk [tilespmem:v29+s9+$0x0], $0xffff  }
0x15e: {  	v15 =	vadd.s32 s4, v4;
	v29 =	vld.idx.msk [tilespmem:v30+s9+$0x0], $0xffff;
	[tilespmem:s24+$0x240] =	vst v26  }
0x15f: {  	[tilespmem:s24+$0xFFFFFF40] =	vst v24;
	v24 =	vadd.s32 s17, v4;
	v25 =	vld.idx.msk [tilespmem:v25+s9+$0x0], $0xffff  }
0x160: {  	[tilespmem:s24+$0x3F0] =	vst v20;
	v20 =	vadd.s32 s7, v5;
	v28 =	vld.idx.msk [tilespmem:v28+s9+$0x0], $0xffff  }
0x161: {  	v19 =	vadd.s32 s25, v5;
	[tilespmem:s24+$0xFFFFFCC0] =	vst v22;
	v16 =	vld.idx.msk [tilespmem:v16+s9+$0x0], $0xffff  }
0x162: {  	v22 =	vadd.s32 s0, v4;
	[tilespmem:s24+$0xFFFFFE40] =	vst v14;
	v27 =	vld.idx.msk [tilespmem:v27+s9+$0x0], $0xffff  }
0x163: {  	[tilespmem:s24+$0x140] =	vst v12;
	v12 =	vadd.s32 s29, v4;
	v15 =	vld.idx.msk [tilespmem:v15+s9+$0x0], $0xffff  }
0x164: {  	v30 =	vadd.s32 s19, v4;
	v24 =	vld.idx.msk [tilespmem:v24+s9+$0x0], $0xffff;
	[tilespmem:s24+$0x1B0] =	vst v18  }
0x165: {  	v14 =	vadd.s32 s3, v4;
	[tilespmem:s24+$0xFFFFFEC0] =	vst v23;
	v20 =	vld.idx.msk [tilespmem:v20+s9+$0x0], $0xffff  }
0x166: {  	v18 =	vadd.s32 s5, v4;
	[tilespmem:s24+$0x2C0] =	vst v21;
	v19 =	vld.idx.msk [tilespmem:v19+s9+$0x0], $0xffff  }
0x167: {  	v23 =	vadd.s32 s16, v4;
	[tilespmem:s24+$0x340] =	vst v17;
	v22 =	vld.idx.msk [tilespmem:v22+s9+$0x0], $0xffff  }
0x168: {  	v21 =	vadd.s32 s15, v3;
	[tilespmem:s24+$0xFFFFFC40] =	vst v29;
	v12 =	vld.idx.msk [tilespmem:v12+s9+$0x0], $0xffff  }
0x169: {  	v17 =	vadd.s32 s4, v3;
	v29 =	vld.idx.msk [tilespmem:v30+s9+$0x0], $0xffff  }
0x16a: {  	v13 =	vadd.s32 s7, v4;
	v14 =	vld.idx.msk [tilespmem:v14+s9+$0x0], $0xffff;
	[tilespmem:s24+$0xC0] =	vst v16  }
0x16b: {  	v11 =	vadd.s32 s25, v4;
	[tilespmem:s24+$0xFFFFFDD0] =	vst v27;
	v18 =	vld.idx.msk [tilespmem:v18+s9+$0x0], $0xffff  }
0x16c: {  	v30 =	vadd.s32 s19, v3;
	[tilespmem:s24+$0xFFFFFE50] =	vst v15;
	v23 =	vld.idx.msk [tilespmem:v23+s9+$0x0], $0xffff  }
0x16d: {  	v16 =	vadd.s32 s28, v4;
	[tilespmem:s24+$0x150] =	vst v24;
	v21 =	vld.idx.msk [tilespmem:v21+s9+$0x0], $0xffff  }
0x16e: {  	v27 =	vadd.s32 s2, v3;
	v17 =	vld.idx.msk [tilespmem:v17+s9+$0x0], $0xffff;
	[tilespmem:s24+$0xFFFFFD40] =	vst v20  }
0x16f: {  	v15 =	vadd.s32 s3, v3;
	[tilespmem:s24+$0x1C0] =	vst v19;
	v13 =	vld.idx.msk [tilespmem:v13+s9+$0x0], $0xffff  }
0x170: {  	v24 =	vadd.s32 s29, v3;
	[tilespmem:s24+$0xFFFFFC50] =	vst v29;
	v11 =	vld.idx.msk [tilespmem:v11+s9+$0x0], $0xffff  }
0x171: {  	[tilespmem:s24+$0xFFFFFFD0] =	vst v28;
	v20 =	vadd.s32 s1, v4;
	v29 =	vld.idx.msk [tilespmem:v30+s9+$0x0], $0xffff  }
0x172: {  	v19 =	vadd.s32 s5, v3;
	[tilespmem:s24+$0xFFFFFED0] =	vst v22;
	v16 =	vld.idx.msk [tilespmem:v16+s9+$0x0], $0xffff  }
0x173: {  	v22 =	vadd.s32 s16, v3;
	[tilespmem:s24+$0x50] =	vst v14;
	v27 =	vld.idx.msk [tilespmem:v27+s9+$0x0], $0xffff  }
0x174: {  	[tilespmem:s24+$0x350] =	vst v12;
	v12 =	vadd.s32 s4, v2;
	v15 =	vld.idx.msk [tilespmem:v15+s9+$0x0], $0xffff  }
0x175: {  	v26 =	vadd.s32 s7, v3;
	v24 =	vld.idx.msk [tilespmem:v24+s9+$0x0], $0xffff;
	[tilespmem:s24+$0xFFFFFCD0] =	vst v18  }
0x176: {  	v28 =	vadd.s32 s25, v3;
	[tilespmem:s24+$0xD0] =	vst v23;
	v20 =	vld.idx.msk [tilespmem:v20+s9+$0x0], $0xffff  }
0x177: {  	v14 =	vadd.s32 s26, v3;
	[tilespmem:s24+$0xFFFFFDE0] =	vst v21;
	v19 =	vld.idx.msk [tilespmem:v19+s9+$0x0], $0xffff  }
0x178: {  	v18 =	vadd.s32 s0, v3;
	[tilespmem:s24+$0xFFFFFE60] =	vst v17;
	v22 =	vld.idx.msk [tilespmem:v22+s9+$0x0], $0xffff  }
0x179: {  	v23 =	vadd.s32 s28, v3;
	v33 =	vld.idx.msk [tilespmem:v12+s9+$0x0], $0xffff;
	[tilespmem:s24+$0xFFFFFD50] =	vst v13  }
0x17a: {  	v21 =	vadd.s32 s3, v2;
	[tilespmem:s24+$0x1D0] =	vst v11;
	v26 =	vld.idx.msk [tilespmem:v26+s9+$0x0], $0xffff  }
0x17b: {  	[tilespmem:s24+$0x250] =	vst v25;
	v13 =	vadd.s32 s1, v3;
	v28 =	vld.idx.msk [tilespmem:v28+s9+$0x0], $0xffff  }
0x17c: {  	v11 =	vadd.s32 s5, v2;
	v31 =	vld.idx.msk [tilespmem:v14+s9+$0x0], $0xffff  }
0x17d: {  	v14 =	vadd.s32 s15, v2;
	[tilespmem:s24+$0x2D0] =	vst v16;
	v18 =	vld.idx.msk [tilespmem:v18+s9+$0x0], $0xffff  }
0x17e: {  	v25 =	vadd.s32 s7, v2;
	[tilespmem:s24+$0x60] =	vst v15;
	v23 =	vld.idx.msk [tilespmem:v23+s9+$0x0], $0xffff  }
0x17f: {  	v12 =	vld.idx.msk [tilespmem:v21+s9+$0x0], $0xffff;
	[tilespmem:s24+$0xFFFFFF50] =	vst v20;
	v20 =	vadd.s32 s17, v3  }
0x180: {  	v16 =	vadd.s32 s0, v2;
	[tilespmem:s24+$0xFFFFFCE0] =	vst v19;
	v13 =	vld.idx.msk [tilespmem:v13+s9+$0x0], $0xffff  }
0x181: {  	v19 =	vadd.s32 s2, v2;
	[tilespmem:s24+$0xE0] =	vst v22;
	v30 =	vld.idx.msk [tilespmem:v11+s9+$0x0], $0xffff  }
0x182: {  	v21 =	vadd.s32 s28, v2;
	s28 =	simm.s32 $0x13;
	v22 =	vadd.s32 s19, v2;
	[tilespmem:s24+$0xFFFFFD60] =	vst v26;
	v32 =	vld.idx.msk [tilespmem:v14+s9+$0x0], $0xffff  }
0x183: {  	v34 =	vadd.s32 s28, v9;
	v25 =	vld.idx.msk [tilespmem:v25+s9+$0x0], $0xffff  }
0x184: {  	v11 =	vadd.s32 s1, v2;
	[tilespmem:s24+$0xFFFFFEE0] =	vst v18;
	v20 =	vld.idx.msk [tilespmem:v20+s9+$0x0], $0xffff  }
0x185: {  	[tilespmem:s24+$0xFFFFFFE0] =	vst v27;
	v26 =	vadd.s32 s25, v2;
	v17 =	vld.idx.msk [tilespmem:v16+s9+$0x0], $0xffff  }
0x186: {  	[tilespmem:s24+$0xFFFFFC60] =	vst v29;
	v18 =	vadd.s32 s16, v2;
	v14 =	vld.idx.msk [tilespmem:v19+s9+$0x0], $0xffff  }
0x187: {  	[tilespmem:s24+$0x360] =	vst v24;
	v19 =	vadd.s32 s26, v2;
	v22 =	vld.idx.msk [tilespmem:v22+s9+$0x0], $0xffff  }
0x188: {  	v24 =	vld.idx.msk [tilespmem:v34+s9+$0x0], $0xffff;
	[tilespmem:s24+$0xFFFFFF60] =	vst v13  }
0x189: {  	[tilespmem:s24+$0x1E0] =	vst v28;
	v13 =	vadd.s32 s17, v2;
	v16 =	vld.idx.msk [tilespmem:v11+s9+$0x0], $0xffff  }
0x18a: {  	s25 =	simm.s32 $0x11;
	v15 =	vld.idx.msk [tilespmem:v26+s9+$0x0], $0xffff;
	[tilespmem:s24+$0x160] =	vst v20;
	v20 =	vadd.s32 s29, v2  }
0x18b: {  	[tilespmem:s24+$0x260] =	vst v31;
	v28 =	vadd.s32 s25, v9;
	s26 =	simm.s32 $0x12;
	v11 =	vld.idx.msk [tilespmem:v18+s9+$0x0], $0xffff  }
0x18c: {  	s30 =	simm.s32 $0x14;
	[tilespmem:s24+$0x2E0] =	vst v23;
	v31 =	vadd.s32 s26, v9;
	v18 =	vld.idx.msk [tilespmem:v19+s9+$0x0], $0xffff  }
0x18d: {  	s31 =	simm.s32 $0x15;
	v27 =	vadd.s32 s30, v9;
	v19 =	vld.idx.msk [tilespmem:v21+s9+$0x0], $0xffff  }
0x18e: {  	v29 =	vadd.s32 s31, v9;
	[tilespmem:s24+$0xFFFFFE70] =	vst v33;
	s29 =	simm.s32 $0x16;
	v13 =	vld.idx.msk [tilespmem:v13+s9+$0x0], $0xffff  }
0x18f: {  	s0 =	simm.s32 $0x17;
	[tilespmem:s24+$0xFFFFFCF0] =	vst v30;
	v26 =	vadd.s32 s29, v9;
	v21 =	vld.idx.msk [tilespmem:v20+s9+$0x0], $0xffff  }
0x190: {  	s4 =	simm.s32 $0x18;
	[tilespmem:s24+$0xFFFFFDF0] =	vst v32;
	v20 =	vld.idx.msk [tilespmem:v28+s9+$0x0], $0xffff;
	v28 =	vadd.s32 s0, v9  }
0x191: {  	s5 =	simm.s32 $0x1F;
	s2 =	simm.s32 $0x20;
	[tilespmem:s24+$0xFFFFFD70] =	vst v25;
	v25 =	vadd.s32 s4, v9;
	v23 =	vld.idx.msk [tilespmem:v31+s9+$0x0], $0xffff  }
.LBB2_4:
0x192: {  	p1 =	slt.u32 s2, $0x30;
	v27 =	vld.idx.msk [tilespmem:v27+s9+$0x0], $0xffff;
	s3 =	sadd.s32 $0x9, s23;
	v30 =	vadd.s32 s5, v9;
	[tilespmem:s24+$0xFFFFFEF0] =	vst v17  }
0x193: {  	s7 =	sadd.s32 $0xA, s23;
	v17 =	vld.idx.msk [tilespmem:v29+s9+$0x0], $0xffff;
	v29 =	vadd.s32 s3, v9;
	[tilespmem:s24+$0xFFFFFF70] =	vst v16  }
0x194: {  	s15 =	sadd.s32 $0xB, s23;
	v16 =	vld.idx.msk [tilespmem:v26+s9+$0x0], $0xffff;
	v26 =	vadd.s32 s7, v9;
	[tilespmem:s24+$0xFFFFFFF0] =	vst v14  }
0x195: {  	s16 =	sadd.s32 $0xC, s23;
	v14 =	vld.idx.msk [tilespmem:v28+s9+$0x0], $0xffff;
	v28 =	vadd.s32 s15, v9;
	[tilespmem:s24+$0x70] =	vst v12  }
0x196: {  	s17 =	sadd.s32 $0xD, s23;
	v12 =	vld.idx.msk [tilespmem:v25+s9+$0x0], $0xffff;
	v25 =	vadd.s32 s16, v9;
	[tilespmem:s24+$0xF0] =	vst v11  }
0x197: {  	s1 =	sadd.s32 $0xE, s23;
	v11 =	vadd.s32 s17, v9;
	v30 =	vld.idx.msk [tilespmem:v30+s9+$0x0], $0xffff;
	[tilespmem:s24+$0x170] =	vst v13  }
0x198: {  	v13 =	vld.idx.msk [tilespmem:v29+s9+$0x0], $0xffff;
	v29 =	vadd.s32 s1, v9;
	[tilespmem:s24+$0x1F0] =	vst v15  }
0x199: {  	v15 =	vld.idx.msk [tilespmem:v26+s9+$0x0], $0xffff;
	v26 =	vadd.s32 s5, v8;
	[tilespmem:s24+$0x270] =	vst v18  }
0x19a: {  	v18 =	vadd.s32 s25, v8;
	v28 =	vld.idx.msk [tilespmem:v28+s9+$0x0], $0xffff;
	[tilespmem:s24+$0x2F0] =	vst v19  }
0x19b: {  	v19 =	vadd.s32 s26, v8;
	v25 =	vld.idx.msk [tilespmem:v25+s9+$0x0], $0xffff;
	[tilespmem:s24+$0x370] =	vst v21  }
0x19c: {  	v21 =	vadd.s32 s28, v8;
	v11 =	vld.idx.msk [tilespmem:v11+s9+$0x0], $0xffff;
	[tilespmem:s24+$0xFFFFFC70] =	vst v22;
	s24 =	sadd.s32 $0x800, s24  }
0x19d: {  	v22 =	vadd.s32 s30, v8;
	v29 =	vld.idx.msk [tilespmem:v29+s9+$0x0], $0xffff;
	[tilespmem:s24+$0x380] =	vst v30  }
0x19e: {  	[tilespmem:s24+$0xFFFFFC80] =	vst v20;
	v20 =	vadd.s32 s31, v8;
	v26 =	vld.idx.msk [tilespmem:v26+s9+$0x0], $0xffff  }
0x19f: {  	v18 =	vld.idx.msk [tilespmem:v18+s9+$0x0], $0xffff;
	[tilespmem:s24+$0xFFFFFD00] =	vst v23;
	v23 =	vadd.s32 s29, v8  }
0x1a0: {  	v19 =	vld.idx.msk [tilespmem:v19+s9+$0x0], $0xffff;
	[tilespmem:s24+$0xFFFFFD80] =	vst v24;
	v24 =	vadd.s32 s5, v7  }
0x1a1: {  	v21 =	vld.idx.msk [tilespmem:v21+s9+$0x0], $0xffff;
	[tilespmem:s24+$0xFFFFFE00] =	vst v27;
	v27 =	vadd.s32 s0, v8  }
0x1a2: {  	v22 =	vld.idx.msk [tilespmem:v22+s9+$0x0], $0xffff;
	[tilespmem:s24+$0xFFFFFE80] =	vst v17;
	v17 =	vadd.s32 s4, v8  }
0x1a3: {  	v20 =	vld.idx.msk [tilespmem:v20+s9+$0x0], $0xffff;
	[tilespmem:s24+$0xFFFFFF00] =	vst v16;
	v16 =	vadd.s32 s3, v8  }
0x1a4: {  	v30 =	vadd.s32 s7, v8;
	v23 =	vld.idx.msk [tilespmem:v23+s9+$0x0], $0xffff;
	[tilespmem:s24+$0x390] =	vst v26  }
0x1a5: {  	[tilespmem:s24+$0xFFFFFF80] =	vst v14;
	v14 =	vadd.s32 s15, v8;
	v24 =	vld.idx.msk [tilespmem:v24+s9+$0x0], $0xffff  }
0x1a6: {  	v26 =	vld.idx.msk [tilespmem:v27+s9+$0x0], $0xffff;
	[tilespmem:s24+$0x0] =	vst v12;
	v12 =	vadd.s32 s16, v8  }
0x1a7: {  	v17 =	vld.idx.msk [tilespmem:v17+s9+$0x0], $0xffff;
	[tilespmem:s24+$0x80] =	vst v13;
	v13 =	vadd.s32 s5, v6  }
0x1a8: {  	v16 =	vld.idx.msk [tilespmem:v16+s9+$0x0], $0xffff;
	[tilespmem:s24+$0x100] =	vst v15;
	v15 =	vadd.s32 s17, v8  }
0x1a9: {  	v27 =	vld.idx.msk [tilespmem:v30+s9+$0x0], $0xffff;
	[tilespmem:s24+$0x180] =	vst v28;
	v28 =	vadd.s32 s1, v8  }
0x1aa: {  	v30 =	vadd.s32 s23, v8;
	v14 =	vld.idx.msk [tilespmem:v14+s9+$0x0], $0xffff;
	[tilespmem:s24+$0x200] =	vst v25  }
0x1ab: {  	v25 =	vadd.s32 s25, v7;
	v12 =	vld.idx.msk [tilespmem:v12+s9+$0x0], $0xffff;
	[tilespmem:s24+$0x3A0] =	vst v24  }
0x1ac: {  	v24 =	vadd.s32 s26, v7;
	[tilespmem:s24+$0x280] =	vst v11;
	v11 =	vld.idx.msk [tilespmem:v13+s9+$0x0], $0xffff  }
0x1ad: {  	v13 =	vadd.s32 s28, v7;
	v15 =	vld.idx.msk [tilespmem:v15+s9+$0x0], $0xffff;
	[tilespmem:s24+$0x300] =	vst v29  }
0x1ae: {  	[tilespmem:s24+$0xFFFFFC00] =	vst v10;
	v10 =	vld.idx.msk [tilespmem:v28+s9+$0x0], $0xffff;
	v28 =	vadd.s32 s5, v5  }
0x1af: {  	v29 =	vld.idx.msk [tilespmem:v30+s9+$0x0], $0xffff;
	[tilespmem:s24+$0xFFFFFC90] =	vst v18;
	v18 =	vadd.s32 s30, v7  }
0x1b0: {  	v25 =	vld.idx.msk [tilespmem:v25+s9+$0x0], $0xffff;
	[tilespmem:s24+$0xFFFFFD10] =	vst v19;
	v19 =	vadd.s32 s31, v7  }
0x1b1: {  	v24 =	vld.idx.msk [tilespmem:v24+s9+$0x0], $0xffff;
	[tilespmem:s24+$0xFFFFFD90] =	vst v21;
	v21 =	vadd.s32 s29, v7  }
0x1b2: {  	v30 =	vadd.s32 s0, v7;
	v13 =	vld.idx.msk [tilespmem:v13+s9+$0x0], $0xffff;
	[tilespmem:s24+$0x3B0] =	vst v11  }
0x1b3: {  	v11 =	vadd.s32 s4, v7;
	[tilespmem:s24+$0xFFFFFE10] =	vst v22;
	v22 =	vld.idx.msk [tilespmem:v28+s9+$0x0], $0xffff  }
0x1b4: {  	v18 =	vld.idx.msk [tilespmem:v18+s9+$0x0], $0xffff;
	[tilespmem:s24+$0xFFFFFE90] =	vst v20;
	v20 =	vadd.s32 s3, v7  }
0x1b5: {  	v19 =	vld.idx.msk [tilespmem:v19+s9+$0x0], $0xffff;
	[tilespmem:s24+$0xFFFFFF10] =	vst v23;
	v23 =	vadd.s32 s5, v4  }
0x1b6: {  	v21 =	vld.idx.msk [tilespmem:v21+s9+$0x0], $0xffff;
	[tilespmem:s24+$0xFFFFFF90] =	vst v26;
	v26 =	vadd.s32 s7, v7  }
0x1b7: {  	v28 =	vld.idx.msk [tilespmem:v30+s9+$0x0], $0xffff;
	[tilespmem:s24+$0x10] =	vst v17;
	v17 =	vadd.s32 s15, v7  }
0x1b8: {  	v11 =	vld.idx.msk [tilespmem:v11+s9+$0x0], $0xffff;
	[tilespmem:s24+$0x90] =	vst v16;
	v16 =	vadd.s32 s16, v7  }
0x1b9: {  	v30 =	vadd.s32 s17, v7;
	v20 =	vld.idx.msk [tilespmem:v20+s9+$0x0], $0xffff;
	[tilespmem:s24+$0x3C0] =	vst v22  }
0x1ba: {  	v22 =	vadd.s32 s1, v7;
	[tilespmem:s24+$0x110] =	vst v27;
	v23 =	vld.idx.msk [tilespmem:v23+s9+$0x0], $0xffff  }
0x1bb: {  	v27 =	vadd.s32 s23, v7;
	v26 =	vld.idx.msk [tilespmem:v26+s9+$0x0], $0xffff;
	[tilespmem:s24+$0x190] =	vst v14  }
0x1bc: {  	v14 =	vld.idx.msk [tilespmem:v17+s9+$0x0], $0xffff;
	[tilespmem:s24+$0x210] =	vst v12;
	v12 =	vadd.s32 s5, v3  }
0x1bd: {  	v17 =	vadd.s32 s25, v6;
	v16 =	vld.idx.msk [tilespmem:v16+s9+$0x0], $0xffff;
	[tilespmem:s24+$0x290] =	vst v15  }
0x1be: {  	v15 =	vadd.s32 s26, v6;
	v30 =	vld.idx.msk [tilespmem:v30+s9+$0x0], $0xffff;
	[tilespmem:s24+$0x310] =	vst v10  }
0x1bf: {  	v10 =	vadd.s32 s28, v6;
	[tilespmem:s24+$0xFFFFFC10] =	vst v29;
	v22 =	vld.idx.msk [tilespmem:v22+s9+$0x0], $0xffff  }
0x1c0: {  	v29 =	vadd.s32 s30, v6;
	v27 =	vld.idx.msk [tilespmem:v27+s9+$0x0], $0xffff;
	[tilespmem:s24+$0x3D0] =	vst v23  }
0x1c1: {  	v23 =	vadd.s32 s31, v6;
	[tilespmem:s24+$0xFFFFFCA0] =	vst v25;
	v12 =	vld.idx.msk [tilespmem:v12+s9+$0x0], $0xffff  }
0x1c2: {  	v17 =	vld.idx.msk [tilespmem:v17+s9+$0x0], $0xffff;
	[tilespmem:s24+$0xFFFFFD20] =	vst v24;
	v24 =	vadd.s32 s29, v6  }
0x1c3: {  	v15 =	vld.idx.msk [tilespmem:v15+s9+$0x0], $0xffff;
	[tilespmem:s24+$0xFFFFFDA0] =	vst v13;
	v13 =	vadd.s32 s5, v2  }
0x1c4: {  	v25 =	vld.idx.msk [tilespmem:v10+s9+$0x0], $0xffff;
	[tilespmem:s24+$0xFFFFFE20] =	vst v18;
	v10 =	vadd.s32 s0, v6  }
0x1c5: {  	v18 =	vld.idx.msk [tilespmem:v29+s9+$0x0], $0xffff;
	[tilespmem:s24+$0xFFFFFEA0] =	vst v19;
	v19 =	vadd.s32 s4, v6  }
0x1c6: {  	v23 =	vld.idx.msk [tilespmem:v23+s9+$0x0], $0xffff;
	[tilespmem:s24+$0xFFFFFF20] =	vst v21;
	v21 =	vadd.s32 s3, v6  }
0x1c7: {  	v29 =	vadd.s32 s7, v6;
	v24 =	vld.idx.msk [tilespmem:v24+s9+$0x0], $0xffff;
	[tilespmem:s24+$0x3E0] =	vst v12  }
0x1c8: {  	v12 =	vadd.s32 s15, v6;
	[tilespmem:s24+$0xFFFFFFA0] =	vst v28;
	v13 =	vld.idx.msk [tilespmem:v13+s9+$0x0], $0xffff  }
0x1c9: {  	v28 =	vld.idx.msk [tilespmem:v10+s9+$0x0], $0xffff;
	[tilespmem:s24+$0x20] =	vst v11;
	v10 =	vadd.s32 s16, v6  }
0x1ca: {  	v11 =	vadd.s32 s2, v9;
	v19 =	vld.idx.msk [tilespmem:v19+s9+$0x0], $0xffff;
	[tilespmem:s24+$0xA0] =	vst v20  }
0x1cb: {  	v20 =	vld.idx.msk [tilespmem:v21+s9+$0x0], $0xffff;
	[tilespmem:s24+$0x120] =	vst v26;
	v21 =	vadd.s32 s17, v6  }
0x1cc: {  	v26 =	vld.idx.msk [tilespmem:v29+s9+$0x0], $0xffff;
	[tilespmem:s24+$0x1A0] =	vst v14;
	v14 =	vadd.s32 s1, v6  }
0x1cd: {  	v29 =	vadd.s32 s23, v6;
	v12 =	vld.idx.msk [tilespmem:v12+s9+$0x0], $0xffff;
	[tilespmem:s24+$0x220] =	vst v16  }
0x1ce: {  	v16 =	vadd.s32 s25, v5;
	v31 =	vld.idx.msk [tilespmem:v10+s9+$0x0], $0xffff;
	[tilespmem:s24+$0x3F0] =	vst v13  }
0x1cf: {  	v10 =	vld.idx.msk [tilespmem:v11+s9+$0x0], $0xffff;
	v11 =	vadd.s32 s26, v5;
	[tilespmem:s24+$0x2A0] =	vst v30  }
0x1d0: {  	v13 =	vadd.s32 s28, v5;
	v21 =	vld.idx.msk [tilespmem:v21+s9+$0x0], $0xffff;
	[tilespmem:s24+$0x320] =	vst v22  }
0x1d1: {  	v22 =	vadd.s32 s30, v5;
	[tilespmem:s24+$0xFFFFFC20] =	vst v27;
	v14 =	vld.idx.msk [tilespmem:v14+s9+$0x0], $0xffff  }
0x1d2: {  	v27 =	vld.idx.msk [tilespmem:v29+s9+$0x0], $0xffff;
	[tilespmem:s24+$0xFFFFFCB0] =	vst v17;
	v17 =	vadd.s32 s31, v5  }
0x1d3: {  	v16 =	vld.idx.msk [tilespmem:v16+s9+$0x0], $0xffff;
	[tilespmem:s24+$0xFFFFFD30] =	vst v15;
	v15 =	vadd.s32 s29, v5  }
0x1d4: {  	v11 =	vld.idx.msk [tilespmem:v11+s9+$0x0], $0xffff;
	[tilespmem:s24+$0xFFFFFDB0] =	vst v25;
	v25 =	vadd.s32 s0, v5  }
0x1d5: {  	v13 =	vld.idx.msk [tilespmem:v13+s9+$0x0], $0xffff;
	[tilespmem:s24+$0xFFFFFE30] =	vst v18;
	v18 =	vadd.s32 s4, v5  }
0x1d6: {  	v22 =	vld.idx.msk [tilespmem:v22+s9+$0x0], $0xffff;
	[tilespmem:s24+$0xFFFFFEB0] =	vst v23;
	v23 =	vadd.s32 s3, v5  }
0x1d7: {  	v17 =	vld.idx.msk [tilespmem:v17+s9+$0x0], $0xffff;
	[tilespmem:s24+$0xFFFFFF30] =	vst v24;
	v24 =	vadd.s32 s7, v5  }
0x1d8: {  	v15 =	vld.idx.msk [tilespmem:v15+s9+$0x0], $0xffff;
	[tilespmem:s24+$0xFFFFFFB0] =	vst v28;
	v28 =	vadd.s32 s15, v5  }
0x1d9: {  	v25 =	vld.idx.msk [tilespmem:v25+s9+$0x0], $0xffff;
	[tilespmem:s24+$0x30] =	vst v19;
	v19 =	vadd.s32 s16, v5  }
0x1da: {  	v18 =	vld.idx.msk [tilespmem:v18+s9+$0x0], $0xffff;
	[tilespmem:s24+$0xB0] =	vst v20;
	v20 =	vadd.s32 s17, v5  }
0x1db: {  	v23 =	vld.idx.msk [tilespmem:v23+s9+$0x0], $0xffff;
	[tilespmem:s24+$0x130] =	vst v26;
	v26 =	vadd.s32 s1, v5  }
0x1dc: {  	v29 =	vadd.s32 s23, v5;
	v24 =	vld.idx.msk [tilespmem:v24+s9+$0x0], $0xffff;
	[tilespmem:s24+$0x1B0] =	vst v12  }
0x1dd: {  	v12 =	vadd.s32 s25, v4;
	v28 =	vld.idx.msk [tilespmem:v28+s9+$0x0], $0xffff;
	[tilespmem:s24+$0x230] =	vst v31  }
0x1de: {  	v30 =	vadd.s32 s26, v4;
	v19 =	vld.idx.msk [tilespmem:v19+s9+$0x0], $0xffff;
	[tilespmem:s24+$0x2B0] =	vst v21  }
0x1df: {  	v21 =	vadd.s32 s28, v4;
	v20 =	vld.idx.msk [tilespmem:v20+s9+$0x0], $0xffff;
	[tilespmem:s24+$0x330] =	vst v14  }
0x1e0: {  	v14 =	vadd.s32 s30, v4;
	[tilespmem:s24+$0xFFFFFC30] =	vst v27;
	v26 =	vld.idx.msk [tilespmem:v26+s9+$0x0], $0xffff  }
0x1e1: {  	v27 =	vld.idx.msk [tilespmem:v29+s9+$0x0], $0xffff;
	[tilespmem:s24+$0xFFFFFCC0] =	vst v16;
	v16 =	vadd.s32 s31, v4  }
0x1e2: {  	v12 =	vld.idx.msk [tilespmem:v12+s9+$0x0], $0xffff;
	[tilespmem:s24+$0xFFFFFD40] =	vst v11;
	v11 =	vadd.s32 s29, v4  }
0x1e3: {  	v29 =	vld.idx.msk [tilespmem:v30+s9+$0x0], $0xffff;
	[tilespmem:s24+$0xFFFFFDC0] =	vst v13;
	v13 =	vadd.s32 s0, v4  }
0x1e4: {  	v21 =	vld.idx.msk [tilespmem:v21+s9+$0x0], $0xffff;
	[tilespmem:s24+$0xFFFFFE40] =	vst v22;
	v22 =	vadd.s32 s4, v4  }
0x1e5: {  	v14 =	vld.idx.msk [tilespmem:v14+s9+$0x0], $0xffff;
	[tilespmem:s24+$0xFFFFFEC0] =	vst v17;
	v17 =	vadd.s32 s3, v4  }
0x1e6: {  	v16 =	vld.idx.msk [tilespmem:v16+s9+$0x0], $0xffff;
	[tilespmem:s24+$0xFFFFFF40] =	vst v15;
	v15 =	vadd.s32 s7, v4  }
0x1e7: {  	v11 =	vld.idx.msk [tilespmem:v11+s9+$0x0], $0xffff;
	[tilespmem:s24+$0xFFFFFFC0] =	vst v25;
	v25 =	vadd.s32 s15, v4  }
0x1e8: {  	v13 =	vld.idx.msk [tilespmem:v13+s9+$0x0], $0xffff;
	[tilespmem:s24+$0x40] =	vst v18;
	v18 =	vadd.s32 s16, v4  }
0x1e9: {  	v22 =	vld.idx.msk [tilespmem:v22+s9+$0x0], $0xffff;
	[tilespmem:s24+$0xC0] =	vst v23;
	v23 =	vadd.s32 s17, v4  }
0x1ea: {  	v17 =	vld.idx.msk [tilespmem:v17+s9+$0x0], $0xffff;
	[tilespmem:s24+$0x140] =	vst v24;
	v24 =	vadd.s32 s1, v4  }
0x1eb: {  	v30 =	vadd.s32 s23, v4;
	v15 =	vld.idx.msk [tilespmem:v15+s9+$0x0], $0xffff;
	[tilespmem:s24+$0x1C0] =	vst v28  }
0x1ec: {  	v28 =	vadd.s32 s25, v3;
	v25 =	vld.idx.msk [tilespmem:v25+s9+$0x0], $0xffff;
	[tilespmem:s24+$0x240] =	vst v19  }
0x1ed: {  	v19 =	vadd.s32 s26, v3;
	v18 =	vld.idx.msk [tilespmem:v18+s9+$0x0], $0xffff;
	[tilespmem:s24+$0x2C0] =	vst v20  }
0x1ee: {  	v20 =	vadd.s32 s28, v3;
	v23 =	vld.idx.msk [tilespmem:v23+s9+$0x0], $0xffff;
	[tilespmem:s24+$0x340] =	vst v26  }
0x1ef: {  	v26 =	vadd.s32 s30, v3;
	[tilespmem:s24+$0xFFFFFC40] =	vst v27;
	v24 =	vld.idx.msk [tilespmem:v24+s9+$0x0], $0xffff  }
0x1f0: {  	v27 =	vld.idx.msk [tilespmem:v30+s9+$0x0], $0xffff;
	[tilespmem:s24+$0xFFFFFCD0] =	vst v12;
	v12 =	vadd.s32 s31, v3  }
0x1f1: {  	v28 =	vld.idx.msk [tilespmem:v28+s9+$0x0], $0xffff;
	[tilespmem:s24+$0xFFFFFD50] =	vst v29;
	v29 =	vadd.s32 s29, v3  }
0x1f2: {  	v19 =	vld.idx.msk [tilespmem:v19+s9+$0x0], $0xffff;
	[tilespmem:s24+$0xFFFFFDD0] =	vst v21;
	v21 =	vadd.s32 s0, v3  }
0x1f3: {  	v20 =	vld.idx.msk [tilespmem:v20+s9+$0x0], $0xffff;
	[tilespmem:s24+$0xFFFFFE50] =	vst v14;
	v14 =	vadd.s32 s4, v3  }
0x1f4: {  	v26 =	vld.idx.msk [tilespmem:v26+s9+$0x0], $0xffff;
	[tilespmem:s24+$0xFFFFFED0] =	vst v16;
	v16 =	vadd.s32 s3, v3  }
0x1f5: {  	v12 =	vld.idx.msk [tilespmem:v12+s9+$0x0], $0xffff;
	[tilespmem:s24+$0xFFFFFF50] =	vst v11;
	v11 =	vadd.s32 s7, v3  }
0x1f6: {  	v29 =	vld.idx.msk [tilespmem:v29+s9+$0x0], $0xffff;
	[tilespmem:s24+$0xFFFFFFD0] =	vst v13;
	v13 =	vadd.s32 s15, v3  }
0x1f7: {  	v21 =	vld.idx.msk [tilespmem:v21+s9+$0x0], $0xffff;
	[tilespmem:s24+$0x50] =	vst v22;
	v22 =	vadd.s32 s16, v3  }
0x1f8: {  	v30 =	vld.idx.msk [tilespmem:v14+s9+$0x0], $0xffff;
	[tilespmem:s24+$0xD0] =	vst v17;
	v14 =	vadd.s32 s17, v3  }
0x1f9: {  	v31 =	vld.idx.msk [tilespmem:v16+s9+$0x0], $0xffff;
	[tilespmem:s24+$0x150] =	vst v15;
	v15 =	vadd.s32 s1, v3  }
0x1fa: {  	v16 =	vadd.s32 s23, v3;
	v32 =	vld.idx.msk [tilespmem:v11+s9+$0x0], $0xffff;
	[tilespmem:s24+$0x1D0] =	vst v25  }
0x1fb: {  	v11 =	vadd.s32 s25, v2;
	v25 =	vld.idx.msk [tilespmem:v13+s9+$0x0], $0xffff;
	[tilespmem:s24+$0x250] =	vst v18  }
0x1fc: {  	v13 =	vadd.s32 s26, v2;
	v18 =	vld.idx.msk [tilespmem:v22+s9+$0x0], $0xffff;
	[tilespmem:s24+$0x2D0] =	vst v23  }
0x1fd: {  	v17 =	vadd.s32 s28, v2;
	v22 =	vld.idx.msk [tilespmem:v14+s9+$0x0], $0xffff;
	[tilespmem:s24+$0x350] =	vst v24  }
0x1fe: {  	v14 =	vadd.s32 s30, v2;
	[tilespmem:s24+$0xFFFFFC50] =	vst v27;
	v23 =	vld.idx.msk [tilespmem:v15+s9+$0x0], $0xffff  }
0x1ff: {  	v15 =	vadd.s32 s31, v2;
	v24 =	vld.idx.msk [tilespmem:v16+s9+$0x0], $0xffff;
	[tilespmem:s24+$0xFFFFFCE0] =	vst v28  }
0x200: {  	v28 =	vld.idx.msk [tilespmem:v11+s9+$0x0], $0xffff;
	[tilespmem:s24+$0xFFFFFD60] =	vst v19;
	v11 =	vadd.s32 s29, v2  }
0x201: {  	v33 =	vld.idx.msk [tilespmem:v13+s9+$0x0], $0xffff;
	[tilespmem:s24+$0xFFFFFDE0] =	vst v20;
	v13 =	vadd.s32 s0, v2  }
0x202: {  	v19 =	vadd.s32 s4, v2;
	v34 =	vld.idx.msk [tilespmem:v17+s9+$0x0], $0xffff;
	[tilespmem:s24+$0xFFFFFE60] =	vst v26  }
0x203: {  	v20 =	vadd.s32 s3, v2;
	v35 =	vld.idx.msk [tilespmem:v14+s9+$0x0], $0xffff;
	[tilespmem:s24+$0xFFFFFEE0] =	vst v12  }
0x204: {  	v17 =	vld.idx.msk [tilespmem:v15+s9+$0x0], $0xffff;
	[tilespmem:s24+$0xFFFFFF60] =	vst v29;
	v15 =	vadd.s32 s7, v2  }
0x205: {  	v16 =	vld.idx.msk [tilespmem:v11+s9+$0x0], $0xffff;
	[tilespmem:s24+$0xFFFFFFE0] =	vst v21;
	v21 =	vadd.s32 s15, v2  }
0x206: {  	v26 =	vadd.s32 s16, v2;
	v14 =	vld.idx.msk [tilespmem:v13+s9+$0x0], $0xffff;
	[tilespmem:s24+$0x60] =	vst v30  }
0x207: {  	v12 =	vld.idx.msk [tilespmem:v19+s9+$0x0], $0xffff;
	[tilespmem:s24+$0xE0] =	vst v31;
	v19 =	vadd.s32 s17, v2  }
0x208: {  	v11 =	vld.idx.msk [tilespmem:v20+s9+$0x0], $0xffff;
	[tilespmem:s24+$0x160] =	vst v32;
	v20 =	vadd.s32 s1, v2  }
0x209: {  	s25 =	sadd.s32 $0x1, s2;
	v30 =	vadd.s32 s23, v2;
	s23 =	smov.u32 s2;
	v13 =	vld.idx.msk [tilespmem:v15+s9+$0x0], $0xffff;
	[tilespmem:s24+$0x1E0] =	vst v25  }
0x20a: {  	s26 =	sadd.s32 $0x2, s2;
	v25 =	vadd.s32 s25, v9;
	v15 =	vld.idx.msk [tilespmem:v21+s9+$0x0], $0xffff;
	[tilespmem:s24+$0x260] =	vst v18  }
0x20b: {  	s28 =	sadd.s32 $0x3, s2;
	v31 =	vadd.s32 s26, v9;
	v18 =	vld.idx.msk [tilespmem:v26+s9+$0x0], $0xffff;
	[tilespmem:s24+$0x2E0] =	vst v22  }
0x20c: {  	s30 =	sadd.s32 $0x4, s2;
	v32 =	vadd.s32 s28, v9;
	v19 =	vld.idx.msk [tilespmem:v19+s9+$0x0], $0xffff;
	[tilespmem:s24+$0x360] =	vst v23  }
.Ltmp0:
0x20d: {  	v27 =	vadd.s32 s30, v9;
	s31 =	sadd.s32 $0x5, s2;
	[tilespmem:s24+$0xFFFFFC60] =	vst v24;
	v21 =	vld.idx.msk [tilespmem:v20+s9+$0x0], $0xffff;
	(pc) =	sbr.rel @p1 .LBB2_4-.Ltmp0, $4  }
0x20e: {  	s29 =	sadd.s32 $0x6, s2;
	v29 =	vadd.s32 s31, v9;
	v22 =	vld.idx.msk [tilespmem:v30+s9+$0x0], $0xffff;
	[tilespmem:s24+$0xFFFFFCF0] =	vst v28  }
0x20f: {  	s0 =	sadd.s32 $0x7, s2;
	v26 =	vadd.s32 s29, v9;
	v20 =	vld.idx.msk [tilespmem:v25+s9+$0x0], $0xffff;
	[tilespmem:s24+$0xFFFFFD70] =	vst v33  }
0x210: {  	s4 =	sadd.s32 $0x8, s2;
	v28 =	vadd.s32 s0, v9;
	v23 =	vld.idx.msk [tilespmem:v31+s9+$0x0], $0xffff;
	[tilespmem:s24+$0xFFFFFDF0] =	vst v34  }
0x211: {  	s2 =	sadd.s32 $0x10, s2;
	s5 =	sadd.s32 $0xF, s23;
	v25 =	vadd.s32 s4, v9;
	v24 =	vld.idx.msk [tilespmem:v32+s9+$0x0], $0xffff;
	[tilespmem:s24+$0xFFFFFE70] =	vst v35  }
0x212: {  	_ =	sdelay $0x3  }
0x213: {  	v27 =	vld.idx.msk [tilespmem:v27+s9+$0x0], $0xffff;
	s1 =	sadd.s32 $0x9, s23;
	v30 =	vadd.s32 s5, v9;
	[tilespmem:s24+$0xFFFFFEF0] =	vst v17  }
0x214: {  	v17 =	vld.idx.msk [tilespmem:v29+s9+$0x0], $0xffff;
	s3 =	sadd.s32 $0xA, s23;
	[tilespmem:s24+$0xFFFFFF70] =	vst v16;
	v29 =	vadd.s32 s1, v9  }
0x215: {  	v16 =	vld.idx.msk [tilespmem:v26+s9+$0x0], $0xffff;
	s7 =	sadd.s32 $0xB, s23;
	[tilespmem:s24+$0xFFFFFFF0] =	vst v14;
	v26 =	vadd.s32 s3, v9  }
0x216: {  	v14 =	vld.idx.msk [tilespmem:v28+s9+$0x0], $0xffff;
	s15 =	sadd.s32 $0xC, s23;
	[tilespmem:s24+$0x70] =	vst v12;
	v28 =	vadd.s32 s7, v9  }
0x217: {  	v12 =	vld.idx.msk [tilespmem:v25+s9+$0x0], $0xffff;
	s16 =	sadd.s32 $0xD, s23;
	[tilespmem:s24+$0xF0] =	vst v11;
	v25 =	vadd.s32 s15, v9  }
0x218: {  	s17 =	sadd.s32 $0xE, s23;
	[tilespmem:s24+$0x170] =	vst v13;
	v11 =	vadd.s32 s16, v9;
	v30 =	vld.idx.msk [tilespmem:v30+s9+$0x0], $0xffff  }
0x219: {  	[tilespmem:s24+$0x1F0] =	vst v15;
	v9 =	vadd.s32 s17, v9;
	v13 =	vld.idx.msk [tilespmem:v29+s9+$0x0], $0xffff  }
0x21a: {  	[tilespmem:s24+$0x270] =	vst v18;
	v15 =	vld.idx.msk [tilespmem:v26+s9+$0x0], $0xffff  }
0x21b: {  	[tilespmem:s24+$0x2F0] =	vst v19;
	v18 =	vld.idx.msk [tilespmem:v28+s9+$0x0], $0xffff  }
0x21c: {  	[tilespmem:s24+$0x370] =	vst v21;
	v19 =	vld.idx.msk [tilespmem:v25+s9+$0x0], $0xffff  }
0x21d: {  	s2 =	sadd.s32 $0x800, s24;
	[tilespmem:s24+$0xFFFFFC70] =	vst v22;
	v11 =	vld.idx.msk [tilespmem:v11+s9+$0x0], $0xffff  }
0x21e: {  	v9 =	vld.idx.msk [tilespmem:v9+s9+$0x0], $0xffff;
	[tilespmem:s2+$0x380] =	vst v30  }
0x21f: {  	[tilespmem:s2+$0xFFFFFC80] =	vst v20  }
0x220: {  	v26 =	vadd.s32 s5, v8;
	[tilespmem:s2+$0xFFFFFD00] =	vst v23  }
0x221: {  	[tilespmem:s2+$0xFFFFFD80] =	vst v24  }
0x222: {  	[tilespmem:s2+$0xFFFFFE00] =	vst v27  }
0x223: {  	[tilespmem:s2+$0xFFFFFE80] =	vst v17  }
0x224: {  	[tilespmem:s2+$0xFFFFFF00] =	vst v16  }
0x225: {  	v16 =	vadd.s32 s25, v8;
	[tilespmem:s2+$0xFFFFFF80] =	vst v14;
	v20 =	vld.idx.msk [tilespmem:v26+s9+$0x0], $0xffff  }
0x226: {  	v21 =	vadd.s32 s5, v7;
	[tilespmem:s2+$0x0] =	vst v12  }
0x227: {  	[tilespmem:s2+$0x100] =	vst v15;
	v15 =	vadd.s32 s30, v8  }
0x228: {  	v14 =	vadd.s32 s26, v8;
	[tilespmem:s2+$0x180] =	vst v18  }
0x229: {  	v18 =	vadd.s32 s31, v8;
	[tilespmem:s2+$0x200] =	vst v19  }
0x22a: {  	v19 =	vadd.s32 s29, v8;
	v16 =	vld.idx.msk [tilespmem:v16+s9+$0x0], $0xffff;
	[tilespmem:s2+$0x390] =	vst v20  }
0x22b: {  	v12 =	vadd.s32 s28, v8;
	[tilespmem:s2+$0x280] =	vst v11;
	v17 =	vld.idx.msk [tilespmem:v21+s9+$0x0], $0xffff  }
0x22c: {  	v11 =	vadd.s32 s4, v8;
	[tilespmem:s2+$0x300] =	vst v9;
	v9 =	vld.idx.msk [tilespmem:v15+s9+$0x0], $0xffff  }
0x22d: {  	[tilespmem:s2+$0x80] =	vst v13;
	v13 =	vadd.s32 s5, v6;
	v14 =	vld.idx.msk [tilespmem:v14+s9+$0x0], $0xffff  }
0x22e: {  	[tilespmem:s2+$0xFFFFFC00] =	vst v10;
	v10 =	vld.idx.msk [tilespmem:v18+s9+$0x0], $0xffff  }
0x22f: {  	[tilespmem:s2+$0xFFFFFC90] =	vst v16;
	v16 =	vld.idx.msk [tilespmem:v19+s9+$0x0], $0xffff;
	v19 =	vadd.s32 s3, v8  }
0x230: {  	v12 =	vld.idx.msk [tilespmem:v12+s9+$0x0], $0xffff;
	[tilespmem:s2+$0x3A0] =	vst v17;
	v17 =	vadd.s32 s0, v8  }
0x231: {  	v11 =	vld.idx.msk [tilespmem:v11+s9+$0x0], $0xffff;
	[tilespmem:s2+$0xFFFFFE10] =	vst v9;
	v9 =	vadd.s32 s17, v8  }
0x232: {  	v15 =	vadd.s32 s1, v8;
	v13 =	vld.idx.msk [tilespmem:v13+s9+$0x0], $0xffff  }
0x233: {  	v18 =	vadd.s32 s5, v5;
	[tilespmem:s2+$0xFFFFFD10] =	vst v14  }
0x234: {  	v14 =	vadd.s32 s7, v8;
	[tilespmem:s2+$0xFFFFFE90] =	vst v10;
	v10 =	vld.idx.msk [tilespmem:v19+s9+$0x0], $0xffff  }
0x235: {  	[tilespmem:s2+$0xFFFFFD90] =	vst v12;
	v12 =	vadd.s32 s15, v8;
	v17 =	vld.idx.msk [tilespmem:v17+s9+$0x0], $0xffff  }
0x236: {  	[tilespmem:s2+$0x10] =	vst v11;
	v11 =	vadd.s32 s26, v7;
	v9 =	vld.idx.msk [tilespmem:v9+s9+$0x0], $0xffff  }
0x237: {  	[tilespmem:s2+$0x3B0] =	vst v13;
	v13 =	vld.idx.msk [tilespmem:v15+s9+$0x0], $0xffff;
	v15 =	vadd.s32 s16, v8  }
0x238: {  	[tilespmem:s2+$0xFFFFFF10] =	vst v16;
	v8 =	vadd.s32 s23, v8;
	v18 =	vld.idx.msk [tilespmem:v18+s9+$0x0], $0xffff  }
0x239: {  	v14 =	vld.idx.msk [tilespmem:v14+s9+$0x0], $0xffff;
	v16 =	vadd.s32 s5, v4;
	[tilespmem:s2+$0x110] =	vst v10  }
0x23a: {  	v12 =	vld.idx.msk [tilespmem:v12+s9+$0x0], $0xffff;
	[tilespmem:s2+$0xFFFFFF90] =	vst v17;
	v17 =	vadd.s32 s25, v7  }
0x23b: {  	v11 =	vld.idx.msk [tilespmem:v11+s9+$0x0], $0xffff;
	v10 =	vadd.s32 s31, v7;
	[tilespmem:s2+$0x310] =	vst v9  }
0x23c: {  	v9 =	vadd.s32 s4, v7;
	v15 =	vld.idx.msk [tilespmem:v15+s9+$0x0], $0xffff;
	[tilespmem:s2+$0x90] =	vst v13  }
0x23d: {  	v13 =	vadd.s32 s28, v7;
	v8 =	vld.idx.msk [tilespmem:v8+s9+$0x0], $0xffff;
	[tilespmem:s2+$0x3C0] =	vst v18  }
0x23e: {  	v18 =	vadd.s32 s30, v7;
	v16 =	vld.idx.msk [tilespmem:v16+s9+$0x0], $0xffff  }
0x23f: {  	[tilespmem:s2+$0x190] =	vst v14;
	v14 =	vld.idx.msk [tilespmem:v17+s9+$0x0], $0xffff;
	v17 =	vadd.s32 s29, v7  }
0x240: {  	[tilespmem:s2+$0x210] =	vst v12;
	v12 =	vadd.s32 s5, v3;
	v10 =	vld.idx.msk [tilespmem:v10+s9+$0x0], $0xffff  }
0x241: {  	v9 =	vld.idx.msk [tilespmem:v9+s9+$0x0], $0xffff;
	[tilespmem:s2+$0x290] =	vst v15;
	v15 =	vadd.s32 s0, v7  }
0x242: {  	[tilespmem:s2+$0xFFFFFD20] =	vst v11;
	v13 =	vld.idx.msk [tilespmem:v13+s9+$0x0], $0xffff  }
0x243: {  	[tilespmem:s2+$0xFFFFFC10] =	vst v8;
	v8 =	vadd.s32 s1, v7;
	v18 =	vld.idx.msk [tilespmem:v18+s9+$0x0], $0xffff  }
0x244: {  	[tilespmem:s2+$0x3D0] =	vst v16;
	v16 =	vld.idx.msk [tilespmem:v17+s9+$0x0], $0xffff;
	v17 =	vadd.s32 s3, v7  }
0x245: {  	v12 =	vld.idx.msk [tilespmem:v12+s9+$0x0], $0xffff;
	[tilespmem:s2+$0xFFFFFCA0] =	vst v14;
	v14 =	vadd.s32 s7, v7  }
0x246: {  	[tilespmem:s2+$0xFFFFFEA0] =	vst v10;
	v11 =	vld.idx.msk [tilespmem:v15+s9+$0x0], $0xffff;
	v15 =	vadd.s32 s15, v7  }
0x247: {  	[tilespmem:s2+$0xFFFFFDA0] =	vst v13;
	v13 =	vadd.s32 s5, v2  }
0x248: {  	v10 =	vadd.s32 s17, v7;
	[tilespmem:s2+$0x20] =	vst v9;
	v8 =	vld.idx.msk [tilespmem:v8+s9+$0x0], $0xffff  }
0x249: {  	[tilespmem:s2+$0xFFFFFE20] =	vst v18;
	v18 =	vadd.s32 s16, v7;
	v17 =	vld.idx.msk [tilespmem:v17+s9+$0x0], $0xffff  }
0x24a: {  	v7 =	vadd.s32 s23, v7;
	[tilespmem:s2+$0x3E0] =	vst v12;
	v14 =	vld.idx.msk [tilespmem:v14+s9+$0x0], $0xffff  }
0x24b: {  	v12 =	vadd.s32 s25, v6;
	[tilespmem:s2+$0xFFFFFF20] =	vst v16;
	v15 =	vld.idx.msk [tilespmem:v15+s9+$0x0], $0xffff  }
0x24c: {  	[tilespmem:s2+$0xFFFFFFA0] =	vst v11;
	v11 =	vadd.s32 s26, v6;
	v13 =	vld.idx.msk [tilespmem:v13+s9+$0x0], $0xffff  }
0x24d: {  	v16 =	vadd.s32 s28, v6;
	[tilespmem:s2+$0xA0] =	vst v8;
	v8 =	vld.idx.msk [tilespmem:v10+s9+$0x0], $0xffff  }
0x24e: {  	v10 =	vadd.s32 s30, v6;
	v9 =	vld.idx.msk [tilespmem:v18+s9+$0x0], $0xffff;
	[tilespmem:s2+$0x120] =	vst v17  }
0x24f: {  	v7 =	vld.idx.msk [tilespmem:v7+s9+$0x0], $0xffff;
	v17 =	vadd.s32 s31, v6;
	[tilespmem:s2+$0x1A0] =	vst v14  }
0x250: {  	v12 =	vld.idx.msk [tilespmem:v12+s9+$0x0], $0xffff;
	v14 =	vadd.s32 s29, v6;
	[tilespmem:s2+$0x220] =	vst v15  }
0x251: {  	v11 =	vld.idx.msk [tilespmem:v11+s9+$0x0], $0xffff;
	v15 =	vadd.s32 s0, v6;
	[tilespmem:s2+$0x3F0] =	vst v13  }
0x252: {  	v13 =	vld.idx.msk [tilespmem:v16+s9+$0x0], $0xffff;
	v16 =	vadd.s32 s4, v6;
	[tilespmem:s2+$0x320] =	vst v8  }
0x253: {  	[tilespmem:s2+$0x2A0] =	vst v9;
	v9 =	vld.idx.msk [tilespmem:v10+s9+$0x0], $0xffff;
	v10 =	vadd.s32 s1, v6  }
0x254: {  	[tilespmem:s2+$0xFFFFFC20] =	vst v7;
	v8 =	vld.idx.msk [tilespmem:v17+s9+$0x0], $0xffff;
	v17 =	vadd.s32 s3, v6  }
0x255: {  	[tilespmem:s2+$0xFFFFFCB0] =	vst v12;
	v7 =	vld.idx.msk [tilespmem:v14+s9+$0x0], $0xffff;
	v14 =	vadd.s32 s7, v6  }
0x256: {  	v12 =	vld.idx.msk [tilespmem:v15+s9+$0x0], $0xffff;
	v15 =	vadd.s32 s15, v6;
	[tilespmem:s2+$0xFFFFFD30] =	vst v11  }
0x257: {  	v11 =	vld.idx.msk [tilespmem:v16+s9+$0x0], $0xffff;
	v16 =	vadd.s32 s16, v6;
	[tilespmem:s2+$0xFFFFFDB0] =	vst v13  }
0x258: {  	v13 =	vadd.s32 s17, v6;
	v10 =	vld.idx.msk [tilespmem:v10+s9+$0x0], $0xffff;
	[tilespmem:s2+$0xFFFFFE30] =	vst v9  }
0x259: {  	v6 =	vadd.s32 s23, v6;
	v9 =	vld.idx.msk [tilespmem:v17+s9+$0x0], $0xffff;
	[tilespmem:s2+$0xFFFFFEB0] =	vst v8  }
0x25a: {  	v8 =	vld.idx.msk [tilespmem:v14+s9+$0x0], $0xffff;
	v14 =	vadd.s32 s25, v5;
	[tilespmem:s2+$0xFFFFFF30] =	vst v7  }
0x25b: {  	v7 =	vld.idx.msk [tilespmem:v15+s9+$0x0], $0xffff;
	v15 =	vadd.s32 s26, v5;
	[tilespmem:s2+$0xFFFFFFB0] =	vst v12  }
0x25c: {  	v12 =	vadd.s32 s28, v5;
	v16 =	vld.idx.msk [tilespmem:v16+s9+$0x0], $0xffff;
	[tilespmem:s2+$0x30] =	vst v11  }
0x25d: {  	v11 =	vadd.s32 s30, v5;
	v13 =	vld.idx.msk [tilespmem:v13+s9+$0x0], $0xffff;
	[tilespmem:s2+$0xB0] =	vst v10  }
0x25e: {  	v6 =	vld.idx.msk [tilespmem:v6+s9+$0x0], $0xffff;
	v10 =	vadd.s32 s31, v5;
	[tilespmem:s2+$0x130] =	vst v9  }
0x25f: {  	v9 =	vld.idx.msk [tilespmem:v14+s9+$0x0], $0xffff;
	v14 =	vadd.s32 s29, v5;
	[tilespmem:s2+$0x1B0] =	vst v8  }
0x260: {  	v8 =	vld.idx.msk [tilespmem:v15+s9+$0x0], $0xffff;
	v15 =	vadd.s32 s0, v5;
	[tilespmem:s2+$0x230] =	vst v7  }
0x261: {  	v7 =	vld.idx.msk [tilespmem:v12+s9+$0x0], $0xffff;
	v12 =	vadd.s32 s4, v5;
	[tilespmem:s2+$0x2B0] =	vst v16  }
0x262: {  	v11 =	vld.idx.msk [tilespmem:v11+s9+$0x0], $0xffff;
	v16 =	vadd.s32 s1, v5;
	[tilespmem:s2+$0x330] =	vst v13  }
0x263: {  	v13 =	vadd.s32 s3, v5;
	[tilespmem:s2+$0xFFFFFC30] =	vst v6;
	v10 =	vld.idx.msk [tilespmem:v10+s9+$0x0], $0xffff  }
0x264: {  	v6 =	vld.idx.msk [tilespmem:v14+s9+$0x0], $0xffff;
	v14 =	vadd.s32 s7, v5;
	[tilespmem:s2+$0xFFFFFCC0] =	vst v9  }
0x265: {  	v9 =	vld.idx.msk [tilespmem:v15+s9+$0x0], $0xffff;
	v15 =	vadd.s32 s15, v5;
	[tilespmem:s2+$0xFFFFFD40] =	vst v8  }
0x266: {  	v8 =	vld.idx.msk [tilespmem:v12+s9+$0x0], $0xffff;
	v12 =	vadd.s32 s16, v5;
	[tilespmem:s2+$0xFFFFFDC0] =	vst v7  }
0x267: {  	v7 =	vld.idx.msk [tilespmem:v16+s9+$0x0], $0xffff;
	v16 =	vadd.s32 s17, v5;
	[tilespmem:s2+$0xFFFFFE40] =	vst v11  }
0x268: {  	v5 =	vadd.s32 s23, v5;
	v11 =	vld.idx.msk [tilespmem:v13+s9+$0x0], $0xffff;
	[tilespmem:s2+$0xFFFFFEC0] =	vst v10  }
0x269: {  	v10 =	vadd.s32 s25, v4;
	v13 =	vld.idx.msk [tilespmem:v14+s9+$0x0], $0xffff;
	[tilespmem:s2+$0xFFFFFF40] =	vst v6  }
0x26a: {  	v6 =	vadd.s32 s26, v4;
	v14 =	vld.idx.msk [tilespmem:v15+s9+$0x0], $0xffff;
	[tilespmem:s2+$0xFFFFFFC0] =	vst v9  }
0x26b: {  	v9 =	vadd.s32 s28, v4;
	v12 =	vld.idx.msk [tilespmem:v12+s9+$0x0], $0xffff;
	[tilespmem:s2+$0x40] =	vst v8  }
0x26c: {  	v8 =	vadd.s32 s30, v4;
	v15 =	vld.idx.msk [tilespmem:v16+s9+$0x0], $0xffff;
	[tilespmem:s2+$0xC0] =	vst v7  }
0x26d: {  	v5 =	vld.idx.msk [tilespmem:v5+s9+$0x0], $0xffff;
	v7 =	vadd.s32 s31, v4;
	[tilespmem:s2+$0x140] =	vst v11  }
0x26e: {  	v11 =	vadd.s32 s29, v4;
	v10 =	vld.idx.msk [tilespmem:v10+s9+$0x0], $0xffff;
	[tilespmem:s2+$0x1C0] =	vst v13  }
0x26f: {  	v6 =	vld.idx.msk [tilespmem:v6+s9+$0x0], $0xffff;
	v13 =	vadd.s32 s0, v4;
	[tilespmem:s2+$0x240] =	vst v14  }
0x270: {  	v9 =	vld.idx.msk [tilespmem:v9+s9+$0x0], $0xffff;
	v14 =	vadd.s32 s4, v4;
	[tilespmem:s2+$0x2C0] =	vst v12  }
0x271: {  	v8 =	vld.idx.msk [tilespmem:v8+s9+$0x0], $0xffff;
	v12 =	vadd.s32 s1, v4;
	[tilespmem:s2+$0x340] =	vst v15  }
0x272: {  	v7 =	vld.idx.msk [tilespmem:v7+s9+$0x0], $0xffff;
	v15 =	vadd.s32 s3, v4;
	[tilespmem:s2+$0xFFFFFC40] =	vst v5  }
0x273: {  	v5 =	vld.idx.msk [tilespmem:v11+s9+$0x0], $0xffff;
	v11 =	vadd.s32 s7, v4;
	[tilespmem:s2+$0xFFFFFCD0] =	vst v10  }
0x274: {  	v10 =	vld.idx.msk [tilespmem:v13+s9+$0x0], $0xffff;
	v13 =	vadd.s32 s15, v4;
	[tilespmem:s2+$0xFFFFFD50] =	vst v6  }
0x275: {  	v6 =	vld.idx.msk [tilespmem:v14+s9+$0x0], $0xffff;
	v14 =	vadd.s32 s16, v4;
	[tilespmem:s2+$0xFFFFFDD0] =	vst v9  }
0x276: {  	v9 =	vld.idx.msk [tilespmem:v12+s9+$0x0], $0xffff;
	v12 =	vadd.s32 s17, v4;
	[tilespmem:s2+$0xFFFFFE50] =	vst v8  }
0x277: {  	v4 =	vadd.s32 s23, v4;
	v8 =	vld.idx.msk [tilespmem:v15+s9+$0x0], $0xffff;
	[tilespmem:s2+$0xFFFFFED0] =	vst v7  }
0x278: {  	v7 =	vadd.s32 s25, v3;
	v11 =	vld.idx.msk [tilespmem:v11+s9+$0x0], $0xffff;
	[tilespmem:s2+$0xFFFFFF50] =	vst v5  }
0x279: {  	v5 =	vadd.s32 s26, v3;
	v13 =	vld.idx.msk [tilespmem:v13+s9+$0x0], $0xffff;
	[tilespmem:s2+$0xFFFFFFD0] =	vst v10  }
0x27a: {  	v10 =	vadd.s32 s28, v3;
	v14 =	vld.idx.msk [tilespmem:v14+s9+$0x0], $0xffff;
	[tilespmem:s2+$0x50] =	vst v6  }
0x27b: {  	v6 =	vadd.s32 s30, v3;
	v12 =	vld.idx.msk [tilespmem:v12+s9+$0x0], $0xffff;
	[tilespmem:s2+$0xD0] =	vst v9  }
0x27c: {  	v4 =	vld.idx.msk [tilespmem:v4+s9+$0x0], $0xffff;
	v9 =	vadd.s32 s31, v3;
	[tilespmem:s2+$0x150] =	vst v8  }
0x27d: {  	v7 =	vld.idx.msk [tilespmem:v7+s9+$0x0], $0xffff;
	v8 =	vadd.s32 s29, v3;
	[tilespmem:s2+$0x1D0] =	vst v11  }
0x27e: {  	v5 =	vld.idx.msk [tilespmem:v5+s9+$0x0], $0xffff;
	v11 =	vadd.s32 s0, v3;
	[tilespmem:s2+$0x250] =	vst v13  }
0x27f: {  	v10 =	vld.idx.msk [tilespmem:v10+s9+$0x0], $0xffff;
	v13 =	vadd.s32 s4, v3;
	[tilespmem:s2+$0x2D0] =	vst v14  }
0x280: {  	v6 =	vld.idx.msk [tilespmem:v6+s9+$0x0], $0xffff;
	v14 =	vadd.s32 s1, v3;
	[tilespmem:s2+$0x350] =	vst v12  }
0x281: {  	v9 =	vld.idx.msk [tilespmem:v9+s9+$0x0], $0xffff;
	v12 =	vadd.s32 s3, v3;
	[tilespmem:s2+$0xFFFFFC50] =	vst v4  }
0x282: {  	v4 =	vld.idx.msk [tilespmem:v8+s9+$0x0], $0xffff;
	v8 =	vadd.s32 s7, v3;
	[tilespmem:s2+$0xFFFFFCE0] =	vst v7  }
0x283: {  	v7 =	vld.idx.msk [tilespmem:v11+s9+$0x0], $0xffff;
	v11 =	vadd.s32 s15, v3;
	[tilespmem:s2+$0xFFFFFD60] =	vst v5  }
0x284: {  	v5 =	vld.idx.msk [tilespmem:v13+s9+$0x0], $0xffff;
	v13 =	vadd.s32 s16, v3;
	[tilespmem:s2+$0xFFFFFDE0] =	vst v10  }
0x285: {  	v10 =	vld.idx.msk [tilespmem:v14+s9+$0x0], $0xffff;
	v14 =	vadd.s32 s17, v3;
	[tilespmem:s2+$0xFFFFFE60] =	vst v6  }
0x286: {  	v3 =	vadd.s32 s23, v3;
	v6 =	vld.idx.msk [tilespmem:v12+s9+$0x0], $0xffff;
	[tilespmem:s2+$0xFFFFFEE0] =	vst v9  }
0x287: {  	v9 =	vadd.s32 s25, v2;
	v8 =	vld.idx.msk [tilespmem:v8+s9+$0x0], $0xffff;
	[tilespmem:s2+$0xFFFFFF60] =	vst v4  }
0x288: {  	v4 =	vadd.s32 s26, v2;
	v11 =	vld.idx.msk [tilespmem:v11+s9+$0x0], $0xffff;
	[tilespmem:s2+$0xFFFFFFE0] =	vst v7  }
0x289: {  	v7 =	vadd.s32 s28, v2;
	v12 =	vld.idx.msk [tilespmem:v13+s9+$0x0], $0xffff;
	[tilespmem:s2+$0x60] =	vst v5  }
0x28a: {  	v5 =	vadd.s32 s30, v2;
	v13 =	vld.idx.msk [tilespmem:v14+s9+$0x0], $0xffff;
	[tilespmem:s2+$0xE0] =	vst v10  }
0x28b: {  	v3 =	vld.idx.msk [tilespmem:v3+s9+$0x0], $0xffff;
	v10 =	vadd.s32 s31, v2;
	[tilespmem:s2+$0x160] =	vst v6  }
0x28c: {  	v6 =	vld.idx.msk [tilespmem:v9+s9+$0x0], $0xffff;
	v9 =	vadd.s32 s29, v2;
	[tilespmem:s2+$0x1E0] =	vst v8  }
0x28d: {  	v4 =	vld.idx.msk [tilespmem:v4+s9+$0x0], $0xffff;
	v8 =	vadd.s32 s0, v2;
	[tilespmem:s2+$0x260] =	vst v11  }
0x28e: {  	v7 =	vld.idx.msk [tilespmem:v7+s9+$0x0], $0xffff;
	v11 =	vadd.s32 s4, v2;
	[tilespmem:s2+$0x2E0] =	vst v12  }
0x28f: {  	v5 =	vld.idx.msk [tilespmem:v5+s9+$0x0], $0xffff;
	v12 =	vadd.s32 s1, v2;
	[tilespmem:s2+$0x360] =	vst v13  }
0x290: {  	v10 =	vld.idx.msk [tilespmem:v10+s9+$0x0], $0xffff;
	v13 =	vadd.s32 s3, v2;
	[tilespmem:s2+$0xFFFFFC60] =	vst v3  }
0x291: {  	v3 =	vld.idx.msk [tilespmem:v9+s9+$0x0], $0xffff;
	v9 =	vadd.s32 s7, v2;
	[tilespmem:s2+$0xFFFFFCF0] =	vst v6  }
0x292: {  	v6 =	vld.idx.msk [tilespmem:v8+s9+$0x0], $0xffff;
	v8 =	vadd.s32 s15, v2;
	[tilespmem:s2+$0xFFFFFD70] =	vst v4  }
0x293: {  	v4 =	vld.idx.msk [tilespmem:v11+s9+$0x0], $0xffff;
	v11 =	vadd.s32 s16, v2;
	[tilespmem:s2+$0xFFFFFDF0] =	vst v7  }
0x294: {  	v7 =	vld.idx.msk [tilespmem:v12+s9+$0x0], $0xffff;
	v12 =	vadd.s32 s17, v2;
	[tilespmem:s2+$0xFFFFFE70] =	vst v5  }
0x295: {  	v2 =	vadd.s32 s23, v2;
	v5 =	vld.idx.msk [tilespmem:v13+s9+$0x0], $0xffff;
	[tilespmem:s2+$0xFFFFFEF0] =	vst v10  }
0x296: {  	v9 =	vld.idx.msk [tilespmem:v9+s9+$0x0], $0xffff;
	[tilespmem:s2+$0xFFFFFF70] =	vst v3  }
0x297: {  	v3 =	vld.idx.msk [tilespmem:v8+s9+$0x0], $0xffff;
	[tilespmem:s2+$0xFFFFFFF0] =	vst v6  }
0x298: {  	v6 =	vld.idx.msk [tilespmem:v11+s9+$0x0], $0xffff;
	[tilespmem:s2+$0x70] =	vst v4  }
0x299: {  	v4 =	vld.idx.msk [tilespmem:v12+s9+$0x0], $0xffff;
	[tilespmem:s2+$0xF0] =	vst v7  }
0x29a: {  	v2 =	vld.idx.msk [tilespmem:v2+s9+$0x0], $0xffff;
	[tilespmem:s2+$0x170] =	vst v5  }
0x29b: {  	[tilespmem:s2+$0x1F0] =	vst v9  }
0x29c: {  	[tilespmem:s2+$0x270] =	vst v3  }
0x29d: {  	[tilespmem:s2+$0x2F0] =	vst v6  }
0x29e: {  	s5 =	sshll.u32 s21, $0x12;
	[tilespmem:s2+$0x370] =	vst v4  }
0x29f: {  	s0 =	sadd.s32 s5, s20;
	s23 =	sor.u32 $0x1, s22;
	[tilespmem:s2+$0xFFFFFC70] =	vst v2  }
0x2a0: {  	v2 =	vadd.s32 s23, v1;
	[hbm4b:s0+s11] =	stream.strided.scatter [tilespmem:s13], [sflag:$0x1], $0x2000, s12, s11, $0x38;
	[tilespmem:$0xBC80] =	vst v63  }
0x2a1: {  	s0 =	simm.s32 @!p0 $0x2  }
0x2a2: {  	_ =	swait.ge @!p0 [sflag:s0], $0x2000  }
0x2a3: {  	[sflag:s0] =	ssyncset.done @!p0 $0x0  }
0x2a4: {  	s7 =	sadd.s32 $0xC81, s22;
	[sflag:s0] =	ssyncadd.s32 @!p0 $0xFFFFE000  }
0x2a5: {  	s15 =	sor.u32 $0x1901, s22;
	v3 =	vadd.s32 s7, v1;
	v2 =	vld.idx.msk [tilespmem:v2+s10+$0x0], $0xffff  }
0x2a6: {  	s16 =	sadd.s32 $0x2581, s22;
	v4 =	vadd.s32 s15, v1  }
0x2a7: {  	s17 =	sor.u32 $0x3201, s22;
	v5 =	vadd.s32 s16, v1  }
0x2a8: {  	s24 =	sadd.s32 $0x3E81, s22;
	v6 =	vadd.s32 s17, v1  }
0x2a9: {  	s25 =	sor.u32 $0x4B01, s22;
	v7 =	vadd.s32 s24, v1  }
0x2aa: {  	s26 =	sadd.s32 $0x5781, s22;
	v3 =	vld.idx.msk [tilespmem:v3+s10+$0x0], $0xffff;
	v8 =	vmul.u32 $0x81, v2;
	v2 =	vadd.s32 s25, v1  }
0x2ab: {  	s0 =	simm.s32 $0x0;
	v4 =	vld.idx.msk [tilespmem:v4+s10+$0x0], $0xffff;
	v1 =	vadd.s32 s26, v1  }
0x2ac: {  	s7 =	simm.s32 $0x1;
	v5 =	vld.idx.msk [tilespmem:v5+s10+$0x0], $0xffff;
	v9 =	vadd.s32 s0, v8  }
0x2ad: {  	s15 =	simm.s32 $0x2;
	v10 =	vld.idx.msk [tilespmem:v6+s10+$0x0], $0xffff;
	v6 =	vadd.s32 s7, v8  }
0x2ae: {  	s16 =	simm.s32 $0x3;
	v11 =	vld.idx.msk [tilespmem:v7+s10+$0x0], $0xffff;
	v7 =	vadd.s32 s15, v8  }
0x2af: {  	s5 =	simm.s32 $0x4;
	v12 =	vadd.s32 s16, v8;
	v2 =	vld.idx.msk [tilespmem:v2+s10+$0x0], $0xffff  }
0x2b0: {  	s22 =	simm.s32 $0xF;
	v13 =	vadd.s32 s5, v8;
	v1 =	vld.idx.msk [tilespmem:v1+s10+$0x0], $0xffff  }
0x2b1: {  	s1 =	simm.s32 $0x5;
	v18 =	vadd.s32 s22, v8;
	v9 =	vld.idx.msk [tilespmem:v9+s9+$0x0], $0xffff  }
0x2b2: {  	s4 =	simm.s32 $0x8;
	v14 =	vadd.s32 s1, v8;
	v15 =	vld.idx.msk [tilespmem:v6+s9+$0x0], $0xffff  }
0x2b3: {  	s2 =	simm.s32 $0x6;
	v17 =	vadd.s32 s4, v8;
	v16 =	vld.idx.msk [tilespmem:v7+s9+$0x0], $0xffff  }
0x2b4: {  	s3 =	simm.s32 $0x7;
	v6 =	vadd.s32 s2, v8;
	v12 =	vld.idx.msk [tilespmem:v12+s9+$0x0], $0xffff  }
0x2b5: {  	s17 =	simm.s32 $0x9;
	v7 =	vadd.s32 s3, v8;
	v13 =	vld.idx.msk [tilespmem:v13+s9+$0x0], $0xffff  }
0x2b6: {  	s26 =	simm.s32 $0xB;
	v19 =	vadd.s32 s17, v8;
	v18 =	vld.idx.msk [tilespmem:v18+s9+$0x0], $0xffff  }
0x2b7: {  	s28 =	simm.s32 $0xC;
	v22 =	vadd.s32 s26, v8;
	v14 =	vld.idx.msk [tilespmem:v14+s9+$0x0], $0xffff  }
0x2b8: {  	s30 =	simm.s32 $0xE;
	v23 =	vadd.s32 s28, v8;
	v17 =	vld.idx.msk [tilespmem:v17+s9+$0x0], $0xffff  }
0x2b9: {  	s25 =	simm.s32 $0xA;
	v24 =	vadd.s32 s30, v8;
	v20 =	vld.idx.msk [tilespmem:v6+s9+$0x0], $0xffff  }
0x2ba: {  	s29 =	simm.s32 $0xD;
	s24 =	simm.s32 $0xA470;
	v6 =	vadd.s32 s25, v8;
	v21 =	vld.idx.msk [tilespmem:v7+s9+$0x0], $0xffff;
	v7 =	vmul.u32 $0x81, v3  }
0x2bb: {  	v19 =	vld.idx.msk [tilespmem:v19+s9+$0x0], $0xffff;
	v3 =	vadd.s32 s29, v8;
	[tilespmem:s24+$0xFFFFFF90] =	vst v18  }
0x2bc: {  	v22 =	vld.idx.msk [tilespmem:v22+s9+$0x0], $0xffff;
	[tilespmem:s24+$0xFFFFF890] =	vst v15;
	v26 =	vadd.s32 s22, v7  }
0x2bd: {  	v23 =	vld.idx.msk [tilespmem:v23+s9+$0x0], $0xffff;
	[tilespmem:s24+$0xFFFFF910] =	vst v16;
	v27 =	vadd.s32 s7, v7  }
0x2be: {  	v24 =	vld.idx.msk [tilespmem:v24+s9+$0x0], $0xffff;
	[tilespmem:s24+$0xFFFFF990] =	vst v12;
	v28 =	vadd.s32 s15, v7  }
0x2bf: {  	[tilespmem:s24+$0xFFFFFA10] =	vst v13;
	v29 =	vadd.s32 s16, v7;
	v25 =	vld.idx.msk [tilespmem:v6+s9+$0x0], $0xffff  }
0x2c0: {  	[tilespmem:s24+$0xFFFFFA90] =	vst v14;
	v30 =	vadd.s32 s5, v7;
	v3 =	vld.idx.msk [tilespmem:v3+s9+$0x0], $0xffff  }
0x2c1: {  	[tilespmem:s24+$0xFFFFFC10] =	vst v17;
	v16 =	vadd.s32 s2, v7;
	v15 =	vld.idx.msk [tilespmem:v26+s9+$0x0], $0xffff  }
0x2c2: {  	[tilespmem:s24+$0xFFFFFC90] =	vst v19;
	v13 =	vadd.s32 s3, v7;
	v18 =	vld.idx.msk [tilespmem:v27+s9+$0x0], $0xffff  }
0x2c3: {  	[tilespmem:s24+$0xFFFFFD90] =	vst v22;
	v14 =	vadd.s32 s4, v7;
	v26 =	vld.idx.msk [tilespmem:v28+s9+$0x0], $0xffff  }
0x2c4: {  	[tilespmem:s24+$0xFFFFFE10] =	vst v23;
	v17 =	vadd.s32 s28, v7;
	v27 =	vld.idx.msk [tilespmem:v29+s9+$0x0], $0xffff  }
0x2c5: {  	v22 =	vadd.s32 s30, v7;
	[tilespmem:s24+$0xFFFFFB10] =	vst v20;
	v28 =	vld.idx.msk [tilespmem:v30+s9+$0x0], $0xffff  }
0x2c6: {  	v6 =	vmul.u32 $0x81, v4;
	v4 =	vadd.s32 s1, v7;
	[tilespmem:s24+$0xFFFFFB90] =	vst v21;
	v16 =	vld.idx.msk [tilespmem:v16+s9+$0x0], $0xffff  }
0x2c7: {  	[tilespmem:s24+$0xFFFFFF10] =	vst v24;
	v20 =	vadd.s32 s25, v7;
	v13 =	vld.idx.msk [tilespmem:v13+s9+$0x0], $0xffff  }
0x2c8: {  	[tilespmem:s24+$0xFFFFF810] =	vst v9;
	v14 =	vld.idx.msk [tilespmem:v14+s9+$0x0], $0xffff;
	v30 =	vadd.s32 s0, v7  }
0x2c9: {  	v12 =	vadd.s32 s22, v6;
	v17 =	vld.idx.msk [tilespmem:v17+s9+$0x0], $0xffff;
	[tilespmem:s24+$0xFFFFFD10] =	vst v25  }
0x2ca: {  	v23 =	vadd.s32 s7, v6;
	v9 =	vld.idx.msk [tilespmem:v22+s9+$0x0], $0xffff;
	[tilespmem:s24+$0xFFFFFE90] =	vst v3  }
0x2cb: {  	v29 =	vld.idx.msk [tilespmem:v4+s9+$0x0], $0xffff;
	v4 =	vadd.s32 s17, v7;
	[tilespmem:s24+$0xFFFFFFA0] =	vst v15  }
0x2cc: {  	v20 =	vld.idx.msk [tilespmem:v20+s9+$0x0], $0xffff;
	v15 =	vadd.s32 s26, v7;
	[tilespmem:s24+$0xFFFFF8A0] =	vst v18  }
0x2cd: {  	v24 =	vld.idx.msk [tilespmem:v30+s9+$0x0], $0xffff;
	v18 =	vadd.s32 s5, v6;
	[tilespmem:s24+$0xFFFFF920] =	vst v26  }
0x2ce: {  	[tilespmem:s24+$0xFFFFF9A0] =	vst v27;
	v26 =	vadd.s32 s2, v6;
	v12 =	vld.idx.msk [tilespmem:v12+s9+$0x0], $0xffff  }
0x2cf: {  	v5 =	vmul.u32 $0x81, v5;
	v27 =	vadd.s32 s3, v6;
	[tilespmem:s24+$0xFFFFFA20] =	vst v28;
	v23 =	vld.idx.msk [tilespmem:v23+s9+$0x0], $0xffff  }
0x2d0: {  	[tilespmem:s24+$0xFFFFFBA0] =	vst v13;
	v13 =	vadd.s32 s25, v6;
	v21 =	vld.idx.msk [tilespmem:v4+s9+$0x0], $0xffff  }
0x2d1: {  	v19 =	vadd.s32 s22, v5;
	[tilespmem:s24+$0xFFFFFB20] =	vst v16;
	v15 =	vld.idx.msk [tilespmem:v15+s9+$0x0], $0xffff  }
0x2d2: {  	v25 =	vadd.s32 s29, v7;
	[tilespmem:s24+$0xFFFFFC20] =	vst v14;
	v18 =	vld.idx.msk [tilespmem:v18+s9+$0x0], $0xffff  }
0x2d3: {  	[tilespmem:s24+$0xFFFFFE20] =	vst v17;
	v17 =	vadd.s32 s7, v5;
	v26 =	vld.idx.msk [tilespmem:v26+s9+$0x0], $0xffff  }
0x2d4: {  	v4 =	vmul.u32 $0x81, v10;
	v10 =	vadd.s32 s15, v6;
	[tilespmem:s24+$0xFFFFFD20] =	vst v20;
	v27 =	vld.idx.msk [tilespmem:v27+s9+$0x0], $0xffff  }
0x2d5: {  	v28 =	vadd.s32 s17, v6;
	v13 =	vld.idx.msk [tilespmem:v13+s9+$0x0], $0xffff;
	[tilespmem:s24+$0xFFFFFFB0] =	vst v12  }
0x2d6: {  	[tilespmem:s24+$0xFFFFFF20] =	vst v9;
	v20 =	vadd.s32 s30, v6;
	v3 =	vld.idx.msk [tilespmem:v19+s9+$0x0], $0xffff  }
0x2d7: {  	v12 =	vadd.s32 s16, v6;
	[tilespmem:s24+$0xFFFFF8B0] =	vst v23;
	v19 =	vld.idx.msk [tilespmem:v25+s9+$0x0], $0xffff  }
0x2d8: {  	v14 =	vadd.s32 s26, v6;
	[tilespmem:s24+$0xFFFFF820] =	vst v24;
	v17 =	vld.idx.msk [tilespmem:v17+s9+$0x0], $0xffff  }
0x2d9: {  	v24 =	vadd.s32 s5, v5;
	v10 =	vld.idx.msk [tilespmem:v10+s9+$0x0], $0xffff;
	[tilespmem:s24+$0xFFFFFCA0] =	vst v21  }
0x2da: {  	[tilespmem:s24+$0xFFFFFAA0] =	vst v29;
	v25 =	vadd.s32 s1, v6;
	v28 =	vld.idx.msk [tilespmem:v28+s9+$0x0], $0xffff  }
0x2db: {  	v22 =	vadd.s32 s22, v4;
	v20 =	vld.idx.msk [tilespmem:v20+s9+$0x0], $0xffff;
	[tilespmem:s24+$0xFFFFFDA0] =	vst v15  }
0x2dc: {  	v21 =	vadd.s32 s28, v6;
	[tilespmem:s24+$0xFFFFFA30] =	vst v18;
	v12 =	vld.idx.msk [tilespmem:v12+s9+$0x0], $0xffff  }
0x2dd: {  	v29 =	vadd.s32 s29, v6;
	[tilespmem:s24+$0xFFFFFB30] =	vst v26;
	v14 =	vld.idx.msk [tilespmem:v14+s9+$0x0], $0xffff  }
0x2de: {  	v26 =	vadd.s32 s25, v5;
	[tilespmem:s24+$0xFFFFFBB0] =	vst v27;
	v18 =	vld.idx.msk [tilespmem:v24+s9+$0x0], $0xffff  }
0x2df: {  	[tilespmem:s24+$0xFFFFFFC0] =	vst v3;
	v3 =	vmul.u32 $0x81, v11;
	v11 =	vadd.s32 s4, v6;
	v25 =	vld.idx.msk [tilespmem:v25+s9+$0x0], $0xffff  }
0x2e0: {  	[tilespmem:s24+$0xFFFFFEA0] =	vst v19;
	v19 =	vadd.s32 s15, v5;
	v22 =	vld.idx.msk [tilespmem:v22+s9+$0x0], $0xffff  }
0x2e1: {  	v9 =	vadd.s32 s16, v5;
	[tilespmem:s24+$0xFFFFFD30] =	vst v13;
	v21 =	vld.idx.msk [tilespmem:v21+s9+$0x0], $0xffff  }
0x2e2: {  	v29 =	vld.idx.msk [tilespmem:v29+s9+$0x0], $0xffff;
	[tilespmem:s24+$0xFFFFF930] =	vst v10;
	v10 =	vadd.s32 s2, v5  }
0x2e3: {  	v16 =	vadd.s32 s22, v3;
	[tilespmem:s24+$0xFFFFFF30] =	vst v20;
	v26 =	vld.idx.msk [tilespmem:v26+s9+$0x0], $0xffff  }
0x2e4: {  	v13 =	vadd.s32 s29, v5;
	[tilespmem:s24+$0xFFFFF9B0] =	vst v12;
	v11 =	vld.idx.msk [tilespmem:v11+s9+$0x0], $0xffff  }
0x2e5: {  	v20 =	vadd.s32 s5, v4;
	[tilespmem:s24+$0xFFFFFDB0] =	vst v14;
	v19 =	vld.idx.msk [tilespmem:v19+s9+$0x0], $0xffff  }
0x2e6: {  	v14 =	vadd.s32 s30, v5;
	v23 =	vld.idx.msk [tilespmem:v9+s9+$0x0], $0xffff;
	[tilespmem:s24+$0xFFFFFAB0] =	vst v25  }
0x2e7: {  	v9 =	vadd.s32 s3, v5;
	[tilespmem:s24+$0xFFFFFFD0] =	vst v22;
	v10 =	vld.idx.msk [tilespmem:v10+s9+$0x0], $0xffff  }
0x2e8: {  	v25 =	vadd.s32 s17, v5;
	[tilespmem:s24+$0xFFFFFEB0] =	vst v29;
	v16 =	vld.idx.msk [tilespmem:v16+s9+$0x0], $0xffff  }
0x2e9: {  	[tilespmem:s24+$0xFFFFFA40] =	vst v18;
	v22 =	vadd.s32 s0, v6;
	v13 =	vld.idx.msk [tilespmem:v13+s9+$0x0], $0xffff  }
0x2ea: {  	v2 =	vmul.u32 $0x81, v2;
	v24 =	vadd.s32 s4, v5;
	[tilespmem:s24+$0xFFFFF8C0] =	vst v17;
	v20 =	vld.idx.msk [tilespmem:v20+s9+$0x0], $0xffff  }
0x2eb: {  	v1 =	vmul.u32 $0x81, v1;
	[tilespmem:s24+$0xFFFFFE30] =	vst v21;
	v21 =	vadd.s32 s7, v4;
	v14 =	vld.idx.msk [tilespmem:v14+s9+$0x0], $0xffff  }
0x2ec: {  	v15 =	vadd.s32 s22, v2;
	[tilespmem:s24+$0xFFFFFCB0] =	vst v28;
	v27 =	vld.idx.msk [tilespmem:v9+s9+$0x0], $0xffff  }
0x2ed: {  	v12 =	vadd.s32 s22, v1;
	s22 =	simm.s32 $0x10;
	[tilespmem:s24+$0xFFFFFC30] =	vst v11;
	v9 =	vadd.s32 s28, v5;
	v25 =	vld.idx.msk [tilespmem:v25+s9+$0x0], $0xffff  }
0x2ee: {  	v11 =	vadd.s32 s22, v8;
	[tilespmem:s24+$0xFFFFF940] =	vst v19;
	v22 =	vld.idx.msk [tilespmem:v22+s9+$0x0], $0xffff  }
0x2ef: {  	v19 =	vadd.s32 s2, v4;
	[tilespmem:s24+$0xFFFFF9C0] =	vst v23;
	v24 =	vld.idx.msk [tilespmem:v24+s9+$0x0], $0xffff  }
0x2f0: {  	v23 =	vadd.s32 s3, v4;
	v21 =	vld.idx.msk [tilespmem:v21+s9+$0x0], $0xffff;
	[tilespmem:s24+$0xFFFFFFE0] =	vst v16  }
0x2f1: {  	[tilespmem:s24+$0xFFFFFB40] =	vst v10;
	v10 =	vadd.s32 s25, v4;
	v15 =	vld.idx.msk [tilespmem:v15+s9+$0x0], $0xffff  }
0x2f2: {  	v16 =	vadd.s32 s1, v5;
	v30 =	vld.idx.msk [tilespmem:v9+s9+$0x0], $0xffff  }
0x2f3: {  	v28 =	vadd.s32 s0, v5;
	[tilespmem:s24+$0xFFFFFD40] =	vst v26;
	v9 =	vld.idx.msk [tilespmem:v11+s9+$0x0], $0xffff  }
0x2f4: {  	v18 =	vadd.s32 s4, v4;
	v19 =	vld.idx.msk [tilespmem:v19+s9+$0x0], $0xffff;
	[tilespmem:s24+$0xFFFFFBC0] =	vst v27  }
0x2f5: {  	[tilespmem:s24+$0xFFFFFF40] =	vst v14;
	v23 =	vld.idx.msk [tilespmem:v23+s9+$0x0], $0xffff  }
0x2f6: {  	v14 =	vadd.s32 s5, v3;
	[tilespmem:s24+$0xFFFFFCC0] =	vst v25;
	v10 =	vld.idx.msk [tilespmem:v10+s9+$0x0], $0xffff  }
0x2f7: {  	v11 =	vadd.s32 s15, v4;
	[tilespmem:s24+$0xFFFFF830] =	vst v22;
	v16 =	vld.idx.msk [tilespmem:v16+s9+$0x0], $0xffff  }
0x2f8: {  	v25 =	vadd.s32 s29, v4;
	[tilespmem:s24+$0xFFFFFC40] =	vst v24;
	v22 =	vld.idx.msk [tilespmem:v28+s9+$0x0], $0xffff  }
0x2f9: {  	v24 =	vadd.s32 s28, v4;
	v18 =	vld.idx.msk [tilespmem:v18+s9+$0x0], $0xffff;
	[tilespmem:s24+$0xFFFFFFF0] =	vst v15  }
0x2fa: {  	v26 =	vadd.s32 s30, v4;
	[tilespmem:s24+$0xFFFFFA50] =	vst v20;
	v12 =	vld.idx.msk [tilespmem:v12+s9+$0x0], $0xffff  }
0x2fb: {  	[tilespmem:s24+$0xFFFFFEC0] =	vst v13;
	v15 =	vadd.s32 s26, v5;
	v14 =	vld.idx.msk [tilespmem:v14+s9+$0x0], $0xffff  }
0x2fc: {  	v17 =	vadd.s32 s1, v4;
	[tilespmem:s24+$0xFFFFF8D0] =	vst v21;
	v11 =	vld.idx.msk [tilespmem:v11+s9+$0x0], $0xffff  }
0x2fd: {  	v28 =	vadd.s32 s0, v4;
	[tilespmem:s24+$0xFFFFFE40] =	vst v30;
	v25 =	vld.idx.msk [tilespmem:v25+s9+$0x0], $0xffff  }
0x2fe: {  	v20 =	vadd.s32 s4, v3;
	[tilespmem:s24+$0xFFFFFB50] =	vst v19;
	v24 =	vld.idx.msk [tilespmem:v24+s9+$0x0], $0xffff  }
0x2ff: {  	v19 =	vadd.s32 s25, v3;
	[tilespmem:s24+$0xFFFFF840] =	vst v22;
	v22 =	vld.idx.msk [tilespmem:v26+s9+$0x0], $0xffff  }
0x300: {  	v29 =	vadd.s32 s15, v3;
	[tilespmem:s24+$0xFFFFFAC0] =	vst v16;
	v15 =	vld.idx.msk [tilespmem:v15+s9+$0x0], $0xffff  }
0x301: {  	[tilespmem:s24+$0xFFFFFD50] =	vst v10;
	v16 =	vadd.s32 s17, v4;
	v17 =	vld.idx.msk [tilespmem:v17+s9+$0x0], $0xffff  }
0x302: {  	[tilespmem:s24+$0xFFFFFC50] =	vst v18;
	v18 =	vadd.s32 s28, v3;
	v26 =	vld.idx.msk [tilespmem:v28+s9+$0x0], $0xffff  }
0x303: {  	v10 =	vadd.s32 s30, v3;
	v20 =	vld.idx.msk [tilespmem:v20+s9+$0x0], $0xffff;
	[tilespmem:s24+$0x0] =	vst v12  }
0x304: {  	v12 =	vadd.s32 s16, v4;
	[tilespmem:s24+$0xFFFFF950] =	vst v11;
	v19 =	vld.idx.msk [tilespmem:v19+s9+$0x0], $0xffff  }
0x305: {  	v27 =	vadd.s32 s26, v4;
	[tilespmem:s24+$0xFFFFFA60] =	vst v14;
	v28 =	vld.idx.msk [tilespmem:v29+s9+$0x0], $0xffff  }
0x306: {  	v21 =	vadd.s32 s1, v3;
	[tilespmem:s24+$0xFFFFFE50] =	vst v24;
	v16 =	vld.idx.msk [tilespmem:v16+s9+$0x0], $0xffff  }
0x307: {  	v14 =	vadd.s32 s4, v2;
	v18 =	vld.idx.msk [tilespmem:v18+s9+$0x0], $0xffff;
	[tilespmem:s24+$0xFFFFFF50] =	vst v22  }
0x308: {  	v11 =	vadd.s32 s2, v3;
	v10 =	vld.idx.msk [tilespmem:v10+s9+$0x0], $0xffff  }
0x309: {  	v29 =	vadd.s32 s0, v3;
	[tilespmem:s24+$0xFFFFFDC0] =	vst v15;
	v12 =	vld.idx.msk [tilespmem:v12+s9+$0x0], $0xffff  }
0x30a: {  	v24 =	vadd.s32 s15, v2;
	[tilespmem:s24+$0xFFFFFAD0] =	vst v17;
	v27 =	vld.idx.msk [tilespmem:v27+s9+$0x0], $0xffff  }
0x30b: {  	v22 =	vadd.s32 s5, v2;
	[tilespmem:s24+$0xFFFFFC60] =	vst v20;
	v21 =	vld.idx.msk [tilespmem:v21+s9+$0x0], $0xffff  }
0x30c: {  	[tilespmem:s24+$0xFFFFFBD0] =	vst v23;
	v15 =	vadd.s32 s7, v3;
	v14 =	vld.idx.msk [tilespmem:v14+s9+$0x0], $0xffff  }
0x30d: {  	v17 =	vadd.s32 s17, v3;
	[tilespmem:s24+$0xFFFFF850] =	vst v26;
	v11 =	vld.idx.msk [tilespmem:v11+s9+$0x0], $0xffff  }
0x30e: {  	v20 =	vadd.s32 s28, v2;
	v26 =	vld.idx.msk [tilespmem:v29+s9+$0x0], $0xffff;
	[tilespmem:s24+$0xFFFFF960] =	vst v28  }
0x30f: {  	v13 =	vadd.s32 s16, v3;
	[tilespmem:s24+$0xFFFFFED0] =	vst v25;
	v24 =	vld.idx.msk [tilespmem:v24+s9+$0x0], $0xffff  }
0x310: {  	v23 =	vadd.s32 s26, v3;
	[tilespmem:s24+$0xFFFFFD60] =	vst v19;
	v22 =	vld.idx.msk [tilespmem:v22+s9+$0x0], $0xffff  }
0x311: {  	v19 =	vadd.s32 s30, v2;
	[tilespmem:s24+$0xFFFFFCD0] =	vst v16;
	v15 =	vld.idx.msk [tilespmem:v15+s9+$0x0], $0xffff  }
0x312: {  	v28 =	vadd.s32 s2, v2;
	[tilespmem:s24+$0xFFFFFE60] =	vst v18;
	v17 =	vld.idx.msk [tilespmem:v17+s9+$0x0], $0xffff  }
0x313: {  	v16 =	vadd.s32 s29, v3;
	v18 =	vld.idx.msk [tilespmem:v20+s9+$0x0], $0xffff;
	[tilespmem:s24+$0xFFFFF9D0] =	vst v12  }
0x314: {  	v29 =	vadd.s32 s0, v2;
	[tilespmem:s24+$0xFFFFFDD0] =	vst v27;
	v13 =	vld.idx.msk [tilespmem:v13+s9+$0x0], $0xffff  }
0x315: {  	[tilespmem:s24+$0xFFFFFF60] =	vst v10;
	v12 =	vadd.s32 s3, v3;
	v23 =	vld.idx.msk [tilespmem:v23+s9+$0x0], $0xffff  }
0x316: {  	v27 =	vadd.s32 s7, v2;
	[tilespmem:s24+$0xFFFFFB60] =	vst v11;
	v20 =	vld.idx.msk [tilespmem:v19+s9+$0x0], $0xffff  }
0x317: {  	[tilespmem:s24+$0xFFFFFAE0] =	vst v21;
	v21 =	vadd.s32 s17, v2;
	v28 =	vld.idx.msk [tilespmem:v28+s9+$0x0], $0xffff  }
0x318: {  	v11 =	vadd.s32 s25, v2;
	[tilespmem:s24+$0xFFFFF860] =	vst v26;
	v16 =	vld.idx.msk [tilespmem:v16+s9+$0x0], $0xffff  }
0x319: {  	v25 =	vadd.s32 s16, v2;
	v26 =	vld.idx.msk [tilespmem:v29+s9+$0x0], $0xffff;
	[tilespmem:s24+$0xFFFFFA70] =	vst v22  }
0x31a: {  	v10 =	vadd.s32 s5, v1;
	[tilespmem:s24+$0xFFFFF8E0] =	vst v15;
	v12 =	vld.idx.msk [tilespmem:v12+s9+$0x0], $0xffff  }
0x31b: {  	v15 =	vadd.s32 s1, v2;
	[tilespmem:s24+$0xFFFFFCE0] =	vst v17;
	v27 =	vld.idx.msk [tilespmem:v27+s9+$0x0], $0xffff  }
0x31c: {  	v17 =	vadd.s32 s29, v2;
	[tilespmem:s24+$0xFFFFFE70] =	vst v18;
	v21 =	vld.idx.msk [tilespmem:v21+s9+$0x0], $0xffff  }
0x31d: {  	[tilespmem:s24+$0xFFFFF9E0] =	vst v13;
	v13 =	vadd.s32 s3, v2;
	v30 =	vld.idx.msk [tilespmem:v11+s9+$0x0], $0xffff  }
0x31e: {  	v11 =	vadd.s32 s7, v1;
	v25 =	vld.idx.msk [tilespmem:v25+s9+$0x0], $0xffff;
	[tilespmem:s24+$0xFFFFFB70] =	vst v28  }
0x31f: {  	v29 =	vld.idx.msk [tilespmem:v10+s9+$0x0], $0xffff;
	v28 =	vadd.s32 s28, v1;
	s28 =	simm.s32 $0x13;
	[tilespmem:s24+$0xFFFFFEE0] =	vst v16;
	v16 =	vadd.s32 s16, v1  }
0x320: {  	v33 =	vadd.s32 s28, v8;
	v15 =	vld.idx.msk [tilespmem:v15+s9+$0x0], $0xffff;
	[tilespmem:s24+$0xFFFFFBE0] =	vst v12  }
0x321: {  	v17 =	vld.idx.msk [tilespmem:v17+s9+$0x0], $0xffff;
	v12 =	vadd.s32 s26, v2;
	[tilespmem:s24+$0xFFFFF8F0] =	vst v27  }
0x322: {  	v19 =	vadd.s32 s1, v1;
	[tilespmem:s24+$0xFFFFFCF0] =	vst v21;
	v13 =	vld.idx.msk [tilespmem:v13+s9+$0x0], $0xffff  }
0x323: {  	v21 =	vadd.s32 s29, v1;
	v27 =	vld.idx.msk [tilespmem:v11+s9+$0x0], $0xffff;
	[tilespmem:s24+$0xFFFFF9F0] =	vst v25  }
0x324: {  	v22 =	vadd.s32 s26, v1;
	[tilespmem:s24+$0xFFFFFDE0] =	vst v23;
	s26 =	simm.s32 $0x12;
	v11 =	vadd.s32 s2, v1;
	v25 =	vld.idx.msk [tilespmem:v16+s9+$0x0], $0xffff  }
0x325: {  	[tilespmem:s24+$0xFFFFFF70] =	vst v20;
	v18 =	vadd.s32 s26, v8;
	v20 =	vld.idx.msk [tilespmem:v33+s9+$0x0], $0xffff  }
0x326: {  	v16 =	vadd.s32 s4, v1;
	[tilespmem:s24+$0xFFFFFAF0] =	vst v15;
	v23 =	vld.idx.msk [tilespmem:v12+s9+$0x0], $0xffff  }
0x327: {  	v15 =	vadd.s32 s17, v1;
	[tilespmem:s24+$0xFFFFFEF0] =	vst v17;
	v10 =	vld.idx.msk [tilespmem:v19+s9+$0x0], $0xffff  }
0x328: {  	v12 =	vadd.s32 s15, v1;
	v21 =	vld.idx.msk [tilespmem:v21+s9+$0x0], $0xffff  }
0x329: {  	[tilespmem:s24+$0xFFFFFC70] =	vst v14;
	v19 =	vadd.s32 s25, v1;
	v11 =	vld.idx.msk [tilespmem:v11+s9+$0x0], $0xffff  }
0x32a: {  	[tilespmem:s24+$0xFFFFFD70] =	vst v30;
	v18 =	vld.idx.msk [tilespmem:v18+s9+$0x0], $0xffff  }
0x32b: {  	v30 =	vadd.s32 s30, v1;
	[tilespmem:s24+$0xFFFFFBF0] =	vst v13;
	v13 =	vld.idx.msk [tilespmem:v16+s9+$0x0], $0xffff  }
0x32c: {  	[tilespmem:s24+$0xFFFFF970] =	vst v24;
	v14 =	vld.idx.msk [tilespmem:v15+s9+$0x0], $0xffff  }
0x32d: {  	v24 =	vld.idx.msk [tilespmem:v12+s9+$0x0], $0xffff;
	v12 =	vadd.s32 s3, v1  }
0x32e: {  	v31 =	vadd.s32 s0, v1;
	s25 =	simm.s32 $0x11;
	v15 =	vld.idx.msk [tilespmem:v19+s9+$0x0], $0xffff  }
0x32f: {  	s30 =	simm.s32 $0x14;
	v32 =	vadd.s32 s25, v8;
	[tilespmem:s24+$0xFFFFF900] =	vst v27;
	v19 =	vld.idx.msk [tilespmem:v28+s9+$0x0], $0xffff  }
0x330: {  	s31 =	simm.s32 $0x15;
	v27 =	vadd.s32 s30, v8;
	[tilespmem:s24+$0xFFFFFDF0] =	vst v23;
	v23 =	vld.idx.msk [tilespmem:v30+s9+$0x0], $0xffff  }
0x331: {  	[tilespmem:s24+$0xFFFFF870] =	vst v26;
	s29 =	simm.s32 $0x16;
	v28 =	vadd.s32 s31, v8;
	v16 =	vld.idx.msk [tilespmem:v22+s9+$0x0], $0xffff  }
0x332: {  	s0 =	simm.s32 $0x17;
	[tilespmem:s24+$0xFFFFFA80] =	vst v29;
	v26 =	vadd.s32 s29, v8;
	v12 =	vld.idx.msk [tilespmem:v12+s9+$0x0], $0xffff  }
0x333: {  	s4 =	simm.s32 $0x18;
	[tilespmem:s24+$0xFFFFFA00] =	vst v25;
	v25 =	vadd.s32 s0, v8;
	v22 =	vld.idx.msk [tilespmem:v31+s9+$0x0], $0xffff  }
0x334: {  	s5 =	simm.s32 $0x1F;
	s2 =	simm.s32 $0x20;
	v17 =	vld.idx.msk [tilespmem:v32+s9+$0x0], $0xffff;
	[tilespmem:s24+$0xFFFFF980] =	vst v24;
	v24 =	vadd.s32 s4, v8  }
.LBB2_6:
0x335: {  	p0 =	slt.u32 s2, $0x30;
	v27 =	vld.idx.msk [tilespmem:v27+s9+$0x0], $0xffff;
	s3 =	sadd.s32 $0x9, s22;
	v29 =	vadd.s32 s5, v8;
	[tilespmem:s24+$0xFFFFFB00] =	vst v10  }
0x336: {  	s7 =	sadd.s32 $0xA, s22;
	v10 =	vld.idx.msk [tilespmem:v28+s9+$0x0], $0xffff;
	v28 =	vadd.s32 s3, v8;
	[tilespmem:s24+$0xFFFFFB80] =	vst v11  }
0x337: {  	s15 =	sadd.s32 $0xB, s22;
	v11 =	vld.idx.msk [tilespmem:v26+s9+$0x0], $0xffff;
	v26 =	vadd.s32 s7, v8;
	[tilespmem:s24+$0xFFFFFC00] =	vst v12  }
0x338: {  	s16 =	sadd.s32 $0xC, s22;
	v12 =	vld.idx.msk [tilespmem:v25+s9+$0x0], $0xffff;
	v25 =	vadd.s32 s15, v8;
	[tilespmem:s24+$0xFFFFFC80] =	vst v13  }
0x339: {  	s1 =	sadd.s32 $0xD, s22;
	v13 =	vld.idx.msk [tilespmem:v24+s9+$0x0], $0xffff;
	v24 =	vadd.s32 s16, v8;
	[tilespmem:s24+$0xFFFFFD00] =	vst v14  }
0x33a: {  	s17 =	sadd.s32 $0xE, s22;
	v14 =	vadd.s32 s1, v8;
	v29 =	vld.idx.msk [tilespmem:v29+s9+$0x0], $0xffff;
	[tilespmem:s24+$0xFFFFFD80] =	vst v15  }
0x33b: {  	v15 =	vld.idx.msk [tilespmem:v28+s9+$0x0], $0xffff;
	v28 =	vadd.s32 s17, v8;
	[tilespmem:s24+$0xFFFFFE00] =	vst v16  }
0x33c: {  	v16 =	vld.idx.msk [tilespmem:v26+s9+$0x0], $0xffff;
	v26 =	vadd.s32 s5, v7;
	[tilespmem:s24+$0xFFFFFE80] =	vst v19  }
0x33d: {  	v19 =	vadd.s32 s25, v7;
	v25 =	vld.idx.msk [tilespmem:v25+s9+$0x0], $0xffff;
	[tilespmem:s24+$0xFFFFFF00] =	vst v21  }
0x33e: {  	v21 =	vadd.s32 s26, v7;
	v24 =	vld.idx.msk [tilespmem:v24+s9+$0x0], $0xffff;
	[tilespmem:s24+$0xFFFFFF80] =	vst v23  }
0x33f: {  	v23 =	vadd.s32 s28, v7;
	v14 =	vld.idx.msk [tilespmem:v14+s9+$0x0], $0xffff;
	[tilespmem:s24+$0xFFFFF880] =	vst v22;
	s24 =	sadd.s32 $0x800, s24  }
0x340: {  	v22 =	vadd.s32 s30, v7;
	v28 =	vld.idx.msk [tilespmem:v28+s9+$0x0], $0xffff;
	[tilespmem:s24+$0xFFFFFF90] =	vst v29  }
0x341: {  	[tilespmem:s24+$0xFFFFF890] =	vst v17;
	v17 =	vadd.s32 s31, v7;
	v26 =	vld.idx.msk [tilespmem:v26+s9+$0x0], $0xffff  }
0x342: {  	v19 =	vld.idx.msk [tilespmem:v19+s9+$0x0], $0xffff;
	[tilespmem:s24+$0xFFFFF910] =	vst v18;
	v18 =	vadd.s32 s29, v7  }
0x343: {  	v21 =	vld.idx.msk [tilespmem:v21+s9+$0x0], $0xffff;
	[tilespmem:s24+$0xFFFFF990] =	vst v20;
	v20 =	vadd.s32 s5, v6  }
0x344: {  	v23 =	vld.idx.msk [tilespmem:v23+s9+$0x0], $0xffff;
	[tilespmem:s24+$0xFFFFFA10] =	vst v27;
	v27 =	vadd.s32 s0, v7  }
0x345: {  	v22 =	vld.idx.msk [tilespmem:v22+s9+$0x0], $0xffff;
	[tilespmem:s24+$0xFFFFFA90] =	vst v10;
	v10 =	vadd.s32 s4, v7  }
0x346: {  	v17 =	vld.idx.msk [tilespmem:v17+s9+$0x0], $0xffff;
	[tilespmem:s24+$0xFFFFFB10] =	vst v11;
	v11 =	vadd.s32 s3, v7  }
0x347: {  	v29 =	vadd.s32 s7, v7;
	v18 =	vld.idx.msk [tilespmem:v18+s9+$0x0], $0xffff;
	[tilespmem:s24+$0xFFFFFFA0] =	vst v26  }
0x348: {  	[tilespmem:s24+$0xFFFFFB90] =	vst v12;
	v12 =	vadd.s32 s15, v7;
	v20 =	vld.idx.msk [tilespmem:v20+s9+$0x0], $0xffff  }
0x349: {  	v26 =	vld.idx.msk [tilespmem:v27+s9+$0x0], $0xffff;
	[tilespmem:s24+$0xFFFFFC10] =	vst v13;
	v13 =	vadd.s32 s16, v7  }
0x34a: {  	v10 =	vld.idx.msk [tilespmem:v10+s9+$0x0], $0xffff;
	[tilespmem:s24+$0xFFFFFC90] =	vst v15;
	v15 =	vadd.s32 s5, v5  }
0x34b: {  	v11 =	vld.idx.msk [tilespmem:v11+s9+$0x0], $0xffff;
	[tilespmem:s24+$0xFFFFFD10] =	vst v16;
	v16 =	vadd.s32 s1, v7  }
0x34c: {  	v27 =	vld.idx.msk [tilespmem:v29+s9+$0x0], $0xffff;
	[tilespmem:s24+$0xFFFFFD90] =	vst v25;
	v25 =	vadd.s32 s17, v7  }
0x34d: {  	v29 =	vadd.s32 s22, v7;
	v12 =	vld.idx.msk [tilespmem:v12+s9+$0x0], $0xffff;
	[tilespmem:s24+$0xFFFFFE10] =	vst v24  }
0x34e: {  	v24 =	vadd.s32 s25, v6;
	v13 =	vld.idx.msk [tilespmem:v13+s9+$0x0], $0xffff;
	[tilespmem:s24+$0xFFFFFFB0] =	vst v20  }
0x34f: {  	v20 =	vadd.s32 s26, v6;
	[tilespmem:s24+$0xFFFFFE90] =	vst v14;
	v14 =	vld.idx.msk [tilespmem:v15+s9+$0x0], $0xffff  }
0x350: {  	v15 =	vadd.s32 s28, v6;
	v16 =	vld.idx.msk [tilespmem:v16+s9+$0x0], $0xffff;
	[tilespmem:s24+$0xFFFFFF10] =	vst v28  }
0x351: {  	[tilespmem:s24+$0xFFFFF810] =	vst v9;
	v9 =	vld.idx.msk [tilespmem:v25+s9+$0x0], $0xffff;
	v25 =	vadd.s32 s5, v4  }
0x352: {  	v28 =	vld.idx.msk [tilespmem:v29+s9+$0x0], $0xffff;
	[tilespmem:s24+$0xFFFFF8A0] =	vst v19;
	v19 =	vadd.s32 s30, v6  }
0x353: {  	v24 =	vld.idx.msk [tilespmem:v24+s9+$0x0], $0xffff;
	[tilespmem:s24+$0xFFFFF920] =	vst v21;
	v21 =	vadd.s32 s31, v6  }
0x354: {  	v20 =	vld.idx.msk [tilespmem:v20+s9+$0x0], $0xffff;
	[tilespmem:s24+$0xFFFFF9A0] =	vst v23;
	v23 =	vadd.s32 s29, v6  }
0x355: {  	v29 =	vadd.s32 s0, v6;
	v15 =	vld.idx.msk [tilespmem:v15+s9+$0x0], $0xffff;
	[tilespmem:s24+$0xFFFFFFC0] =	vst v14  }
0x356: {  	v14 =	vadd.s32 s4, v6;
	[tilespmem:s24+$0xFFFFFA20] =	vst v22;
	v22 =	vld.idx.msk [tilespmem:v25+s9+$0x0], $0xffff  }
0x357: {  	v19 =	vld.idx.msk [tilespmem:v19+s9+$0x0], $0xffff;
	[tilespmem:s24+$0xFFFFFAA0] =	vst v17;
	v17 =	vadd.s32 s3, v6  }
0x358: {  	v21 =	vld.idx.msk [tilespmem:v21+s9+$0x0], $0xffff;
	[tilespmem:s24+$0xFFFFFB20] =	vst v18;
	v18 =	vadd.s32 s5, v3  }
0x359: {  	v25 =	vadd.s32 s7, v6;
	v23 =	vld.idx.msk [tilespmem:v23+s9+$0x0], $0xffff;
	[tilespmem:s24+$0xFFFFFBA0] =	vst v26  }
0x35a: {  	v26 =	vld.idx.msk [tilespmem:v29+s9+$0x0], $0xffff;
	[tilespmem:s24+$0xFFFFFC20] =	vst v10;
	v10 =	vadd.s32 s15, v6  }
0x35b: {  	v14 =	vld.idx.msk [tilespmem:v14+s9+$0x0], $0xffff;
	[tilespmem:s24+$0xFFFFFCA0] =	vst v11;
	v11 =	vadd.s32 s16, v6  }
0x35c: {  	v29 =	vadd.s32 s1, v6;
	v17 =	vld.idx.msk [tilespmem:v17+s9+$0x0], $0xffff;
	[tilespmem:s24+$0xFFFFFFD0] =	vst v22  }
0x35d: {  	v22 =	vadd.s32 s17, v6;
	[tilespmem:s24+$0xFFFFFD20] =	vst v27;
	v18 =	vld.idx.msk [tilespmem:v18+s9+$0x0], $0xffff  }
0x35e: {  	v27 =	vadd.s32 s22, v6;
	v25 =	vld.idx.msk [tilespmem:v25+s9+$0x0], $0xffff;
	[tilespmem:s24+$0xFFFFFDA0] =	vst v12  }
0x35f: {  	v12 =	vadd.s32 s5, v2;
	v10 =	vld.idx.msk [tilespmem:v10+s9+$0x0], $0xffff;
	[tilespmem:s24+$0xFFFFFE20] =	vst v13  }
0x360: {  	v13 =	vadd.s32 s25, v5;
	v11 =	vld.idx.msk [tilespmem:v11+s9+$0x0], $0xffff;
	[tilespmem:s24+$0xFFFFFEA0] =	vst v16  }
0x361: {  	v16 =	vadd.s32 s26, v5;
	v29 =	vld.idx.msk [tilespmem:v29+s9+$0x0], $0xffff;
	[tilespmem:s24+$0xFFFFFF20] =	vst v9  }
0x362: {  	v9 =	vadd.s32 s28, v5;
	[tilespmem:s24+$0xFFFFF820] =	vst v28;
	v22 =	vld.idx.msk [tilespmem:v22+s9+$0x0], $0xffff  }
0x363: {  	v28 =	vadd.s32 s30, v5;
	v27 =	vld.idx.msk [tilespmem:v27+s9+$0x0], $0xffff;
	[tilespmem:s24+$0xFFFFFFE0] =	vst v18  }
0x364: {  	v18 =	vadd.s32 s31, v5;
	[tilespmem:s24+$0xFFFFF8B0] =	vst v24;
	v12 =	vld.idx.msk [tilespmem:v12+s9+$0x0], $0xffff  }
0x365: {  	v13 =	vld.idx.msk [tilespmem:v13+s9+$0x0], $0xffff;
	[tilespmem:s24+$0xFFFFF930] =	vst v20;
	v20 =	vadd.s32 s29, v5  }
0x366: {  	v16 =	vld.idx.msk [tilespmem:v16+s9+$0x0], $0xffff;
	[tilespmem:s24+$0xFFFFF9B0] =	vst v15;
	v15 =	vadd.s32 s5, v1  }
0x367: {  	v24 =	vld.idx.msk [tilespmem:v9+s9+$0x0], $0xffff;
	[tilespmem:s24+$0xFFFFFA30] =	vst v19;
	v9 =	vadd.s32 s0, v5  }
0x368: {  	v19 =	vld.idx.msk [tilespmem:v28+s9+$0x0], $0xffff;
	[tilespmem:s24+$0xFFFFFAB0] =	vst v21;
	v21 =	vadd.s32 s4, v5  }
0x369: {  	v18 =	vld.idx.msk [tilespmem:v18+s9+$0x0], $0xffff;
	[tilespmem:s24+$0xFFFFFB30] =	vst v23;
	v23 =	vadd.s32 s3, v5  }
0x36a: {  	v28 =	vadd.s32 s7, v5;
	v20 =	vld.idx.msk [tilespmem:v20+s9+$0x0], $0xffff;
	[tilespmem:s24+$0xFFFFFFF0] =	vst v12  }
0x36b: {  	v12 =	vadd.s32 s15, v5;
	[tilespmem:s24+$0xFFFFFBB0] =	vst v26;
	v15 =	vld.idx.msk [tilespmem:v15+s9+$0x0], $0xffff  }
0x36c: {  	v26 =	vld.idx.msk [tilespmem:v9+s9+$0x0], $0xffff;
	[tilespmem:s24+$0xFFFFFC30] =	vst v14;
	v9 =	vadd.s32 s16, v5  }
0x36d: {  	v14 =	vadd.s32 s2, v8;
	v21 =	vld.idx.msk [tilespmem:v21+s9+$0x0], $0xffff;
	[tilespmem:s24+$0xFFFFFCB0] =	vst v17  }
0x36e: {  	v17 =	vld.idx.msk [tilespmem:v23+s9+$0x0], $0xffff;
	[tilespmem:s24+$0xFFFFFD30] =	vst v25;
	v23 =	vadd.s32 s1, v5  }
0x36f: {  	v25 =	vld.idx.msk [tilespmem:v28+s9+$0x0], $0xffff;
	[tilespmem:s24+$0xFFFFFDB0] =	vst v10;
	v10 =	vadd.s32 s17, v5  }
0x370: {  	v28 =	vadd.s32 s22, v5;
	v12 =	vld.idx.msk [tilespmem:v12+s9+$0x0], $0xffff;
	[tilespmem:s24+$0xFFFFFE30] =	vst v11  }
0x371: {  	v11 =	vadd.s32 s25, v4;
	v30 =	vld.idx.msk [tilespmem:v9+s9+$0x0], $0xffff;
	[tilespmem:s24+$0x0] =	vst v15  }
0x372: {  	v9 =	vld.idx.msk [tilespmem:v14+s9+$0x0], $0xffff;
	v14 =	vadd.s32 s26, v4;
	[tilespmem:s24+$0xFFFFFEB0] =	vst v29  }
0x373: {  	v15 =	vadd.s32 s28, v4;
	v23 =	vld.idx.msk [tilespmem:v23+s9+$0x0], $0xffff;
	[tilespmem:s24+$0xFFFFFF30] =	vst v22  }
0x374: {  	v22 =	vadd.s32 s30, v4;
	[tilespmem:s24+$0xFFFFF830] =	vst v27;
	v10 =	vld.idx.msk [tilespmem:v10+s9+$0x0], $0xffff  }
0x375: {  	v27 =	vld.idx.msk [tilespmem:v28+s9+$0x0], $0xffff;
	[tilespmem:s24+$0xFFFFF8C0] =	vst v13;
	v13 =	vadd.s32 s31, v4  }
0x376: {  	v11 =	vld.idx.msk [tilespmem:v11+s9+$0x0], $0xffff;
	[tilespmem:s24+$0xFFFFF940] =	vst v16;
	v16 =	vadd.s32 s29, v4  }
0x377: {  	v14 =	vld.idx.msk [tilespmem:v14+s9+$0x0], $0xffff;
	[tilespmem:s24+$0xFFFFF9C0] =	vst v24;
	v24 =	vadd.s32 s0, v4  }
0x378: {  	v15 =	vld.idx.msk [tilespmem:v15+s9+$0x0], $0xffff;
	[tilespmem:s24+$0xFFFFFA40] =	vst v19;
	v19 =	vadd.s32 s4, v4  }
0x379: {  	v22 =	vld.idx.msk [tilespmem:v22+s9+$0x0], $0xffff;
	[tilespmem:s24+$0xFFFFFAC0] =	vst v18;
	v18 =	vadd.s32 s3, v4  }
0x37a: {  	v13 =	vld.idx.msk [tilespmem:v13+s9+$0x0], $0xffff;
	[tilespmem:s24+$0xFFFFFB40] =	vst v20;
	v20 =	vadd.s32 s7, v4  }
0x37b: {  	v16 =	vld.idx.msk [tilespmem:v16+s9+$0x0], $0xffff;
	[tilespmem:s24+$0xFFFFFBC0] =	vst v26;
	v26 =	vadd.s32 s15, v4  }
0x37c: {  	v24 =	vld.idx.msk [tilespmem:v24+s9+$0x0], $0xffff;
	[tilespmem:s24+$0xFFFFFC40] =	vst v21;
	v21 =	vadd.s32 s16, v4  }
0x37d: {  	v19 =	vld.idx.msk [tilespmem:v19+s9+$0x0], $0xffff;
	[tilespmem:s24+$0xFFFFFCC0] =	vst v17;
	v17 =	vadd.s32 s1, v4  }
0x37e: {  	v18 =	vld.idx.msk [tilespmem:v18+s9+$0x0], $0xffff;
	[tilespmem:s24+$0xFFFFFD40] =	vst v25;
	v25 =	vadd.s32 s17, v4  }
0x37f: {  	v28 =	vadd.s32 s22, v4;
	v20 =	vld.idx.msk [tilespmem:v20+s9+$0x0], $0xffff;
	[tilespmem:s24+$0xFFFFFDC0] =	vst v12  }
0x380: {  	v12 =	vadd.s32 s25, v3;
	v26 =	vld.idx.msk [tilespmem:v26+s9+$0x0], $0xffff;
	[tilespmem:s24+$0xFFFFFE40] =	vst v30  }
0x381: {  	v29 =	vadd.s32 s26, v3;
	v21 =	vld.idx.msk [tilespmem:v21+s9+$0x0], $0xffff;
	[tilespmem:s24+$0xFFFFFEC0] =	vst v23  }
0x382: {  	v23 =	vadd.s32 s28, v3;
	v17 =	vld.idx.msk [tilespmem:v17+s9+$0x0], $0xffff;
	[tilespmem:s24+$0xFFFFFF40] =	vst v10  }
0x383: {  	v10 =	vadd.s32 s30, v3;
	[tilespmem:s24+$0xFFFFF840] =	vst v27;
	v25 =	vld.idx.msk [tilespmem:v25+s9+$0x0], $0xffff  }
0x384: {  	v27 =	vld.idx.msk [tilespmem:v28+s9+$0x0], $0xffff;
	[tilespmem:s24+$0xFFFFF8D0] =	vst v11;
	v11 =	vadd.s32 s31, v3  }
0x385: {  	v12 =	vld.idx.msk [tilespmem:v12+s9+$0x0], $0xffff;
	[tilespmem:s24+$0xFFFFF950] =	vst v14;
	v14 =	vadd.s32 s29, v3  }
0x386: {  	v28 =	vld.idx.msk [tilespmem:v29+s9+$0x0], $0xffff;
	[tilespmem:s24+$0xFFFFF9D0] =	vst v15;
	v15 =	vadd.s32 s0, v3  }
0x387: {  	v23 =	vld.idx.msk [tilespmem:v23+s9+$0x0], $0xffff;
	[tilespmem:s24+$0xFFFFFA50] =	vst v22;
	v22 =	vadd.s32 s4, v3  }
0x388: {  	v10 =	vld.idx.msk [tilespmem:v10+s9+$0x0], $0xffff;
	[tilespmem:s24+$0xFFFFFAD0] =	vst v13;
	v13 =	vadd.s32 s3, v3  }
0x389: {  	v11 =	vld.idx.msk [tilespmem:v11+s9+$0x0], $0xffff;
	[tilespmem:s24+$0xFFFFFB50] =	vst v16;
	v16 =	vadd.s32 s7, v3  }
0x38a: {  	v14 =	vld.idx.msk [tilespmem:v14+s9+$0x0], $0xffff;
	[tilespmem:s24+$0xFFFFFBD0] =	vst v24;
	v24 =	vadd.s32 s15, v3  }
0x38b: {  	v15 =	vld.idx.msk [tilespmem:v15+s9+$0x0], $0xffff;
	[tilespmem:s24+$0xFFFFFC50] =	vst v19;
	v19 =	vadd.s32 s16, v3  }
0x38c: {  	v22 =	vld.idx.msk [tilespmem:v22+s9+$0x0], $0xffff;
	[tilespmem:s24+$0xFFFFFCD0] =	vst v18;
	v18 =	vadd.s32 s1, v3  }
0x38d: {  	v13 =	vld.idx.msk [tilespmem:v13+s9+$0x0], $0xffff;
	[tilespmem:s24+$0xFFFFFD50] =	vst v20;
	v20 =	vadd.s32 s17, v3  }
0x38e: {  	v29 =	vadd.s32 s22, v3;
	v16 =	vld.idx.msk [tilespmem:v16+s9+$0x0], $0xffff;
	[tilespmem:s24+$0xFFFFFDD0] =	vst v26  }
0x38f: {  	v26 =	vadd.s32 s25, v2;
	v24 =	vld.idx.msk [tilespmem:v24+s9+$0x0], $0xffff;
	[tilespmem:s24+$0xFFFFFE50] =	vst v21  }
0x390: {  	v21 =	vadd.s32 s26, v2;
	v19 =	vld.idx.msk [tilespmem:v19+s9+$0x0], $0xffff;
	[tilespmem:s24+$0xFFFFFED0] =	vst v17  }
0x391: {  	v17 =	vadd.s32 s28, v2;
	v18 =	vld.idx.msk [tilespmem:v18+s9+$0x0], $0xffff;
	[tilespmem:s24+$0xFFFFFF50] =	vst v25  }
0x392: {  	v25 =	vadd.s32 s30, v2;
	[tilespmem:s24+$0xFFFFF850] =	vst v27;
	v20 =	vld.idx.msk [tilespmem:v20+s9+$0x0], $0xffff  }
0x393: {  	v27 =	vld.idx.msk [tilespmem:v29+s9+$0x0], $0xffff;
	[tilespmem:s24+$0xFFFFF8E0] =	vst v12;
	v12 =	vadd.s32 s31, v2  }
0x394: {  	v26 =	vld.idx.msk [tilespmem:v26+s9+$0x0], $0xffff;
	[tilespmem:s24+$0xFFFFF960] =	vst v28;
	v28 =	vadd.s32 s29, v2  }
0x395: {  	v21 =	vld.idx.msk [tilespmem:v21+s9+$0x0], $0xffff;
	[tilespmem:s24+$0xFFFFF9E0] =	vst v23;
	v23 =	vadd.s32 s0, v2  }
0x396: {  	v17 =	vld.idx.msk [tilespmem:v17+s9+$0x0], $0xffff;
	[tilespmem:s24+$0xFFFFFA60] =	vst v10;
	v10 =	vadd.s32 s4, v2  }
0x397: {  	v25 =	vld.idx.msk [tilespmem:v25+s9+$0x0], $0xffff;
	[tilespmem:s24+$0xFFFFFAE0] =	vst v11;
	v11 =	vadd.s32 s3, v2  }
0x398: {  	v12 =	vld.idx.msk [tilespmem:v12+s9+$0x0], $0xffff;
	[tilespmem:s24+$0xFFFFFB60] =	vst v14;
	v14 =	vadd.s32 s7, v2  }
0x399: {  	v28 =	vld.idx.msk [tilespmem:v28+s9+$0x0], $0xffff;
	[tilespmem:s24+$0xFFFFFBE0] =	vst v15;
	v15 =	vadd.s32 s15, v2  }
0x39a: {  	v23 =	vld.idx.msk [tilespmem:v23+s9+$0x0], $0xffff;
	[tilespmem:s24+$0xFFFFFC60] =	vst v22;
	v22 =	vadd.s32 s16, v2  }
0x39b: {  	v29 =	vld.idx.msk [tilespmem:v10+s9+$0x0], $0xffff;
	[tilespmem:s24+$0xFFFFFCE0] =	vst v13;
	v10 =	vadd.s32 s1, v2  }
0x39c: {  	v30 =	vld.idx.msk [tilespmem:v11+s9+$0x0], $0xffff;
	[tilespmem:s24+$0xFFFFFD60] =	vst v16;
	v11 =	vadd.s32 s17, v2  }
0x39d: {  	v13 =	vadd.s32 s22, v2;
	v16 =	vld.idx.msk [tilespmem:v14+s9+$0x0], $0xffff;
	[tilespmem:s24+$0xFFFFFDE0] =	vst v24  }
0x39e: {  	v14 =	vadd.s32 s25, v1;
	v24 =	vld.idx.msk [tilespmem:v15+s9+$0x0], $0xffff;
	[tilespmem:s24+$0xFFFFFE60] =	vst v19  }
0x39f: {  	v15 =	vadd.s32 s26, v1;
	v19 =	vld.idx.msk [tilespmem:v22+s9+$0x0], $0xffff;
	[tilespmem:s24+$0xFFFFFEE0] =	vst v18  }
0x3a0: {  	v18 =	vadd.s32 s28, v1;
	v22 =	vld.idx.msk [tilespmem:v10+s9+$0x0], $0xffff;
	[tilespmem:s24+$0xFFFFFF60] =	vst v20  }
0x3a1: {  	v10 =	vadd.s32 s30, v1;
	[tilespmem:s24+$0xFFFFF860] =	vst v27;
	v20 =	vld.idx.msk [tilespmem:v11+s9+$0x0], $0xffff  }
0x3a2: {  	v11 =	vadd.s32 s31, v1;
	v31 =	vld.idx.msk [tilespmem:v13+s9+$0x0], $0xffff;
	[tilespmem:s24+$0xFFFFF8F0] =	vst v26  }
0x3a3: {  	v13 =	vadd.s32 s29, v1;
	v26 =	vld.idx.msk [tilespmem:v14+s9+$0x0], $0xffff;
	[tilespmem:s24+$0xFFFFF970] =	vst v21  }
0x3a4: {  	v14 =	vadd.s32 s0, v1;
	v32 =	vld.idx.msk [tilespmem:v15+s9+$0x0], $0xffff;
	[tilespmem:s24+$0xFFFFF9F0] =	vst v17  }
0x3a5: {  	v15 =	vadd.s32 s4, v1;
	v33 =	vld.idx.msk [tilespmem:v18+s9+$0x0], $0xffff;
	[tilespmem:s24+$0xFFFFFA70] =	vst v25  }
0x3a6: {  	v17 =	vadd.s32 s3, v1;
	v34 =	vld.idx.msk [tilespmem:v10+s9+$0x0], $0xffff;
	[tilespmem:s24+$0xFFFFFAF0] =	vst v12  }
0x3a7: {  	v18 =	vadd.s32 s7, v1;
	v10 =	vld.idx.msk [tilespmem:v11+s9+$0x0], $0xffff;
	[tilespmem:s24+$0xFFFFFB70] =	vst v28  }
0x3a8: {  	v21 =	vadd.s32 s15, v1;
	v11 =	vld.idx.msk [tilespmem:v13+s9+$0x0], $0xffff;
	[tilespmem:s24+$0xFFFFFBF0] =	vst v23  }
0x3a9: {  	v23 =	vadd.s32 s16, v1;
	v12 =	vld.idx.msk [tilespmem:v14+s9+$0x0], $0xffff;
	[tilespmem:s24+$0xFFFFFC70] =	vst v29  }
0x3aa: {  	v25 =	vadd.s32 s1, v1;
	v13 =	vld.idx.msk [tilespmem:v15+s9+$0x0], $0xffff;
	[tilespmem:s24+$0xFFFFFCF0] =	vst v30  }
0x3ab: {  	v14 =	vld.idx.msk [tilespmem:v17+s9+$0x0], $0xffff;
	[tilespmem:s24+$0xFFFFFD70] =	vst v16;
	v17 =	vadd.s32 s17, v1  }
0x3ac: {  	s25 =	sadd.s32 $0x1, s2;
	v29 =	vadd.s32 s22, v1;
	s22 =	smov.u32 s2;
	v15 =	vld.idx.msk [tilespmem:v18+s9+$0x0], $0xffff;
	[tilespmem:s24+$0xFFFFFDF0] =	vst v24  }
0x3ad: {  	s26 =	sadd.s32 $0x2, s2;
	v18 =	vadd.s32 s25, v8;
	v16 =	vld.idx.msk [tilespmem:v21+s9+$0x0], $0xffff;
	[tilespmem:s24+$0xFFFFFE70] =	vst v19  }
0x3ae: {  	s28 =	sadd.s32 $0x3, s2;
	v24 =	vadd.s32 s26, v8;
	v19 =	vld.idx.msk [tilespmem:v23+s9+$0x0], $0xffff;
	[tilespmem:s24+$0xFFFFFEF0] =	vst v22  }
0x3af: {  	s30 =	sadd.s32 $0x4, s2;
	v30 =	vadd.s32 s28, v8;
	v21 =	vld.idx.msk [tilespmem:v25+s9+$0x0], $0xffff;
	[tilespmem:s24+$0xFFFFFF70] =	vst v20  }
.Ltmp1:
0x3b0: {  	v27 =	vadd.s32 s30, v8;
	s31 =	sadd.s32 $0x5, s2;
	[tilespmem:s24+$0xFFFFF870] =	vst v31;
	v23 =	vld.idx.msk [tilespmem:v17+s9+$0x0], $0xffff;
	(pc) =	sbr.rel @p0 .LBB2_6-.Ltmp1, $4  }
0x3b1: {  	s29 =	sadd.s32 $0x6, s2;
	v28 =	vadd.s32 s31, v8;
	v22 =	vld.idx.msk [tilespmem:v29+s9+$0x0], $0xffff;
	[tilespmem:s24+$0xFFFFF900] =	vst v26  }
0x3b2: {  	s0 =	sadd.s32 $0x7, s2;
	v26 =	vadd.s32 s29, v8;
	v17 =	vld.idx.msk [tilespmem:v18+s9+$0x0], $0xffff;
	[tilespmem:s24+$0xFFFFF980] =	vst v32  }
0x3b3: {  	s4 =	sadd.s32 $0x8, s2;
	v25 =	vadd.s32 s0, v8;
	v18 =	vld.idx.msk [tilespmem:v24+s9+$0x0], $0xffff;
	[tilespmem:s24+$0xFFFFFA00] =	vst v33  }
0x3b4: {  	s2 =	sadd.s32 $0x10, s2;
	s5 =	sadd.s32 $0xF, s22;
	v24 =	vadd.s32 s4, v8;
	v20 =	vld.idx.msk [tilespmem:v30+s9+$0x0], $0xffff;
	[tilespmem:s24+$0xFFFFFA80] =	vst v34  }
0x3b5: {  	[tilespmem:s24+$0xFFFFFB00] =	vst v10  }
0x3b6: {  	[tilespmem:s24+$0xFFFFFB80] =	vst v11  }
0x3b7: {  	[tilespmem:s24+$0xFFFFFC00] =	vst v12  }
0x3b8: {  	[tilespmem:s24+$0xFFFFFC80] =	vst v13  }
0x3b9: {  	[tilespmem:s24+$0xFFFFFD00] =	vst v14  }
0x3ba: {  	[tilespmem:s24+$0xFFFFFD80] =	vst v15  }
0x3bb: {  	[tilespmem:s24+$0xFFFFFE00] =	vst v16  }
0x3bc: {  	[tilespmem:s24+$0xFFFFFE80] =	vst v19  }
0x3bd: {  	v33 =	vadd.s32 s5, v8;
	[tilespmem:s24+$0xFFFFFF00] =	vst v21;
	v35 =	vld.idx.msk [tilespmem:v27+s9+$0x0], $0xffff  }
0x3be: {  	[tilespmem:s24+$0xFFFFFF80] =	vst v23;
	v13 =	vld.idx.msk [tilespmem:v28+s9+$0x0], $0xffff  }
0x3bf: {  	s2 =	sadd.s32 $0x9, s22;
	s1 =	sadd.s32 $0x800, s24;
	v28 =	vld.idx.msk [tilespmem:v26+s9+$0x0], $0xffff;
	v26 =	vadd.s32 s26, v7;
	[tilespmem:s24+$0xFFFFF880] =	vst v22  }
0x3c0: {  	s3 =	sadd.s32 $0xA, s22;
	v27 =	vadd.s32 s2, v8;
	[tilespmem:s1+$0xFFFFF810] =	vst v9  }
0x3c1: {  	s7 =	sadd.s32 $0xB, s22;
	v31 =	vld.idx.msk [tilespmem:v25+s9+$0x0], $0xffff;
	v29 =	vadd.s32 s3, v8;
	[tilespmem:s1+$0xFFFFF890] =	vst v17  }
0x3c2: {  	s15 =	sadd.s32 $0xC, s22;
	v30 =	vadd.s32 s7, v8;
	[tilespmem:s1+$0xFFFFF910] =	vst v18;
	v10 =	vld.idx.msk [tilespmem:v33+s9+$0x0], $0xffff  }
0x3c3: {  	s17 =	sadd.s32 $0xE, s22;
	v32 =	vadd.s32 s15, v8;
	[tilespmem:s1+$0xFFFFF990] =	vst v20;
	v33 =	vld.idx.msk [tilespmem:v24+s9+$0x0], $0xffff  }
0x3c4: {  	s16 =	sadd.s32 $0xD, s22;
	v21 =	vadd.s32 s17, v8;
	[tilespmem:s1+$0xFFFFFA10] =	vst v35;
	v16 =	vld.idx.msk [tilespmem:v26+s9+$0x0], $0xffff  }
0x3c5: {  	v35 =	vadd.s32 s16, v8;
	[tilespmem:s1+$0xFFFFFA90] =	vst v13;
	v14 =	vld.idx.msk [tilespmem:v27+s9+$0x0], $0xffff  }
0x3c6: {  	[tilespmem:s1+$0xFFFFFB10] =	vst v28;
	v28 =	vadd.s32 s28, v7;
	v22 =	vld.idx.msk [tilespmem:v29+s9+$0x0], $0xffff  }
0x3c7: {  	v34 =	vadd.s32 s5, v7;
	[tilespmem:s1+$0xFFFFFB90] =	vst v31;
	v23 =	vld.idx.msk [tilespmem:v30+s9+$0x0], $0xffff  }
0x3c8: {  	v25 =	vld.idx.msk [tilespmem:v32+s9+$0x0], $0xffff;
	v30 =	vadd.s32 s30, v7;
	[tilespmem:s1+$0xFFFFFF90] =	vst v10  }
0x3c9: {  	v31 =	vadd.s32 s31, v7;
	v8 =	vld.idx.msk [tilespmem:v21+s9+$0x0], $0xffff;
	[tilespmem:s1+$0xFFFFFC10] =	vst v33  }
0x3ca: {  	v32 =	vadd.s32 s29, v7;
	v12 =	vld.idx.msk [tilespmem:v35+s9+$0x0], $0xffff;
	[tilespmem:s1+$0xFFFFF920] =	vst v16  }
0x3cb: {  	v26 =	vadd.s32 s3, v7;
	v33 =	vld.idx.msk [tilespmem:v28+s9+$0x0], $0xffff;
	[tilespmem:s1+$0xFFFFFC90] =	vst v14  }
0x3cc: {  	v35 =	vadd.s32 s4, v7;
	v11 =	vld.idx.msk [tilespmem:v34+s9+$0x0], $0xffff;
	[tilespmem:s1+$0xFFFFFD10] =	vst v22  }
0x3cd: {  	v28 =	vadd.s32 s15, v7;
	[tilespmem:s1+$0xFFFFFD90] =	vst v23;
	v21 =	vld.idx.msk [tilespmem:v30+s9+$0x0], $0xffff  }
0x3ce: {  	[tilespmem:s1+$0xFFFFFE10] =	vst v25;
	v22 =	vadd.s32 s2, v7;
	v23 =	vld.idx.msk [tilespmem:v31+s9+$0x0], $0xffff  }
0x3cf: {  	v24 =	vadd.s32 s25, v7;
	[tilespmem:s1+$0xFFFFFF10] =	vst v8;
	v25 =	vld.idx.msk [tilespmem:v32+s9+$0x0], $0xffff  }
0x3d0: {  	v34 =	vadd.s32 s5, v6;
	v31 =	vld.idx.msk [tilespmem:v26+s9+$0x0], $0xffff;
	[tilespmem:s1+$0xFFFFFE90] =	vst v12  }
0x3d1: {  	v30 =	vadd.s32 s17, v7;
	[tilespmem:s1+$0xFFFFF9A0] =	vst v33;
	v12 =	vld.idx.msk [tilespmem:v35+s9+$0x0], $0xffff  }
0x3d2: {  	v20 =	vadd.s32 s26, v6;
	v17 =	vld.idx.msk [tilespmem:v28+s9+$0x0], $0xffff;
	[tilespmem:s1+$0xFFFFFFA0] =	vst v11  }
0x3d3: {  	v13 =	vld.idx.msk [tilespmem:v22+s9+$0x0], $0xffff;
	[tilespmem:s1+$0xFFFFFA20] =	vst v21;
	v21 =	vadd.s32 s28, v6  }
0x3d4: {  	v11 =	vld.idx.msk [tilespmem:v24+s9+$0x0], $0xffff;
	[tilespmem:s1+$0xFFFFFAA0] =	vst v23;
	v23 =	vadd.s32 s31, v6  }
0x3d5: {  	[tilespmem:s1+$0xFFFFFB20] =	vst v25;
	v25 =	vadd.s32 s29, v6;
	v27 =	vld.idx.msk [tilespmem:v34+s9+$0x0], $0xffff  }
0x3d6: {  	v28 =	vadd.s32 s4, v6;
	v8 =	vld.idx.msk [tilespmem:v30+s9+$0x0], $0xffff;
	[tilespmem:s1+$0xFFFFFD20] =	vst v31  }
0x3d7: {  	v29 =	vadd.s32 s5, v5;
	[tilespmem:s1+$0xFFFFFC20] =	vst v12;
	v12 =	vld.idx.msk [tilespmem:v20+s9+$0x0], $0xffff  }
0x3d8: {  	v34 =	vadd.s32 s0, v7;
	[tilespmem:s1+$0xFFFFFCA0] =	vst v13;
	v13 =	vld.idx.msk [tilespmem:v21+s9+$0x0], $0xffff  }
0x3d9: {  	v31 =	vadd.s32 s3, v6;
	[tilespmem:s1+$0xFFFFFE20] =	vst v17;
	v9 =	vld.idx.msk [tilespmem:v23+s9+$0x0], $0xffff  }
0x3da: {  	v30 =	vld.idx.msk [tilespmem:v25+s9+$0x0], $0xffff;
	[tilespmem:s1+$0xFFFFFFB0] =	vst v27;
	v27 =	vadd.s32 s7, v7  }
0x3db: {  	v32 =	vadd.s32 s22, v7;
	[tilespmem:s1+$0xFFFFFF20] =	vst v8;
	v8 =	vld.idx.msk [tilespmem:v28+s9+$0x0], $0xffff  }
0x3dc: {  	[tilespmem:s1+$0xFFFFF8A0] =	vst v11;
	v14 =	vld.idx.msk [tilespmem:v29+s9+$0x0], $0xffff;
	v29 =	vadd.s32 s16, v7  }
0x3dd: {  	v24 =	vadd.s32 s5, v4;
	v18 =	vld.idx.msk [tilespmem:v34+s9+$0x0], $0xffff;
	[tilespmem:s1+$0xFFFFF930] =	vst v12  }
0x3de: {  	v35 =	vadd.s32 s25, v6;
	v16 =	vld.idx.msk [tilespmem:v31+s9+$0x0], $0xffff;
	[tilespmem:s1+$0xFFFFF9B0] =	vst v13  }
0x3df: {  	[tilespmem:s1+$0xFFFFFAB0] =	vst v9;
	v33 =	vld.idx.msk [tilespmem:v27+s9+$0x0], $0xffff;
	v27 =	vadd.s32 s0, v6  }
0x3e0: {  	v21 =	vadd.s32 s17, v6;
	v7 =	vld.idx.msk [tilespmem:v32+s9+$0x0], $0xffff;
	[tilespmem:s1+$0xFFFFFB30] =	vst v30  }
0x3e1: {  	[tilespmem:s1+$0xFFFFFFC0] =	vst v14;
	v14 =	vld.idx.msk [tilespmem:v29+s9+$0x0], $0xffff;
	v29 =	vadd.s32 s2, v6  }
0x3e2: {  	v32 =	vadd.s32 s7, v6;
	[tilespmem:s1+$0xFFFFFC30] =	vst v8;
	v10 =	vld.idx.msk [tilespmem:v24+s9+$0x0], $0xffff  }
0x3e3: {  	v22 =	vadd.s32 s30, v6;
	[tilespmem:s1+$0xFFFFFBA0] =	vst v18;
	v24 =	vld.idx.msk [tilespmem:v35+s9+$0x0], $0xffff  }
0x3e4: {  	v20 =	vadd.s32 s16, v6;
	[tilespmem:s1+$0xFFFFFDA0] =	vst v33;
	v33 =	vld.idx.msk [tilespmem:v27+s9+$0x0], $0xffff  }
0x3e5: {  	v34 =	vadd.s32 s5, v3;
	[tilespmem:s1+$0xFFFFFD30] =	vst v16;
	v27 =	vld.idx.msk [tilespmem:v21+s9+$0x0], $0xffff  }
0x3e6: {  	v23 =	vadd.s32 s25, v5;
	[tilespmem:s1+$0xFFFFF820] =	vst v7;
	v7 =	vld.idx.msk [tilespmem:v29+s9+$0x0], $0xffff  }
0x3e7: {  	[tilespmem:s1+$0xFFFFFEA0] =	vst v14;
	v11 =	vld.idx.msk [tilespmem:v32+s9+$0x0], $0xffff;
	v29 =	vadd.s32 s31, v5  }
0x3e8: {  	v21 =	vadd.s32 s3, v5;
	[tilespmem:s1+$0xFFFFFFD0] =	vst v10;
	v10 =	vld.idx.msk [tilespmem:v22+s9+$0x0], $0xffff  }
0x3e9: {  	[tilespmem:s1+$0xFFFFF8B0] =	vst v24;
	v22 =	vadd.s32 s22, v6;
	v25 =	vld.idx.msk [tilespmem:v20+s9+$0x0], $0xffff  }
0x3ea: {  	v24 =	vadd.s32 s26, v5;
	v15 =	vld.idx.msk [tilespmem:v34+s9+$0x0], $0xffff;
	[tilespmem:s1+$0xFFFFFBB0] =	vst v33  }
0x3eb: {  	v31 =	vadd.s32 s29, v5;
	v30 =	vld.idx.msk [tilespmem:v23+s9+$0x0], $0xffff;
	[tilespmem:s1+$0xFFFFFF30] =	vst v27  }
0x3ec: {  	v32 =	vadd.s32 s0, v5;
	[tilespmem:s1+$0xFFFFFCB0] =	vst v7;
	v20 =	vld.idx.msk [tilespmem:v29+s9+$0x0], $0xffff  }
0x3ed: {  	v34 =	vadd.s32 s15, v6;
	[tilespmem:s1+$0xFFFFFDB0] =	vst v11;
	v29 =	vld.idx.msk [tilespmem:v21+s9+$0x0], $0xffff  }
0x3ee: {  	v26 =	vadd.s32 s5, v2;
	[tilespmem:s1+$0xFFFFFA30] =	vst v10;
	v6 =	vld.idx.msk [tilespmem:v22+s9+$0x0], $0xffff  }
0x3ef: {  	v28 =	vadd.s32 s30, v5;
	v12 =	vld.idx.msk [tilespmem:v24+s9+$0x0], $0xffff;
	[tilespmem:s1+$0xFFFFFEB0] =	vst v25  }
0x3f0: {  	v23 =	vadd.s32 s7, v5;
	v22 =	vld.idx.msk [tilespmem:v31+s9+$0x0], $0xffff;
	[tilespmem:s1+$0xFFFFFFE0] =	vst v15  }
0x3f1: {  	v24 =	vld.idx.msk [tilespmem:v32+s9+$0x0], $0xffff;
	[tilespmem:s1+$0xFFFFF8C0] =	vst v30  }
0x3f2: {  	v32 =	vadd.s32 s25, v4;
	v14 =	vld.idx.msk [tilespmem:v34+s9+$0x0], $0xffff;
	[tilespmem:s1+$0xFFFFFAC0] =	vst v20  }
0x3f3: {  	v17 =	vld.idx.msk [tilespmem:v26+s9+$0x0], $0xffff;
	v26 =	vadd.s32 s28, v5;
	[tilespmem:s1+$0xFFFFFD40] =	vst v29  }
0x3f4: {  	v33 =	vadd.s32 s4, v5;
	v34 =	vld.idx.msk [tilespmem:v28+s9+$0x0], $0xffff;
	[tilespmem:s1+$0xFFFFF830] =	vst v6  }
0x3f5: {  	v25 =	vadd.s32 s15, v5;
	v31 =	vld.idx.msk [tilespmem:v23+s9+$0x0], $0xffff;
	[tilespmem:s1+$0xFFFFF940] =	vst v12  }
0x3f6: {  	v18 =	vadd.s32 s30, v4;
	[tilespmem:s1+$0xFFFFFB40] =	vst v22  }
0x3f7: {  	v35 =	vadd.s32 s5, v1;
	[tilespmem:s1+$0xFFFFFBC0] =	vst v24;
	v20 =	vld.idx.msk [tilespmem:v32+s9+$0x0], $0xffff  }
0x3f8: {  	v30 =	vadd.s32 s22, v5;
	[tilespmem:s1+$0xFFFFFE30] =	vst v14;
	v10 =	vld.idx.msk [tilespmem:v26+s9+$0x0], $0xffff  }
0x3f9: {  	v23 =	vadd.s32 s0, v4;
	[tilespmem:s1+$0xFFFFFA40] =	vst v34;
	v26 =	vld.idx.msk [tilespmem:v33+s9+$0x0], $0xffff  }
0x3fa: {  	v29 =	vadd.s32 s7, v4;
	[tilespmem:s1+$0xFFFFFDC0] =	vst v31;
	v33 =	vld.idx.msk [tilespmem:v25+s9+$0x0], $0xffff  }
0x3fb: {  	v34 =	vadd.s32 s26, v4;
	[tilespmem:s1+$0xFFFFFFF0] =	vst v17;
	v12 =	vld.idx.msk [tilespmem:v18+s9+$0x0], $0xffff  }
0x3fc: {  	v27 =	vadd.s32 s16, v5;
	v28 =	vadd.s32 s17, v5;
	v13 =	vld.idx.msk [tilespmem:v35+s9+$0x0], $0xffff;
	[tilespmem:s1+$0xFFFFF8D0] =	vst v20  }
0x3fd: {  	v21 =	vadd.s32 s29, v4;
	v35 =	vadd.s32 s2, v5;
	v5 =	vld.idx.msk [tilespmem:v30+s9+$0x0], $0xffff;
	[tilespmem:s1+$0xFFFFF9C0] =	vst v10  }
0x3fe: {  	v30 =	vld.idx.msk [tilespmem:v23+s9+$0x0], $0xffff;
	[tilespmem:s1+$0xFFFFFC40] =	vst v26  }
0x3ff: {  	v18 =	vld.idx.msk [tilespmem:v29+s9+$0x0], $0xffff;
	[tilespmem:s1+$0xFFFFFE40] =	vst v33  }
0x400: {  	v25 =	vadd.s32 s4, v4;
	v22 =	vld.idx.msk [tilespmem:v34+s9+$0x0], $0xffff;
	[tilespmem:s1+$0xFFFFFA50] =	vst v12  }
0x401: {  	v31 =	vadd.s32 s15, v4;
	v10 =	vld.idx.msk [tilespmem:v28+s9+$0x0], $0xffff;
	[tilespmem:s1+$0x0] =	vst v13  }
0x402: {  	v28 =	vld.idx.msk [tilespmem:v21+s9+$0x0], $0xffff;
	v21 =	vadd.s32 s30, v3;
	[tilespmem:s1+$0xFFFFF840] =	vst v5  }
0x403: {  	v9 =	vld.idx.msk [tilespmem:v35+s9+$0x0], $0xffff;
	v35 =	vadd.s32 s28, v4;
	[tilespmem:s1+$0xFFFFFBD0] =	vst v30  }
0x404: {  	v19 =	vadd.s32 s31, v4;
	v13 =	vld.idx.msk [tilespmem:v27+s9+$0x0], $0xffff;
	[tilespmem:s1+$0xFFFFFDD0] =	vst v18  }
0x405: {  	v27 =	vadd.s32 s3, v4;
	v32 =	vld.idx.msk [tilespmem:v25+s9+$0x0], $0xffff;
	[tilespmem:s1+$0xFFFFF950] =	vst v22  }
0x406: {  	v16 =	vadd.s32 s22, v4;
	v14 =	vld.idx.msk [tilespmem:v31+s9+$0x0], $0xffff;
	[tilespmem:s1+$0xFFFFFF40] =	vst v10  }
0x407: {  	v23 =	vadd.s32 s29, v3;
	[tilespmem:s1+$0xFFFFFB50] =	vst v28;
	v7 =	vld.idx.msk [tilespmem:v21+s9+$0x0], $0xffff  }
0x408: {  	v26 =	vadd.s32 s2, v4;
	[tilespmem:s1+$0xFFFFFCC0] =	vst v9;
	v24 =	vld.idx.msk [tilespmem:v35+s9+$0x0], $0xffff  }
0x409: {  	v33 =	vadd.s32 s16, v4;
	[tilespmem:s1+$0xFFFFFEC0] =	vst v13;
	v9 =	vld.idx.msk [tilespmem:v19+s9+$0x0], $0xffff  }
0x40a: {  	v25 =	vadd.s32 s4, v3;
	v10 =	vld.idx.msk [tilespmem:v27+s9+$0x0], $0xffff;
	[tilespmem:s1+$0xFFFFFC50] =	vst v32  }
0x40b: {  	v31 =	vadd.s32 s15, v3;
	v35 =	vadd.s32 s17, v4;
	v4 =	vld.idx.msk [tilespmem:v16+s9+$0x0], $0xffff;
	[tilespmem:s1+$0xFFFFFE50] =	vst v14  }
0x40c: {  	v28 =	vld.idx.msk [tilespmem:v23+s9+$0x0], $0xffff;
	[tilespmem:s1+$0xFFFFFA60] =	vst v7  }
0x40d: {  	v17 =	vadd.s32 s25, v3;
	v34 =	vld.idx.msk [tilespmem:v26+s9+$0x0], $0xffff;
	[tilespmem:s1+$0xFFFFF9D0] =	vst v24  }
0x40e: {  	v19 =	vadd.s32 s26, v3;
	v11 =	vld.idx.msk [tilespmem:v33+s9+$0x0], $0xffff;
	[tilespmem:s1+$0xFFFFFAD0] =	vst v9  }
0x40f: {  	v29 =	vadd.s32 s7, v3;
	v32 =	vld.idx.msk [tilespmem:v25+s9+$0x0], $0xffff;
	[tilespmem:s1+$0xFFFFFD50] =	vst v10  }
0x410: {  	v20 =	vadd.s32 s28, v3;
	v12 =	vld.idx.msk [tilespmem:v31+s9+$0x0], $0xffff;
	[tilespmem:s1+$0xFFFFF850] =	vst v4  }
0x411: {  	v22 =	vadd.s32 s31, v3;
	v13 =	vld.idx.msk [tilespmem:v35+s9+$0x0], $0xffff;
	[tilespmem:s1+$0xFFFFFB60] =	vst v28  }
0x412: {  	v27 =	vadd.s32 s3, v3;
	v9 =	vld.idx.msk [tilespmem:v17+s9+$0x0], $0xffff;
	[tilespmem:s1+$0xFFFFFCD0] =	vst v34  }
0x413: {  	v26 =	vadd.s32 s2, v3;
	v5 =	vld.idx.msk [tilespmem:v19+s9+$0x0], $0xffff;
	[tilespmem:s1+$0xFFFFFED0] =	vst v11  }
0x414: {  	v33 =	vadd.s32 s16, v3;
	v10 =	vld.idx.msk [tilespmem:v29+s9+$0x0], $0xffff;
	[tilespmem:s1+$0xFFFFFC60] =	vst v32  }
0x415: {  	v25 =	vadd.s32 s4, v2;
	v8 =	vld.idx.msk [tilespmem:v20+s9+$0x0], $0xffff;
	[tilespmem:s1+$0xFFFFFE60] =	vst v12  }
0x416: {  	v24 =	vadd.s32 s0, v3;
	v6 =	vld.idx.msk [tilespmem:v22+s9+$0x0], $0xffff;
	[tilespmem:s1+$0xFFFFFF50] =	vst v13  }
0x417: {  	v35 =	vadd.s32 s17, v3;
	v3 =	vadd.s32 s22, v3;
	v16 =	vld.idx.msk [tilespmem:v27+s9+$0x0], $0xffff;
	[tilespmem:s1+$0xFFFFF8E0] =	vst v9  }
0x418: {  	v21 =	vadd.s32 s30, v2;
	v34 =	vld.idx.msk [tilespmem:v26+s9+$0x0], $0xffff;
	[tilespmem:s1+$0xFFFFF960] =	vst v5  }
0x419: {  	v20 =	vld.idx.msk [tilespmem:v33+s9+$0x0], $0xffff;
	[tilespmem:s1+$0xFFFFFDE0] =	vst v10  }
0x41a: {  	v17 =	vadd.s32 s25, v2;
	v31 =	vld.idx.msk [tilespmem:v25+s9+$0x0], $0xffff;
	[tilespmem:s1+$0xFFFFF9E0] =	vst v8  }
0x41b: {  	v18 =	vadd.s32 s26, v2;
	v30 =	vld.idx.msk [tilespmem:v24+s9+$0x0], $0xffff;
	[tilespmem:s1+$0xFFFFFAE0] =	vst v6  }
0x41c: {  	v28 =	vadd.s32 s7, v2;
	v3 =	vld.idx.msk [tilespmem:v3+s9+$0x0], $0xffff;
	[tilespmem:s1+$0xFFFFFD60] =	vst v16  }
0x41d: {  	v19 =	vadd.s32 s28, v2;
	v5 =	vld.idx.msk [tilespmem:v21+s9+$0x0], $0xffff;
	[tilespmem:s1+$0xFFFFFCE0] =	vst v34  }
0x41e: {  	v22 =	vadd.s32 s31, v2;
	v11 =	vld.idx.msk [tilespmem:v35+s9+$0x0], $0xffff;
	[tilespmem:s1+$0xFFFFFEE0] =	vst v20  }
0x41f: {  	v27 =	vadd.s32 s3, v2;
	v6 =	vld.idx.msk [tilespmem:v17+s9+$0x0], $0xffff;
	[tilespmem:s1+$0xFFFFFC70] =	vst v31  }
0x420: {  	v26 =	vadd.s32 s2, v2;
	v4 =	vld.idx.msk [tilespmem:v18+s9+$0x0], $0xffff;
	[tilespmem:s1+$0xFFFFFBE0] =	vst v30  }
0x421: {  	v23 =	vadd.s32 s29, v2;
	v7 =	vld.idx.msk [tilespmem:v28+s9+$0x0], $0xffff;
	[tilespmem:s1+$0xFFFFF860] =	vst v3  }
0x422: {  	v32 =	vadd.s32 s16, v2;
	v9 =	vld.idx.msk [tilespmem:v19+s9+$0x0], $0xffff;
	[tilespmem:s1+$0xFFFFFA70] =	vst v5  }
0x423: {  	v24 =	vadd.s32 s0, v2;
	v8 =	vld.idx.msk [tilespmem:v22+s9+$0x0], $0xffff;
	[tilespmem:s1+$0xFFFFFF60] =	vst v11  }
0x424: {  	v34 =	vadd.s32 s17, v2;
	v35 =	vld.idx.msk [tilespmem:v27+s9+$0x0], $0xffff;
	[tilespmem:s1+$0xFFFFF8F0] =	vst v6  }
0x425: {  	v16 =	vadd.s32 s25, v1;
	v33 =	vld.idx.msk [tilespmem:v26+s9+$0x0], $0xffff;
	[tilespmem:s1+$0xFFFFF970] =	vst v4  }
0x426: {  	v19 =	vadd.s32 s30, v1;
	v3 =	vld.idx.msk [tilespmem:v23+s9+$0x0], $0xffff;
	[tilespmem:s1+$0xFFFFFDF0] =	vst v7  }
0x427: {  	v28 =	vadd.s32 s7, v1;
	v18 =	vld.idx.msk [tilespmem:v32+s9+$0x0], $0xffff;
	[tilespmem:s1+$0xFFFFF9F0] =	vst v9  }
0x428: {  	v17 =	vadd.s32 s28, v1;
	v29 =	vld.idx.msk [tilespmem:v24+s9+$0x0], $0xffff;
	[tilespmem:s1+$0xFFFFFAF0] =	vst v8  }
0x429: {  	v21 =	vadd.s32 s31, v1;
	v20 =	vld.idx.msk [tilespmem:v34+s9+$0x0], $0xffff;
	[tilespmem:s1+$0xFFFFFD70] =	vst v35  }
0x42a: {  	v30 =	vadd.s32 s15, v2;
	v2 =	vadd.s32 s22, v2;
	v22 =	vld.idx.msk [tilespmem:v16+s9+$0x0], $0xffff;
	[tilespmem:s1+$0xFFFFFCF0] =	vst v33  }
0x42b: {  	v4 =	vld.idx.msk [tilespmem:v19+s9+$0x0], $0xffff;
	[tilespmem:s1+$0xFFFFFB70] =	vst v3;
	v3 =	vadd.s32 s26, v1  }
0x42c: {  	v27 =	vadd.s32 s3, v1;
	v8 =	vld.idx.msk [tilespmem:v28+s9+$0x0], $0xffff;
	[tilespmem:s1+$0xFFFFFEF0] =	vst v18  }
0x42d: {  	v26 =	vadd.s32 s2, v1;
	v6 =	vld.idx.msk [tilespmem:v17+s9+$0x0], $0xffff;
	[tilespmem:s1+$0xFFFFFBF0] =	vst v29  }
0x42e: {  	v9 =	vld.idx.msk [tilespmem:v21+s9+$0x0], $0xffff;
	[tilespmem:s1+$0xFFFFFF70] =	vst v20  }
0x42f: {  	v23 =	vadd.s32 s29, v1;
	v2 =	vld.idx.msk [tilespmem:v2+s9+$0x0], $0xffff;
	[tilespmem:s1+$0xFFFFF900] =	vst v22  }
0x430: {  	v25 =	vadd.s32 s4, v1;
	[tilespmem:s1+$0xFFFFFA80] =	vst v4;
	v3 =	vld.idx.msk [tilespmem:v3+s9+$0x0], $0xffff  }
0x431: {  	v31 =	vadd.s32 s16, v1;
	v34 =	vld.idx.msk [tilespmem:v27+s9+$0x0], $0xffff;
	[tilespmem:s1+$0xFFFFFE00] =	vst v8  }
0x432: {  	v24 =	vadd.s32 s0, v1;
	v33 =	vadd.s32 s17, v1;
	v32 =	vld.idx.msk [tilespmem:v26+s9+$0x0], $0xffff;
	[tilespmem:s1+$0xFFFFFA00] =	vst v6  }
0x433: {  	v10 =	vld.idx.msk [tilespmem:v30+s9+$0x0], $0xffff;
	v30 =	vadd.s32 s15, v1;
	v1 =	vadd.s32 s22, v1;
	[tilespmem:s1+$0xFFFFFB00] =	vst v9  }
0x434: {  	[tilespmem:s1+$0xFFFFF870] =	vst v2;
	v2 =	vld.idx.msk [tilespmem:v23+s9+$0x0], $0xffff  }
0x435: {  	[tilespmem:s1+$0xFFFFF980] =	vst v3;
	v3 =	vld.idx.msk [tilespmem:v25+s9+$0x0], $0xffff  }
0x436: {  	v35 =	vld.idx.msk [tilespmem:v31+s9+$0x0], $0xffff;
	[tilespmem:s1+$0xFFFFFD80] =	vst v34  }
0x437: {  	v29 =	vld.idx.msk [tilespmem:v24+s9+$0x0], $0xffff;
	[tilespmem:s1+$0xFFFFFD00] =	vst v32  }
0x438: {  	[tilespmem:s1+$0xFFFFFE70] =	vst v10;
	v1 =	vld.idx.msk [tilespmem:v1+s9+$0x0], $0xffff  }
0x439: {  	[tilespmem:s1+$0xFFFFFB80] =	vst v2;
	v2 =	vld.idx.msk [tilespmem:v30+s9+$0x0], $0xffff  }
0x43a: {  	s21 =	sadd.s32 $0x1, s21;
	[tilespmem:s1+$0xFFFFFC80] =	vst v3;
	v3 =	vld.idx.msk [tilespmem:v33+s9+$0x0], $0xffff  }
0x43b: {  	p0 =	sne.s32 s21, $0x64;
	[tilespmem:s1+$0xFFFFFF00] =	vst v35  }
.Ltmp2:
0x43c: {  	[tilespmem:s1+$0xFFFFFC00] =	vst v29;
	(pc) =	sbr.rel @p0 .LBB2_3-.Ltmp2, $4  }
0x43d: {  	[tilespmem:s1+$0xFFFFF880] =	vst v1  }
0x43e: {  	s31 =	sshll.u32 s23, $0x11;
	[tilespmem:s1+$0xFFFFFE80] =	vst v2  }
0x43f: {  	s0 =	sadd.s32 s31, s20;
	[tilespmem:s1+$0xFFFFFF80] =	vst v3  }
0x440: {  	[hbm4b:s0+s11] =	stream.strided.scatter [tilespmem:s14], [sflag:$0x2], $0x2000, s12, s11, $0x38;
	[tilespmem:$0xBC80] =	vst v63  }
0x441: {  	s18 =	sadd.s32 $0x1, s18  }
0x442: {  	p0 =	sne.s32 s18, $0x4  }
.Ltmp3:
0x443: {  	_ = 	snop;
	(pc) =	sbr.rel @p0 .LBB2_2-.Ltmp3, $1  }
0x444: {  	_ =	sdelay $0x3  }
0x445: {  	s0 =	simm.s32 $0x1  }
0x446: {  	_ =	swait.ge [sflag:s0], $0x2000  }
0x447: {  	[sflag:s0] =	ssyncset.done $0x0  }
0x448: {  	s1 =	simm.s32 $0x2;
	[sflag:s0] =	ssyncadd.s32 $0xFFFFE000  }
0x449: {  	_ =	swait.ge [sflag:s1], $0x2000  }
0x44a: {  	s2 =	rddreg [dreg:$0x6]  }
0x44b: {  	s31 =	rddreg [dreg:$0x5];
	s2 =	sadd.s32 $0x1, s2  }
0x44c: {  	p0 =	sne.s32 s2, s31  }
.Ltmp4:
0x44d: {  	_ = 	snop;
	(pc) =	sbr.rel @p0 .LBB2_1-.Ltmp4, $3  }
0x44e: {  	_ =	sdelay $0x1  }
0x44f: {  	[sflag:s1] =	ssyncset.done $0x0  }
0x450: {  	[sflag:s1] =	ssyncadd.s32 $0xFFFFE000  }
0x451: {  	_ =	sfence.sel $0x180000  }
0x452: {  	[bflag:$0x0] =	sbarrier.arrive $0xFFFF  }
0x453: {  	_ =	strace $0x90000047  }
0x454: {  	s0 =	stileid.u32;
	[bflag:$0x2] =	sbarrier.arrive $0xFFFF  }
0x455: {  	p0 =	sne.s32 s0, $0x0;
	s0 =	rddreg [dreg:$0x2]  }
0x456: {  	s0 =	sadd.s32 @!p0 $0x100000, s0  }
0x457: {  	[sflag:s0] =	ssyncadd.tile.s32 @!p0 $0x1;
	_ =	shalt  }
.Lfunc_end2:
_tile_overlayer_lowered:
.L_overlay_start_2:
0x458: {  	(tag) =	ssettag $0x2  }
0x459: {  	s0 =	rddreg [dreg:$0x0];
	s2 =	stileid.u32  }
0x45a: {  	s1 =	rddreg [dreg:$0x1];
	p0 =	sne.s32 s2, $0x0  }
0x45b: {  	s3 =	rddreg [dreg:$0x2];
	[bflag:$0x3] =	sbarrier.arrive $0xFFFF;
	s2 =	simm.s32 @!p0 $0x1C03  }
0x45c: {  	[timem:s3], [sflag:s2] =	dma.local @!p0 [hbm:s0], s1  }
0x45d: {  	s0 =	simm.s32 @!p0 $0x3  }
0x45e: {  	_ =	swait.ge @!p0 [sflag:s0], s1  }
0x45f: {  	s1 =	ssub.s32 @!p0 $0x0, s1;
	[sflag:s0] =	ssyncset.done @!p0 $0x0  }
0x460: {  	[sflag:s0] =	ssyncadd.s32 @!p0 s1  }
0x461: {  	[bflag:$0x3] =	sbarrier.arrive $0xFFFF  }
0x462: {  	_ =	shalt  }

</sc_bundles>
